<compile_context>
chip_gen: v7x
topology: tpu7x:2x2x1
jax: 0.10.2.dev20260603
libtpu: 0.0.44.dev20260713+nightly
codegen_flags: <defaults>
</compile_context>

<pallas_src>
import functools

import jax
import jax.numpy as jnp
from jax import lax
from jax.experimental import pallas as pl
from jax.experimental.pallas import tpu as pltpu
from jax.experimental.pallas import tpu_sc as plsc

B, S, HID, MAXP = 4, 4096, 1024, 4096
EPS = 1e-12
N = B * S

LANES = 16
VPR = HID // LANES
CH = 16
NC, NS = 2, 16
NW = NC * NS
ROWS_PER_W = N // NW
NCHUNKS = ROWS_PER_W // CH
NBUF = 2
NACC = 4
STATS_OFF = CH * 2 * LANES


def _rsqrt(y):
    i = lax.bitcast_convert_type(y, jnp.int32)
    i = jnp.int32(0x5F3759DF) - lax.shift_right_arithmetic(i, 1)
    r = lax.bitcast_convert_type(i, jnp.float32)
    half = 0.5 * y
    for _ in range(3):
        r = r * (1.5 - half * r * r)
    return r


def _emb_ln_body(x_hbm, ids_hbm, tab_hbm, g_hbm, b_hbm, out_hbm,
                 idxall_v, x0, x1, t0, t1, o0, o1, g_v, b_v, stage_v,
                 sg0, sg1, sx0, sx1, so0, so1):
    x_v = [x0, x1]
    t_v = [t0, t1]
    o_v = [o0, o1]
    sem_g = [sg0, sg1]
    sem_x = [sx0, sx1]
    sem_o = [so0, so1]

    wid = lax.axis_index("s") * NC + lax.axis_index("c")
    base_row = wid * ROWS_PER_W

    pltpu.sync_copy(g_hbm, g_v)
    pltpu.sync_copy(b_hbm, b_v)
    pltpu.sync_copy(ids_hbm.at[pl.ds(base_row, ROWS_PER_W)], idxall_v)

    zeros = jnp.zeros((LANES,), jnp.float32)

    def start_loads(c, bslot):
        row0 = base_row + c * CH
        pltpu.async_copy(tab_hbm.at[idxall_v.at[pl.ds(c * CH, CH)]],
                         t_v[bslot], sem_g[bslot])
        pltpu.async_copy(x_hbm.at[pl.ds(row0, CH)], x_v[bslot], sem_x[bslot])

    lane_iota = jnp.arange(LANES, dtype=jnp.int32)
    col_base = lane_iota * (2 * LANES)

    def pass1(bslot):
        xb, tb, ob = x_v[bslot], t_v[bslot], o_v[bslot]

        def row_stats(r, _):
            def acc(j, carry):
                accs = list(carry)
                for k in range(NACC):
                    sl = pl.ds((j + k) * LANES, LANES)
                    v = xb[r, sl] + tb[r, sl]
                    ob[r, sl] = v
                    accs[k] = accs[k] + v
                    accs[NACC + k] = accs[NACC + k] + v * v
                return tuple(accs)

            accs = plsc.parallel_loop(
                0, VPR, step=NACC, unroll=2,
                carry=(zeros,) * (2 * NACC))(acc)
            s = (accs[0] + accs[1]) + (accs[2] + accs[3])
            q = (accs[4] + accs[5]) + (accs[6] + accs[7])
            stage_v[pl.ds(r * 2 * LANES, LANES)] = s
            stage_v[pl.ds(r * 2 * LANES + LANES, LANES)] = q
            return 0

        lax.fori_loop(0, CH, row_stats, 0)

    def pass2(bslot):
        ob = o_v[bslot]

        srow = zeros
        qrow = zeros
        for l in range(LANES):
            srow = srow + plsc.load_gather(stage_v, [col_base + l])
            qrow = qrow + plsc.load_gather(stage_v, [col_base + LANES + l])
        mean_v = srow * (1.0 / HID)
        var_v = qrow * (1.0 / HID) - mean_v * mean_v
        rstd_v = _rsqrt(var_v + EPS)
        stage_v[pl.ds(STATS_OFF, LANES)] = mean_v
        stage_v[pl.ds(STATS_OFF + LANES, LANES)] = rstd_v

        bm = []
        br = []
        for r in range(CH):
            splat = jnp.full((LANES,), r, dtype=jnp.int32)
            bm.append(plsc.load_gather(stage_v, [STATS_OFF + splat]))
            br.append(plsc.load_gather(stage_v, [STATS_OFF + LANES + splat]))

        def col(j):
            sl = pl.ds(j * LANES, LANES)
            g = g_v[sl]
            b = b_v[sl]
            for r in range(CH):
                v = ob[r, sl]
                ob[r, sl] = (v - bm[r]) * br[r] * g + b

        plsc.parallel_loop(0, VPR, step=1, unroll=1)(col)

    for b in range(NBUF):
        start_loads(b, b)

    def body(c0, _):
        for b in range(NBUF):
            c = c0 + b
            row0 = base_row + c * CH
            pltpu.make_async_copy(
                tab_hbm.at[idxall_v.at[pl.ds(c * CH, CH)]], t_v[b],
                sem_g[b]).wait()
            pltpu.make_async_copy(x_hbm.at[pl.ds(row0, CH)], x_v[b],
                                  sem_x[b]).wait()

            @pl.when(c >= NBUF)
            def _():
                prev0 = base_row + (c - NBUF) * CH
                pltpu.make_async_copy(o_v[b], out_hbm.at[pl.ds(prev0, CH)],
                                      sem_o[b]).wait()

            pass1(b)

            @pl.when(c + NBUF < NCHUNKS)
            def _():
                start_loads(c + NBUF, b)

            pass2(b)
            pltpu.async_copy(o_v[b], out_hbm.at[pl.ds(row0, CH)], sem_o[b])

        return 0

    lax.fori_loop(0, NCHUNKS // NBUF, lambda i, _: body(i * NBUF, _), 0)

    for b in range(NBUF):
        c = NCHUNKS - NBUF + b
        row0 = base_row + c * CH
        pltpu.make_async_copy(o_v[b], out_hbm.at[pl.ds(row0, CH)],
                              sem_o[b]).wait()


@jax.jit
def _emb_ln(x, ids, tab, gamma, beta):
    mesh = plsc.VectorSubcoreMesh(core_axis_name="c", subcore_axis_name="s")
    return pl.kernel(
        _emb_ln_body,
        out_type=jax.ShapeDtypeStruct((N, HID), jnp.float32),
        mesh=mesh,
        compiler_params=pltpu.CompilerParams(needs_layout_passes=False),
        scratch_types=[
            pltpu.VMEM((ROWS_PER_W,), jnp.int32),
            pltpu.VMEM((CH, HID), jnp.float32),
            pltpu.VMEM((CH, HID), jnp.float32),
            pltpu.VMEM((CH, HID), jnp.float32),
            pltpu.VMEM((CH, HID), jnp.float32),
            pltpu.VMEM((CH, HID), jnp.float32),
            pltpu.VMEM((CH, HID), jnp.float32),
            pltpu.VMEM((HID,), jnp.float32),
            pltpu.VMEM((HID,), jnp.float32),
            pltpu.VMEM(((CH * 2 + 2) * LANES,), jnp.float32),
            pltpu.SemaphoreType.DMA,
            pltpu.SemaphoreType.DMA,
            pltpu.SemaphoreType.DMA,
            pltpu.SemaphoreType.DMA,
            pltpu.SemaphoreType.DMA,
            pltpu.SemaphoreType.DMA,
        ],
    )(x, ids, tab, gamma, beta)


def kernel(input_embeds, position_ids, pos_table, gamma, beta):
    x = input_embeds.reshape(N, HID)
    ids = position_ids.reshape(N)
    out = _emb_ln(x, ids, pos_table, gamma, beta)
    return out.reshape(B, S, HID)

# --- scband reference (transcript-rebuilt; emitter-appended) ---
"""Pipeline reference for scband-bert-embeddings-6777458393551 (READ-ONLY COPY).

The authoritative reference and input builder live on the scoring server;
editing this copy changes nothing except your own understanding.
"""

import jax, jax.numpy as jnp
import numpy as np

B, S, HID, MAXP = 4, 4096, 1024, 4096
EPS = 1e-12

def setup_inputs(seed: int = 0) -> dict:
    key = jax.random.key(seed)
    k1, k2, k3 = jax.random.split(key, 3)
    input_embeds = jax.random.normal(k1, (B, S, HID), dtype=jnp.float32)
    position_ids = jax.random.randint(k2, (B, S), 0, MAXP, dtype=jnp.int32)
    pos_table = jax.random.normal(k3, (MAXP, HID), dtype=jnp.float32) * 0.02
    gamma = jnp.ones((HID,), dtype=jnp.float32)
    beta = jnp.zeros((HID,), dtype=jnp.float32)
    return {"input_embeds": input_embeds, "position_ids": position_ids,
            "pos_table": pos_table, "gamma": gamma, "beta": beta}

def reference(input_embeds, position_ids, pos_table, gamma, beta):
    # absolute position embedding lookup (SparseCore gather)
    pos_emb = jnp.take(pos_table, position_ids, axis=0)  # [B, S, HID]
    emb = input_embeds + pos_emb
    # LayerNorm (eps=1e-12, biased variance to match torch)
    mean = jnp.mean(emb, axis=-1, keepdims=True)
    var = jnp.var(emb, axis=-1, keepdims=True)
    normed = (emb - mean) / jnp.sqrt(var + EPS)
    out = normed * gamma + beta
    # dropout p=0.0 -> identity
    return out

if __name__ == "__main__":
    import jax
    _d = setup_inputs()
    print(jax.jit(kernel)(*tuple(_d.values())))

</pallas_src>

<mosaic_0001>
#map = affine_map<(d0, d1) -> (0, 0)>
#map1 = affine_map<(d0, d1) -> (0)>
module attributes {stable_mosaic.version = 14 : i64} {
  func.func @_emb_ln_body(%arg0: i32, %arg1: i32, %arg2: memref<16384x1024xf32, #tpu.memory_space<hbm>>, %arg3: memref<16384xi32, #tpu.memory_space<hbm>>, %arg4: memref<4096x1024xf32, #tpu.memory_space<hbm>>, %arg5: memref<1024xf32, #tpu.memory_space<hbm>>, %arg6: memref<1024xf32, #tpu.memory_space<hbm>>, %arg7: memref<16384x1024xf32, #tpu.memory_space<hbm>>, %arg8: memref<512xi32, #tpu.memory_space<vmem>>, %arg9: memref<16x1024xf32, #tpu.memory_space<vmem>>, %arg10: memref<16x1024xf32, #tpu.memory_space<vmem>>, %arg11: memref<16x1024xf32, #tpu.memory_space<vmem>>, %arg12: memref<16x1024xf32, #tpu.memory_space<vmem>>, %arg13: memref<16x1024xf32, #tpu.memory_space<vmem>>, %arg14: memref<16x1024xf32, #tpu.memory_space<vmem>>, %arg15: memref<1024xf32, #tpu.memory_space<vmem>>, %arg16: memref<1024xf32, #tpu.memory_space<vmem>>, %arg17: memref<544xf32, #tpu.memory_space<vmem>>, %arg18: memref<!tpu.dma_semaphore, #tpu.memory_space<semaphore_mem>>, %arg19: memref<!tpu.dma_semaphore, #tpu.memory_space<semaphore_mem>>, %arg20: memref<!tpu.dma_semaphore, #tpu.memory_space<semaphore_mem>>, %arg21: memref<!tpu.dma_semaphore, #tpu.memory_space<semaphore_mem>>, %arg22: memref<!tpu.dma_semaphore, #tpu.memory_space<semaphore_mem>>, %arg23: memref<!tpu.dma_semaphore, #tpu.memory_space<semaphore_mem>>) attributes {dimension_semantics = [#tpu.dimension_semantics<core_parallel>, #tpu.dimension_semantics<subcore_parallel>], iteration_bounds = array<i64: 2, 16>, scalar_prefetch = 0 : i64, scratch_operands = 16 : i64, tpu.core_type = #tpu.core_type<sc_vector_subcore>, window_params = [{transform_indices = #map}, {transform_indices = #map1}, {transform_indices = #map}, {transform_indices = #map1}, {transform_indices = #map1}, {transform_indices = #map}]} {
    %mul3A = arith.constant 2 : i32
    %mul3A_0 = arith.muli %arg1, %mul3A : i32
    %add3A = arith.addi %mul3A_0, %arg0 : i32
    %mul3A_1 = arith.constant 512 : i32
    %mul3A_2 = arith.muli %add3A, %mul3A_1 : i32
    "tpu.region"() ({
      %run_scoped3A = tpu.sem_alloc : memref<!tpu.dma_semaphore, #tpu.memory_space<semaphore_mem>>
      tpu.enqueue_dma source(%arg5 : memref<1024xf32, #tpu.memory_space<hbm>>) target(%arg15 : memref<1024xf32, #tpu.memory_space<vmem>>) target_semaphore(%run_scoped3A : memref<!tpu.dma_semaphore, #tpu.memory_space<semaphore_mem>>)
      tpu.wait_dma2 semaphore(%run_scoped3A : memref<!tpu.dma_semaphore, #tpu.memory_space<semaphore_mem>>) src(%arg5 : memref<1024xf32, #tpu.memory_space<hbm>>) dst(%arg15 : memref<1024xf32, #tpu.memory_space<vmem>>)
      tpu.yield
    }) : () -> ()
    "tpu.region"() ({
      %run_scoped3A = tpu.sem_alloc : memref<!tpu.dma_semaphore, #tpu.memory_space<semaphore_mem>>
      tpu.enqueue_dma source(%arg6 : memref<1024xf32, #tpu.memory_space<hbm>>) target(%arg16 : memref<1024xf32, #tpu.memory_space<vmem>>) target_semaphore(%run_scoped3A : memref<!tpu.dma_semaphore, #tpu.memory_space<semaphore_mem>>)
      tpu.wait_dma2 semaphore(%run_scoped3A : memref<!tpu.dma_semaphore, #tpu.memory_space<semaphore_mem>>) src(%arg6 : memref<1024xf32, #tpu.memory_space<hbm>>) dst(%arg16 : memref<1024xf32, #tpu.memory_space<vmem>>)
      tpu.yield
    }) : () -> ()
    "tpu.region"() ({
      %run_scoped3A = tpu.sem_alloc : memref<!tpu.dma_semaphore, #tpu.memory_space<semaphore_mem>>
      %dma_start3A_45 = tpu.memref_slice %arg3[%mul3A_2] : memref<16384xi32, #tpu.memory_space<hbm>> -> memref<512xi32, #tpu.memory_space<hbm>>
      %dma_start3A_46 = tpu.memref_slice %arg3[%mul3A_2] : memref<16384xi32, #tpu.memory_space<hbm>> -> memref<512xi32, #tpu.memory_space<hbm>>
      tpu.enqueue_dma source(%dma_start3A_46 : memref<512xi32, #tpu.memory_space<hbm>>) target(%arg8 : memref<512xi32, #tpu.memory_space<vmem>>) target_semaphore(%run_scoped3A : memref<!tpu.dma_semaphore, #tpu.memory_space<semaphore_mem>>)
      %dma_wait3A_47 = tpu.memref_slice %arg3[%mul3A_2] : memref<16384xi32, #tpu.memory_space<hbm>> -> memref<512xi32, #tpu.memory_space<hbm>>
      %dma_wait3A_48 = tpu.memref_slice %arg3[%mul3A_2] : memref<16384xi32, #tpu.memory_space<hbm>> -> memref<512xi32, #tpu.memory_space<hbm>>
      tpu.wait_dma2 semaphore(%run_scoped3A : memref<!tpu.dma_semaphore, #tpu.memory_space<semaphore_mem>>) src(%dma_wait3A_48 : memref<512xi32, #tpu.memory_space<hbm>>) dst(%arg8 : memref<512xi32, #tpu.memory_space<vmem>>)
      tpu.yield
    }) : () -> ()
    %broadcast_in_dim3A = arith.constant 0.000000e+00 : f32
    %broadcast_in_dim3A_3 = vector.broadcast %broadcast_in_dim3A : f32 to vector<16xf32>
    %iota3A = tpu.iota {dimensions = array<i32: 0>} : vector<16xi32>
    %mul3A_4 = arith.constant 32 : i32
    %mul3A_5 = vector.broadcast %mul3A_4 : i32 to vector<16xi32>
    %mul3A_6 = arith.muli %iota3A, %mul3A_5 : vector<16xi32>
    %add3A_7 = arith.constant 0 : i32
    %add3A_8 = arith.addi %mul3A_2, %add3A_7 : i32
    %dma_start3A = arith.constant 0 : i32
    %dma_start3A_9 = tpu.memref_slice %arg8[%dma_start3A] : memref<512xi32, #tpu.memory_space<vmem>> -> memref<16xi32, #tpu.memory_space<vmem>>
    %dma_start3A_10 = arith.constant 0 : i32
    %dma_start3A_11 = arith.constant 0 : i32
    %dma_start3A_12 = tpu.memref_slice %arg4[%dma_start3A_10, %dma_start3A_11] : memref<4096x1024xf32, #tpu.memory_space<hbm>> -> memref<4096x1024xf32, #tpu.memory_space<hbm>>
    tpu.enqueue_indirect_dma source(%dma_start3A_12 : memref<4096x1024xf32, #tpu.memory_space<hbm>>) target(%arg11 : memref<16x1024xf32, #tpu.memory_space<vmem>>) offsets(%dma_start3A_9 : memref<16xi32, #tpu.memory_space<vmem>>) semaphore(%arg18 : memref<!tpu.dma_semaphore, #tpu.memory_space<semaphore_mem>>)
    %dma_start3A_13 = arith.constant 0 : i32
    %dma_start3A_14 = tpu.memref_slice %arg2[%add3A_8, %dma_start3A_13] : memref<16384x1024xf32, #tpu.memory_space<hbm>> -> memref<16x1024xf32, #tpu.memory_space<hbm>>
    %dma_start3A_15 = arith.constant 0 : i32
    %dma_start3A_16 = tpu.memref_slice %arg2[%add3A_8, %dma_start3A_15] : memref<16384x1024xf32, #tpu.memory_space<hbm>> -> memref<16x1024xf32, #tpu.memory_space<hbm>>
    tpu.enqueue_dma source(%dma_start3A_16 : memref<16x1024xf32, #tpu.memory_space<hbm>>) target(%arg9 : memref<16x1024xf32, #tpu.memory_space<vmem>>) target_semaphore(%arg20 : memref<!tpu.dma_semaphore, #tpu.memory_space<semaphore_mem>>)
    %add3A_17 = arith.constant 16 : i32
    %add3A_18 = arith.addi %mul3A_2, %add3A_17 : i32
    %dma_start3A_19 = arith.constant 16 : i32
    %dma_start3A_20 = tpu.memref_slice %arg8[%dma_start3A_19] : memref<512xi32, #tpu.memory_space<vmem>> -> memref<16xi32, #tpu.memory_space<vmem>>
    %dma_start3A_21 = arith.constant 0 : i32
    %dma_start3A_22 = arith.constant 0 : i32
    %dma_start3A_23 = tpu.memref_slice %arg4[%dma_start3A_21, %dma_start3A_22] : memref<4096x1024xf32, #tpu.memory_space<hbm>> -> memref<4096x1024xf32, #tpu.memory_space<hbm>>
    tpu.enqueue_indirect_dma source(%dma_start3A_23 : memref<4096x1024xf32, #tpu.memory_space<hbm>>) target(%arg12 : memref<16x1024xf32, #tpu.memory_space<vmem>>) offsets(%dma_start3A_20 : memref<16xi32, #tpu.memory_space<vmem>>) semaphore(%arg19 : memref<!tpu.dma_semaphore, #tpu.memory_space<semaphore_mem>>)
    %dma_start3A_24 = arith.constant 0 : i32
    %dma_start3A_25 = tpu.memref_slice %arg2[%add3A_18, %dma_start3A_24] : memref<16384x1024xf32, #tpu.memory_space<hbm>> -> memref<16x1024xf32, #tpu.memory_space<hbm>>
    %dma_start3A_26 = arith.constant 0 : i32
    %dma_start3A_27 = tpu.memref_slice %arg2[%add3A_18, %dma_start3A_26] : memref<16384x1024xf32, #tpu.memory_space<hbm>> -> memref<16x1024xf32, #tpu.memory_space<hbm>>
    tpu.enqueue_dma source(%dma_start3A_27 : memref<16x1024xf32, #tpu.memory_space<hbm>>) target(%arg10 : memref<16x1024xf32, #tpu.memory_space<vmem>>) target_semaphore(%arg21 : memref<!tpu.dma_semaphore, #tpu.memory_space<semaphore_mem>>)
    %scan3A = arith.constant 0 : i32
    %scan3A_28 = arith.constant 0 : i32
    %scan3A_29 = arith.constant 16 : i32
    %scan3A_30 = arith.addi %scan3A_28, %scan3A_29 : i32
    %scan3A_31 = arith.constant 1 : i32
    %scan3A_32 = scf.for %scan3A_45 = %scan3A_28 to %scan3A_30 step %scan3A_31 iter_args(%scan3A_46 = %scan3A) -> (i32)  : i32 {
      %mul3A_47 = arith.constant 2 : i32
      %mul3A_48 = arith.muli %scan3A_45, %mul3A_47 : i32
      %add3A_49 = arith.constant 0 : i32
      %add3A_50 = arith.addi %mul3A_48, %add3A_49 : i32
      %mul3A_51 = arith.constant 16 : i32
      %mul3A_52 = arith.muli %add3A_50, %mul3A_51 : i32
      %add3A_53 = arith.addi %mul3A_2, %mul3A_52 : i32
      %mul3A_54 = arith.constant 16 : i32
      %mul3A_55 = arith.muli %add3A_50, %mul3A_54 : i32
      %dma_wait3A_56 = tpu.memref_slice %arg8[%mul3A_55] : memref<512xi32, #tpu.memory_space<vmem>> -> memref<16xi32, #tpu.memory_space<vmem>>
      %dma_wait3A_57 = arith.constant 0 : i32
      %dma_wait3A_58 = arith.constant 0 : i32
      %dma_wait3A_59 = tpu.memref_slice %arg4[%dma_wait3A_57, %dma_wait3A_58] : memref<4096x1024xf32, #tpu.memory_space<hbm>> -> memref<4096x1024xf32, #tpu.memory_space<hbm>>
      tpu.wait_indirect_dma semaphore(%arg18 : memref<!tpu.dma_semaphore, #tpu.memory_space<semaphore_mem>>) src(%dma_wait3A_59 : memref<4096x1024xf32, #tpu.memory_space<hbm>>) dst(%arg11 : memref<16x1024xf32, #tpu.memory_space<vmem>>)
      %dma_wait3A_60 = arith.constant 0 : i32
      %dma_wait3A_61 = tpu.memref_slice %arg2[%add3A_53, %dma_wait3A_60] : memref<16384x1024xf32, #tpu.memory_space<hbm>> -> memref<16x1024xf32, #tpu.memory_space<hbm>>
      %dma_wait3A_62 = arith.constant 0 : i32
      %dma_wait3A_63 = tpu.memref_slice %arg2[%add3A_53, %dma_wait3A_62] : memref<16384x1024xf32, #tpu.memory_space<hbm>> -> memref<16x1024xf32, #tpu.memory_space<hbm>>
      tpu.wait_dma2 semaphore(%arg20 : memref<!tpu.dma_semaphore, #tpu.memory_space<semaphore_mem>>) src(%dma_wait3A_63 : memref<16x1024xf32, #tpu.memory_space<hbm>>) dst(%arg9 : memref<16x1024xf32, #tpu.memory_space<vmem>>)
      %ge3A = arith.constant 2 : i32
      %ge3A_64 = arith.cmpi sge, %add3A_50, %ge3A : i32
      %convert_element_type3A = arith.extui %ge3A_64 : i1 to i32
      %cond3A = arith.constant 0 : i32
      %cond3A_65 = arith.cmpi ne, %convert_element_type3A, %cond3A : i32
      scf.if %cond3A_65 {
        %sub3A_946 = arith.constant 2 : i32
        %sub3A_947 = arith.subi %add3A_50, %sub3A_946 : i32
        %mul3A_948 = arith.constant 16 : i32
        %mul3A_949 = arith.muli %sub3A_947, %mul3A_948 : i32
        %add3A_950 = arith.addi %mul3A_2, %mul3A_949 : i32
        %dma_wait3A_951 = arith.constant 0 : i32
        %dma_wait3A_952 = tpu.memref_slice %arg7[%add3A_950, %dma_wait3A_951] : memref<16384x1024xf32, #tpu.memory_space<hbm>> -> memref<16x1024xf32, #tpu.memory_space<hbm>>
        %dma_wait3A_953 = arith.constant 0 : i32
        %dma_wait3A_954 = tpu.memref_slice %arg7[%add3A_950, %dma_wait3A_953] : memref<16384x1024xf32, #tpu.memory_space<hbm>> -> memref<16x1024xf32, #tpu.memory_space<hbm>>
        tpu.wait_dma2 semaphore(%arg22 : memref<!tpu.dma_semaphore, #tpu.memory_space<semaphore_mem>>) src(%arg13 : memref<16x1024xf32, #tpu.memory_space<vmem>>) dst(%dma_wait3A_954 : memref<16x1024xf32, #tpu.memory_space<hbm>>)
      } else {
      }
      %scan3A_66 = arith.constant 0 : i32
      %scan3A_67 = arith.constant 0 : i32
      %scan3A_68 = arith.constant 16 : i32
      %scan3A_69 = arith.addi %scan3A_67, %scan3A_68 : i32
      %scan3A_70 = arith.constant 1 : i32
      %scan3A_71 = scf.for %scan3A_946 = %scan3A_67 to %scan3A_69 step %scan3A_70 iter_args(%scan3A_947 = %scan3A_66) -> (i32)  : i32 {
        %parallel_loop3A_948 = arith.constant 0 : i32
        %parallel_loop3A_949 = arith.constant 64 : i32
        %parallel_loop3A_950 = arith.constant 4 : i32
        %parallel_loop3A_951:8 = scf.for %parallel_loop3A_973 = %parallel_loop3A_948 to %parallel_loop3A_949 step %parallel_loop3A_950 iter_args(%parallel_loop3A_974 = %broadcast_in_dim3A_3, %parallel_loop3A_975 = %broadcast_in_dim3A_3, %parallel_loop3A_976 = %broadcast_in_dim3A_3, %parallel_loop3A_977 = %broadcast_in_dim3A_3, %parallel_loop3A_978 = %broadcast_in_dim3A_3, %parallel_loop3A_979 = %broadcast_in_dim3A_3, %parallel_loop3A_980 = %broadcast_in_dim3A_3, %parallel_loop3A_981 = %broadcast_in_dim3A_3) -> (vector<16xf32>, vector<16xf32>, vector<16xf32>, vector<16xf32>, vector<16xf32>, vector<16xf32>, vector<16xf32>, vector<16xf32>)  : i32 {
          %parallel_loop3A_982 = arith.constant 0 : i32
          %parallel_loop3A_983 = arith.addi %parallel_loop3A_973, %parallel_loop3A_982 : i32
          %parallel_loop3A_984 = arith.constant 16 : i32
          %parallel_loop3A_985 = arith.muli %parallel_loop3A_983, %parallel_loop3A_984 : i32
          %parallel_loop3A_986 = arith.index_cast %scan3A_946 : i32 to index
          %parallel_loop3A_987 = arith.index_cast %parallel_loop3A_985 : i32 to index
          %parallel_loop3A_988 = tpu.vector_load %arg9[%parallel_loop3A_986, %parallel_loop3A_987] {strides = array<i32>} : memref<16x1024xf32, #tpu.memory_space<vmem>>, vector<16xf32>,
          %parallel_loop3A_989 = arith.index_cast %scan3A_946 : i32 to index
          %parallel_loop3A_990 = arith.index_cast %parallel_loop3A_985 : i32 to index
          %parallel_loop3A_991 = tpu.vector_load %arg11[%parallel_loop3A_989, %parallel_loop3A_990] {strides = array<i32>} : memref<16x1024xf32, #tpu.memory_space<vmem>>, vector<16xf32>,
          %parallel_loop3A_992 = arith.addf %parallel_loop3A_988, %parallel_loop3A_991 : vector<16xf32>
          %parallel_loop3A_993 = arith.index_cast %scan3A_946 : i32 to index
          %parallel_loop3A_994 = arith.index_cast %parallel_loop3A_985 : i32 to index
          %parallel_loop3A_995 = tpu.vector_load %arg13[%parallel_loop3A_993, %parallel_loop3A_994] {strides = array<i32>} : memref<16x1024xf32, #tpu.memory_space<vmem>>, vector<16xf32>,
          tpu.vector_store %arg13[%parallel_loop3A_993, %parallel_loop3A_994], %parallel_loop3A_992 {strides = array<i32>} : memref<16x1024xf32, #tpu.memory_space<vmem>>, vector<16xf32>,
          %parallel_loop3A_996 = arith.addf %parallel_loop3A_974, %parallel_loop3A_992 : vector<16xf32>
          %parallel_loop3A_997 = arith.mulf %parallel_loop3A_992, %parallel_loop3A_992 : vector<16xf32>
          %parallel_loop3A_998 = arith.addf %parallel_loop3A_978, %parallel_loop3A_997 : vector<16xf32>
          %parallel_loop3A_999 = arith.constant 1 : i32
          %parallel_loop3A_1000 = arith.addi %parallel_loop3A_973, %parallel_loop3A_999 : i32
          %parallel_loop3A_1001 = arith.constant 16 : i32
          %parallel_loop3A_1002 = arith.muli %parallel_loop3A_1000, %parallel_loop3A_1001 : i32
          %parallel_loop3A_1003 = arith.index_cast %scan3A_946 : i32 to index
          %parallel_loop3A_1004 = arith.index_cast %parallel_loop3A_1002 : i32 to index
          %parallel_loop3A_1005 = tpu.vector_load %arg9[%parallel_loop3A_1003, %parallel_loop3A_1004] {strides = array<i32>} : memref<16x1024xf32, #tpu.memory_space<vmem>>, vector<16xf32>,
          %parallel_loop3A_1006 = arith.index_cast %scan3A_946 : i32 to index
          %parallel_loop3A_1007 = arith.index_cast %parallel_loop3A_1002 : i32 to index
          %parallel_loop3A_1008 = tpu.vector_load %arg11[%parallel_loop3A_1006, %parallel_loop3A_1007] {strides = array<i32>} : memref<16x1024xf32, #tpu.memory_space<vmem>>, vector<16xf32>,
          %parallel_loop3A_1009 = arith.addf %parallel_loop3A_1005, %parallel_loop3A_1008 : vector<16xf32>
          %parallel_loop3A_1010 = arith.index_cast %scan3A_946 : i32 to index
          %parallel_loop3A_1011 = arith.index_cast %parallel_loop3A_1002 : i32 to index
          %parallel_loop3A_1012 = tpu.vector_load %arg13[%parallel_loop3A_1010, %parallel_loop3A_1011] {strides = array<i32>} : memref<16x1024xf32, #tpu.memory_space<vmem>>, vector<16xf32>,
          tpu.vector_store %arg13[%parallel_loop3A_1010, %parallel_loop3A_1011], %parallel_loop3A_1009 {strides = array<i32>} : memref<16x1024xf32, #tpu.memory_space<vmem>>, vector<16xf32>,
          %parallel_loop3A_1013 = arith.addf %parallel_loop3A_975, %parallel_loop3A_1009 : vector<16xf32>
          %parallel_loop3A_1014 = arith.mulf %parallel_loop3A_1009, %parallel_loop3A_1009 : vector<16xf32>
          %parallel_loop3A_1015 = arith.addf %parallel_loop3A_979, %parallel_loop3A_1014 : vector<16xf32>
          %parallel_loop3A_1016 = arith.constant 2 : i32
          %parallel_loop3A_1017 = arith.addi %parallel_loop3A_973, %parallel_loop3A_1016 : i32
          %parallel_loop3A_1018 = arith.constant 16 : i32
          %parallel_loop3A_1019 = arith.muli %parallel_loop3A_1017, %parallel_loop3A_1018 : i32
          %parallel_loop3A_1020 = arith.index_cast %scan3A_946 : i32 to index
          %parallel_loop3A_1021 = arith.index_cast %parallel_loop3A_1019 : i32 to index
          %parallel_loop3A_1022 = tpu.vector_load %arg9[%parallel_loop3A_1020, %parallel_loop3A_1021] {strides = array<i32>} : memref<16x1024xf32, #tpu.memory_space<vmem>>, vector<16xf32>,
          %parallel_loop3A_1023 = arith.index_cast %scan3A_946 : i32 to index
          %parallel_loop3A_1024 = arith.index_cast %parallel_loop3A_1019 : i32 to index
          %parallel_loop3A_1025 = tpu.vector_load %arg11[%parallel_loop3A_1023, %parallel_loop3A_1024] {strides = array<i32>} : memref<16x1024xf32, #tpu.memory_space<vmem>>, vector<16xf32>,
          %parallel_loop3A_1026 = arith.addf %parallel_loop3A_1022, %parallel_loop3A_1025 : vector<16xf32>
          %parallel_loop3A_1027 = arith.index_cast %scan3A_946 : i32 to index
          %parallel_loop3A_1028 = arith.index_cast %parallel_loop3A_1019 : i32 to index
          %parallel_loop3A_1029 = tpu.vector_load %arg13[%parallel_loop3A_1027, %parallel_loop3A_1028] {strides = array<i32>} : memref<16x1024xf32, #tpu.memory_space<vmem>>, vector<16xf32>,
          tpu.vector_store %arg13[%parallel_loop3A_1027, %parallel_loop3A_1028], %parallel_loop3A_1026 {strides = array<i32>} : memref<16x1024xf32, #tpu.memory_space<vmem>>, vector<16xf32>,
          %parallel_loop3A_1030 = arith.addf %parallel_loop3A_976, %parallel_loop3A_1026 : vector<16xf32>
          %parallel_loop3A_1031 = arith.mulf %parallel_loop3A_1026, %parallel_loop3A_1026 : vector<16xf32>
          %parallel_loop3A_1032 = arith.addf %parallel_loop3A_980, %parallel_loop3A_1031 : vector<16xf32>
          %parallel_loop3A_1033 = arith.constant 3 : i32
          %parallel_loop3A_1034 = arith.addi %parallel_loop3A_973, %parallel_loop3A_1033 : i32
          %parallel_loop3A_1035 = arith.constant 16 : i32
          %parallel_loop3A_1036 = arith.muli %parallel_loop3A_1034, %parallel_loop3A_1035 : i32
          %parallel_loop3A_1037 = arith.index_cast %scan3A_946 : i32 to index
          %parallel_loop3A_1038 = arith.index_cast %parallel_loop3A_1036 : i32 to index
          %parallel_loop3A_1039 = tpu.vector_load %arg9[%parallel_loop3A_1037, %parallel_loop3A_1038] {strides = array<i32>} : memref<16x1024xf32, #tpu.memory_space<vmem>>, vector<16xf32>,
          %parallel_loop3A_1040 = arith.index_cast %scan3A_946 : i32 to index
          %parallel_loop3A_1041 = arith.index_cast %parallel_loop3A_1036 : i32 to index
          %parallel_loop3A_1042 = tpu.vector_load %arg11[%parallel_loop3A_1040, %parallel_loop3A_1041] {strides = array<i32>} : memref<16x1024xf32, #tpu.memory_space<vmem>>, vector<16xf32>,
          %parallel_loop3A_1043 = arith.addf %parallel_loop3A_1039, %parallel_loop3A_1042 : vector<16xf32>
          %parallel_loop3A_1044 = arith.index_cast %scan3A_946 : i32 to index
          %parallel_loop3A_1045 = arith.index_cast %parallel_loop3A_1036 : i32 to index
          %parallel_loop3A_1046 = tpu.vector_load %arg13[%parallel_loop3A_1044, %parallel_loop3A_1045] {strides = array<i32>} : memref<16x1024xf32, #tpu.memory_space<vmem>>, vector<16xf32>,
          tpu.vector_store %arg13[%parallel_loop3A_1044, %parallel_loop3A_1045], %parallel_loop3A_1043 {strides = array<i32>} : memref<16x1024xf32, #tpu.memory_space<vmem>>, vector<16xf32>,
          %parallel_loop3A_1047 = arith.addf %parallel_loop3A_977, %parallel_loop3A_1043 : vector<16xf32>
          %parallel_loop3A_1048 = arith.mulf %parallel_loop3A_1043, %parallel_loop3A_1043 : vector<16xf32>
          %parallel_loop3A_1049 = arith.addf %parallel_loop3A_981, %parallel_loop3A_1048 : vector<16xf32>
          scf.yield %parallel_loop3A_996, %parallel_loop3A_1013, %parallel_loop3A_1030, %parallel_loop3A_1047, %parallel_loop3A_998, %parallel_loop3A_1015, %parallel_loop3A_1032, %parallel_loop3A_1049 : vector<16xf32>, vector<16xf32>, vector<16xf32>, vector<16xf32>, vector<16xf32>, vector<16xf32>, vector<16xf32>, vector<16xf32>
        } {sc.loop_unroll_factor = 2 : i64, sc.parallel_access}
        %add3A_952 = arith.addf %parallel_loop3A_951#0, %parallel_loop3A_951#1 : vector<16xf32>
        %add3A_953 = arith.addf %parallel_loop3A_951#2, %parallel_loop3A_951#3 : vector<16xf32>
        %add3A_954 = arith.addf %add3A_952, %add3A_953 : vector<16xf32>
        %add3A_955 = arith.addf %parallel_loop3A_951#4, %parallel_loop3A_951#5 : vector<16xf32>
        %add3A_956 = arith.addf %parallel_loop3A_951#6, %parallel_loop3A_951#7 : vector<16xf32>
        %add3A_957 = arith.addf %add3A_955, %add3A_956 : vector<16xf32>
        %mul3A_958 = arith.constant 2 : i32
        %mul3A_959 = arith.muli %scan3A_946, %mul3A_958 : i32
        %mul3A_960 = arith.constant 16 : i32
        %mul3A_961 = arith.muli %mul3A_959, %mul3A_960 : i32
        %swap3A_962 = arith.index_cast %mul3A_961 : i32 to index
        %swap3A_963 = tpu.vector_load %arg17[%swap3A_962] {strides = array<i32>} : memref<544xf32, #tpu.memory_space<vmem>>, vector<16xf32>,
        tpu.vector_store %arg17[%swap3A_962], %add3A_954 {strides = array<i32>} : memref<544xf32, #tpu.memory_space<vmem>>, vector<16xf32>,
        %mul3A_964 = arith.constant 2 : i32
        %mul3A_965 = arith.muli %scan3A_946, %mul3A_964 : i32
        %mul3A_966 = arith.constant 16 : i32
        %mul3A_967 = arith.muli %mul3A_965, %mul3A_966 : i32
        %add3A_968 = arith.constant 16 : i32
        %add3A_969 = arith.addi %mul3A_967, %add3A_968 : i32
        %swap3A_970 = arith.index_cast %add3A_969 : i32 to index
        %swap3A_971 = tpu.vector_load %arg17[%swap3A_970] {strides = array<i32>} : memref<544xf32, #tpu.memory_space<vmem>>, vector<16xf32>,
        tpu.vector_store %arg17[%swap3A_970], %add3A_957 {strides = array<i32>} : memref<544xf32, #tpu.memory_space<vmem>>, vector<16xf32>,
        %scan3A_972 = arith.constant 0 : i32
        scf.yield %scan3A_972 : i32
      }
      %scan3A_72 = arith.constant 16 : i32
      %add3A_73 = arith.constant 2 : i32
      %add3A_74 = arith.addi %add3A_50, %add3A_73 : i32
      %lt3A = arith.constant 32 : i32
      %lt3A_75 = arith.cmpi slt, %add3A_74, %lt3A : i32
      %convert_element_type3A_76 = arith.extui %lt3A_75 : i1 to i32
      %cond3A_77 = arith.constant 0 : i32
      %cond3A_78 = arith.cmpi ne, %convert_element_type3A_76, %cond3A_77 : i32
      scf.if %cond3A_78 {
        %add3A_946 = arith.constant 2 : i32
        %add3A_947 = arith.addi %add3A_50, %add3A_946 : i32
        %mul3A_948 = arith.constant 16 : i32
        %mul3A_949 = arith.muli %add3A_947, %mul3A_948 : i32
        %add3A_950 = arith.addi %mul3A_2, %mul3A_949 : i32
        %mul3A_951 = arith.constant 16 : i32
        %mul3A_952 = arith.muli %add3A_947, %mul3A_951 : i32
        %dma_start3A_953 = tpu.memref_slice %arg8[%mul3A_952] : memref<512xi32, #tpu.memory_space<vmem>> -> memref<16xi32, #tpu.memory_space<vmem>>
        %dma_start3A_954 = arith.constant 0 : i32
        %dma_start3A_955 = arith.constant 0 : i32
        %dma_start3A_956 = tpu.memref_slice %arg4[%dma_start3A_954, %dma_start3A_955] : memref<4096x1024xf32, #tpu.memory_space<hbm>> -> memref<4096x1024xf32, #tpu.memory_space<hbm>>
        tpu.enqueue_indirect_dma source(%dma_start3A_956 : memref<4096x1024xf32, #tpu.memory_space<hbm>>) target(%arg11 : memref<16x1024xf32, #tpu.memory_space<vmem>>) offsets(%dma_start3A_953 : memref<16xi32, #tpu.memory_space<vmem>>) semaphore(%arg18 : memref<!tpu.dma_semaphore, #tpu.memory_space<semaphore_mem>>)
        %dma_start3A_957 = arith.constant 0 : i32
        %dma_start3A_958 = tpu.memref_slice %arg2[%add3A_950, %dma_start3A_957] : memref<16384x1024xf32, #tpu.memory_space<hbm>> -> memref<16x1024xf32, #tpu.memory_space<hbm>>
        %dma_start3A_959 = arith.constant 0 : i32
        %dma_start3A_960 = tpu.memref_slice %arg2[%add3A_950, %dma_start3A_959] : memref<16384x1024xf32, #tpu.memory_space<hbm>> -> memref<16x1024xf32, #tpu.memory_space<hbm>>
        tpu.enqueue_dma source(%dma_start3A_960 : memref<16x1024xf32, #tpu.memory_space<hbm>>) target(%arg9 : memref<16x1024xf32, #tpu.memory_space<vmem>>) target_semaphore(%arg20 : memref<!tpu.dma_semaphore, #tpu.memory_space<semaphore_mem>>)
      } else {
      }
      %add3A_79 = arith.constant 0 : i32
      %add3A_80 = vector.broadcast %add3A_79 : i32 to vector<16xi32>
      %add3A_81 = arith.addi %mul3A_6, %add3A_80 : vector<16xi32>
      %gather3A = tpu.vector_load_idx %arg17[%add3A_81] : memref<544xf32, #tpu.memory_space<vmem>>[vector<16xi32>], vector<16xf32>,
      %add3A_82 = arith.addf %broadcast_in_dim3A_3, %gather3A : vector<16xf32>
      %add3A_83 = arith.constant 16 : i32
      %add3A_84 = vector.broadcast %add3A_83 : i32 to vector<16xi32>
      %add3A_85 = arith.addi %mul3A_6, %add3A_84 : vector<16xi32>
      %add3A_86 = arith.constant 0 : i32
      %add3A_87 = vector.broadcast %add3A_86 : i32 to vector<16xi32>
      %add3A_88 = arith.addi %add3A_85, %add3A_87 : vector<16xi32>
      %gather3A_89 = tpu.vector_load_idx %arg17[%add3A_88] : memref<544xf32, #tpu.memory_space<vmem>>[vector<16xi32>], vector<16xf32>,
      %add3A_90 = arith.addf %broadcast_in_dim3A_3, %gather3A_89 : vector<16xf32>
      %add3A_91 = arith.constant 1 : i32
      %add3A_92 = vector.broadcast %add3A_91 : i32 to vector<16xi32>
      %add3A_93 = arith.addi %mul3A_6, %add3A_92 : vector<16xi32>
      %gather3A_94 = tpu.vector_load_idx %arg17[%add3A_93] : memref<544xf32, #tpu.memory_space<vmem>>[vector<16xi32>], vector<16xf32>,
      %add3A_95 = arith.addf %add3A_82, %gather3A_94 : vector<16xf32>
      %add3A_96 = arith.constant 16 : i32
      %add3A_97 = vector.broadcast %add3A_96 : i32 to vector<16xi32>
      %add3A_98 = arith.addi %mul3A_6, %add3A_97 : vector<16xi32>
      %add3A_99 = arith.constant 1 : i32
      %add3A_100 = vector.broadcast %add3A_99 : i32 to vector<16xi32>
      %add3A_101 = arith.addi %add3A_98, %add3A_100 : vector<16xi32>
      %gather3A_102 = tpu.vector_load_idx %arg17[%add3A_101] : memref<544xf32, #tpu.memory_space<vmem>>[vector<16xi32>], vector<16xf32>,
      %add3A_103 = arith.addf %add3A_90, %gather3A_102 : vector<16xf32>
      %add3A_104 = arith.constant 2 : i32
      %add3A_105 = vector.broadcast %add3A_104 : i32 to vector<16xi32>
      %add3A_106 = arith.addi %mul3A_6, %add3A_105 : vector<16xi32>
      %gather3A_107 = tpu.vector_load_idx %arg17[%add3A_106] : memref<544xf32, #tpu.memory_space<vmem>>[vector<16xi32>], vector<16xf32>,
      %add3A_108 = arith.addf %add3A_95, %gather3A_107 : vector<16xf32>
      %add3A_109 = arith.constant 16 : i32
      %add3A_110 = vector.broadcast %add3A_109 : i32 to vector<16xi32>
      %add3A_111 = arith.addi %mul3A_6, %add3A_110 : vector<16xi32>
      %add3A_112 = arith.constant 2 : i32
      %add3A_113 = vector.broadcast %add3A_112 : i32 to vector<16xi32>
      %add3A_114 = arith.addi %add3A_111, %add3A_113 : vector<16xi32>
      %gather3A_115 = tpu.vector_load_idx %arg17[%add3A_114] : memref<544xf32, #tpu.memory_space<vmem>>[vector<16xi32>], vector<16xf32>,
      %add3A_116 = arith.addf %add3A_103, %gather3A_115 : vector<16xf32>
      %add3A_117 = arith.constant 3 : i32
      %add3A_118 = vector.broadcast %add3A_117 : i32 to vector<16xi32>
      %add3A_119 = arith.addi %mul3A_6, %add3A_118 : vector<16xi32>
      %gather3A_120 = tpu.vector_load_idx %arg17[%add3A_119] : memref<544xf32, #tpu.memory_space<vmem>>[vector<16xi32>], vector<16xf32>,
      %add3A_121 = arith.addf %add3A_108, %gather3A_120 : vector<16xf32>
      %add3A_122 = arith.constant 16 : i32
      %add3A_123 = vector.broadcast %add3A_122 : i32 to vector<16xi32>
      %add3A_124 = arith.addi %mul3A_6, %add3A_123 : vector<16xi32>
      %add3A_125 = arith.constant 3 : i32
      %add3A_126 = vector.broadcast %add3A_125 : i32 to vector<16xi32>
      %add3A_127 = arith.addi %add3A_124, %add3A_126 : vector<16xi32>
      %gather3A_128 = tpu.vector_load_idx %arg17[%add3A_127] : memref<544xf32, #tpu.memory_space<vmem>>[vector<16xi32>], vector<16xf32>,
      %add3A_129 = arith.addf %add3A_116, %gather3A_128 : vector<16xf32>
      %add3A_130 = arith.constant 4 : i32
      %add3A_131 = vector.broadcast %add3A_130 : i32 to vector<16xi32>
      %add3A_132 = arith.addi %mul3A_6, %add3A_131 : vector<16xi32>
      %gather3A_133 = tpu.vector_load_idx %arg17[%add3A_132] : memref<544xf32, #tpu.memory_space<vmem>>[vector<16xi32>], vector<16xf32>,
      %add3A_134 = arith.addf %add3A_121, %gather3A_133 : vector<16xf32>
      %add3A_135 = arith.constant 16 : i32
      %add3A_136 = vector.broadcast %add3A_135 : i32 to vector<16xi32>
      %add3A_137 = arith.addi %mul3A_6, %add3A_136 : vector<16xi32>
      %add3A_138 = arith.constant 4 : i32
      %add3A_139 = vector.broadcast %add3A_138 : i32 to vector<16xi32>
      %add3A_140 = arith.addi %add3A_137, %add3A_139 : vector<16xi32>
      %gather3A_141 = tpu.vector_load_idx %arg17[%add3A_140] : memref<544xf32, #tpu.memory_space<vmem>>[vector<16xi32>], vector<16xf32>,
      %add3A_142 = arith.addf %add3A_129, %gather3A_141 : vector<16xf32>
      %add3A_143 = arith.constant 5 : i32
      %add3A_144 = vector.broadcast %add3A_143 : i32 to vector<16xi32>
      %add3A_145 = arith.addi %mul3A_6, %add3A_144 : vector<16xi32>
      %gather3A_146 = tpu.vector_load_idx %arg17[%add3A_145] : memref<544xf32, #tpu.memory_space<vmem>>[vector<16xi32>], vector<16xf32>,
      %add3A_147 = arith.addf %add3A_134, %gather3A_146 : vector<16xf32>
      %add3A_148 = arith.constant 16 : i32
      %add3A_149 = vector.broadcast %add3A_148 : i32 to vector<16xi32>
      %add3A_150 = arith.addi %mul3A_6, %add3A_149 : vector<16xi32>
      %add3A_151 = arith.constant 5 : i32
      %add3A_152 = vector.broadcast %add3A_151 : i32 to vector<16xi32>
      %add3A_153 = arith.addi %add3A_150, %add3A_152 : vector<16xi32>
      %gather3A_154 = tpu.vector_load_idx %arg17[%add3A_153] : memref<544xf32, #tpu.memory_space<vmem>>[vector<16xi32>], vector<16xf32>,
      %add3A_155 = arith.addf %add3A_142, %gather3A_154 : vector<16xf32>
      %add3A_156 = arith.constant 6 : i32
      %add3A_157 = vector.broadcast %add3A_156 : i32 to vector<16xi32>
      %add3A_158 = arith.addi %mul3A_6, %add3A_157 : vector<16xi32>
      %gather3A_159 = tpu.vector_load_idx %arg17[%add3A_158] : memref<544xf32, #tpu.memory_space<vmem>>[vector<16xi32>], vector<16xf32>,
      %add3A_160 = arith.addf %add3A_147, %gather3A_159 : vector<16xf32>
      %add3A_161 = arith.constant 16 : i32
      %add3A_162 = vector.broadcast %add3A_161 : i32 to vector<16xi32>
      %add3A_163 = arith.addi %mul3A_6, %add3A_162 : vector<16xi32>
      %add3A_164 = arith.constant 6 : i32
      %add3A_165 = vector.broadcast %add3A_164 : i32 to vector<16xi32>
      %add3A_166 = arith.addi %add3A_163, %add3A_165 : vector<16xi32>
      %gather3A_167 = tpu.vector_load_idx %arg17[%add3A_166] : memref<544xf32, #tpu.memory_space<vmem>>[vector<16xi32>], vector<16xf32>,
      %add3A_168 = arith.addf %add3A_155, %gather3A_167 : vector<16xf32>
      %add3A_169 = arith.constant 7 : i32
      %add3A_170 = vector.broadcast %add3A_169 : i32 to vector<16xi32>
      %add3A_171 = arith.addi %mul3A_6, %add3A_170 : vector<16xi32>
      %gather3A_172 = tpu.vector_load_idx %arg17[%add3A_171] : memref<544xf32, #tpu.memory_space<vmem>>[vector<16xi32>], vector<16xf32>,
      %add3A_173 = arith.addf %add3A_160, %gather3A_172 : vector<16xf32>
      %add3A_174 = arith.constant 16 : i32
      %add3A_175 = vector.broadcast %add3A_174 : i32 to vector<16xi32>
      %add3A_176 = arith.addi %mul3A_6, %add3A_175 : vector<16xi32>
      %add3A_177 = arith.constant 7 : i32
      %add3A_178 = vector.broadcast %add3A_177 : i32 to vector<16xi32>
      %add3A_179 = arith.addi %add3A_176, %add3A_178 : vector<16xi32>
      %gather3A_180 = tpu.vector_load_idx %arg17[%add3A_179] : memref<544xf32, #tpu.memory_space<vmem>>[vector<16xi32>], vector<16xf32>,
      %add3A_181 = arith.addf %add3A_168, %gather3A_180 : vector<16xf32>
      %add3A_182 = arith.constant 8 : i32
      %add3A_183 = vector.broadcast %add3A_182 : i32 to vector<16xi32>
      %add3A_184 = arith.addi %mul3A_6, %add3A_183 : vector<16xi32>
      %gather3A_185 = tpu.vector_load_idx %arg17[%add3A_184] : memref<544xf32, #tpu.memory_space<vmem>>[vector<16xi32>], vector<16xf32>,
      %add3A_186 = arith.addf %add3A_173, %gather3A_185 : vector<16xf32>
      %add3A_187 = arith.constant 16 : i32
      %add3A_188 = vector.broadcast %add3A_187 : i32 to vector<16xi32>
      %add3A_189 = arith.addi %mul3A_6, %add3A_188 : vector<16xi32>
      %add3A_190 = arith.constant 8 : i32
      %add3A_191 = vector.broadcast %add3A_190 : i32 to vector<16xi32>
      %add3A_192 = arith.addi %add3A_189, %add3A_191 : vector<16xi32>
      %gather3A_193 = tpu.vector_load_idx %arg17[%add3A_192] : memref<544xf32, #tpu.memory_space<vmem>>[vector<16xi32>], vector<16xf32>,
      %add3A_194 = arith.addf %add3A_181, %gather3A_193 : vector<16xf32>
      %add3A_195 = arith.constant 9 : i32
      %add3A_196 = vector.broadcast %add3A_195 : i32 to vector<16xi32>
      %add3A_197 = arith.addi %mul3A_6, %add3A_196 : vector<16xi32>
      %gather3A_198 = tpu.vector_load_idx %arg17[%add3A_197] : memref<544xf32, #tpu.memory_space<vmem>>[vector<16xi32>], vector<16xf32>,
      %add3A_199 = arith.addf %add3A_186, %gather3A_198 : vector<16xf32>
      %add3A_200 = arith.constant 16 : i32
      %add3A_201 = vector.broadcast %add3A_200 : i32 to vector<16xi32>
      %add3A_202 = arith.addi %mul3A_6, %add3A_201 : vector<16xi32>
      %add3A_203 = arith.constant 9 : i32
      %add3A_204 = vector.broadcast %add3A_203 : i32 to vector<16xi32>
      %add3A_205 = arith.addi %add3A_202, %add3A_204 : vector<16xi32>
      %gather3A_206 = tpu.vector_load_idx %arg17[%add3A_205] : memref<544xf32, #tpu.memory_space<vmem>>[vector<16xi32>], vector<16xf32>,
      %add3A_207 = arith.addf %add3A_194, %gather3A_206 : vector<16xf32>
      %add3A_208 = arith.constant 10 : i32
      %add3A_209 = vector.broadcast %add3A_208 : i32 to vector<16xi32>
      %add3A_210 = arith.addi %mul3A_6, %add3A_209 : vector<16xi32>
      %gather3A_211 = tpu.vector_load_idx %arg17[%add3A_210] : memref<544xf32, #tpu.memory_space<vmem>>[vector<16xi32>], vector<16xf32>,
      %add3A_212 = arith.addf %add3A_199, %gather3A_211 : vector<16xf32>
      %add3A_213 = arith.constant 16 : i32
      %add3A_214 = vector.broadcast %add3A_213 : i32 to vector<16xi32>
      %add3A_215 = arith.addi %mul3A_6, %add3A_214 : vector<16xi32>
      %add3A_216 = arith.constant 10 : i32
      %add3A_217 = vector.broadcast %add3A_216 : i32 to vector<16xi32>
      %add3A_218 = arith.addi %add3A_215, %add3A_217 : vector<16xi32>
      %gather3A_219 = tpu.vector_load_idx %arg17[%add3A_218] : memref<544xf32, #tpu.memory_space<vmem>>[vector<16xi32>], vector<16xf32>,
      %add3A_220 = arith.addf %add3A_207, %gather3A_219 : vector<16xf32>
      %add3A_221 = arith.constant 11 : i32
      %add3A_222 = vector.broadcast %add3A_221 : i32 to vector<16xi32>
      %add3A_223 = arith.addi %mul3A_6, %add3A_222 : vector<16xi32>
      %gather3A_224 = tpu.vector_load_idx %arg17[%add3A_223] : memref<544xf32, #tpu.memory_space<vmem>>[vector<16xi32>], vector<16xf32>,
      %add3A_225 = arith.addf %add3A_212, %gather3A_224 : vector<16xf32>
      %add3A_226 = arith.constant 16 : i32
      %add3A_227 = vector.broadcast %add3A_226 : i32 to vector<16xi32>
      %add3A_228 = arith.addi %mul3A_6, %add3A_227 : vector<16xi32>
      %add3A_229 = arith.constant 11 : i32
      %add3A_230 = vector.broadcast %add3A_229 : i32 to vector<16xi32>
      %add3A_231 = arith.addi %add3A_228, %add3A_230 : vector<16xi32>
      %gather3A_232 = tpu.vector_load_idx %arg17[%add3A_231] : memref<544xf32, #tpu.memory_space<vmem>>[vector<16xi32>], vector<16xf32>,
      %add3A_233 = arith.addf %add3A_220, %gather3A_232 : vector<16xf32>
      %add3A_234 = arith.constant 12 : i32
      %add3A_235 = vector.broadcast %add3A_234 : i32 to vector<16xi32>
      %add3A_236 = arith.addi %mul3A_6, %add3A_235 : vector<16xi32>
      %gather3A_237 = tpu.vector_load_idx %arg17[%add3A_236] : memref<544xf32, #tpu.memory_space<vmem>>[vector<16xi32>], vector<16xf32>,
      %add3A_238 = arith.addf %add3A_225, %gather3A_237 : vector<16xf32>
      %add3A_239 = arith.constant 16 : i32
      %add3A_240 = vector.broadcast %add3A_239 : i32 to vector<16xi32>
      %add3A_241 = arith.addi %mul3A_6, %add3A_240 : vector<16xi32>
      %add3A_242 = arith.constant 12 : i32
      %add3A_243 = vector.broadcast %add3A_242 : i32 to vector<16xi32>
      %add3A_244 = arith.addi %add3A_241, %add3A_243 : vector<16xi32>
      %gather3A_245 = tpu.vector_load_idx %arg17[%add3A_244] : memref<544xf32, #tpu.memory_space<vmem>>[vector<16xi32>], vector<16xf32>,
      %add3A_246 = arith.addf %add3A_233, %gather3A_245 : vector<16xf32>
      %add3A_247 = arith.constant 13 : i32
      %add3A_248 = vector.broadcast %add3A_247 : i32 to vector<16xi32>
      %add3A_249 = arith.addi %mul3A_6, %add3A_248 : vector<16xi32>
      %gather3A_250 = tpu.vector_load_idx %arg17[%add3A_249] : memref<544xf32, #tpu.memory_space<vmem>>[vector<16xi32>], vector<16xf32>,
      %add3A_251 = arith.addf %add3A_238, %gather3A_250 : vector<16xf32>
      %add3A_252 = arith.constant 16 : i32
      %add3A_253 = vector.broadcast %add3A_252 : i32 to vector<16xi32>
      %add3A_254 = arith.addi %mul3A_6, %add3A_253 : vector<16xi32>
      %add3A_255 = arith.constant 13 : i32
      %add3A_256 = vector.broadcast %add3A_255 : i32 to vector<16xi32>
      %add3A_257 = arith.addi %add3A_254, %add3A_256 : vector<16xi32>
      %gather3A_258 = tpu.vector_load_idx %arg17[%add3A_257] : memref<544xf32, #tpu.memory_space<vmem>>[vector<16xi32>], vector<16xf32>,
      %add3A_259 = arith.addf %add3A_246, %gather3A_258 : vector<16xf32>
      %add3A_260 = arith.constant 14 : i32
      %add3A_261 = vector.broadcast %add3A_260 : i32 to vector<16xi32>
      %add3A_262 = arith.addi %mul3A_6, %add3A_261 : vector<16xi32>
      %gather3A_263 = tpu.vector_load_idx %arg17[%add3A_262] : memref<544xf32, #tpu.memory_space<vmem>>[vector<16xi32>], vector<16xf32>,
      %add3A_264 = arith.addf %add3A_251, %gather3A_263 : vector<16xf32>
      %add3A_265 = arith.constant 16 : i32
      %add3A_266 = vector.broadcast %add3A_265 : i32 to vector<16xi32>
      %add3A_267 = arith.addi %mul3A_6, %add3A_266 : vector<16xi32>
      %add3A_268 = arith.constant 14 : i32
      %add3A_269 = vector.broadcast %add3A_268 : i32 to vector<16xi32>
      %add3A_270 = arith.addi %add3A_267, %add3A_269 : vector<16xi32>
      %gather3A_271 = tpu.vector_load_idx %arg17[%add3A_270] : memref<544xf32, #tpu.memory_space<vmem>>[vector<16xi32>], vector<16xf32>,
      %add3A_272 = arith.addf %add3A_259, %gather3A_271 : vector<16xf32>
      %add3A_273 = arith.constant 15 : i32
      %add3A_274 = vector.broadcast %add3A_273 : i32 to vector<16xi32>
      %add3A_275 = arith.addi %mul3A_6, %add3A_274 : vector<16xi32>
      %gather3A_276 = tpu.vector_load_idx %arg17[%add3A_275] : memref<544xf32, #tpu.memory_space<vmem>>[vector<16xi32>], vector<16xf32>,
      %add3A_277 = arith.addf %add3A_264, %gather3A_276 : vector<16xf32>
      %add3A_278 = arith.constant 16 : i32
      %add3A_279 = vector.broadcast %add3A_278 : i32 to vector<16xi32>
      %add3A_280 = arith.addi %mul3A_6, %add3A_279 : vector<16xi32>
      %add3A_281 = arith.constant 15 : i32
      %add3A_282 = vector.broadcast %add3A_281 : i32 to vector<16xi32>
      %add3A_283 = arith.addi %add3A_280, %add3A_282 : vector<16xi32>
      %gather3A_284 = tpu.vector_load_idx %arg17[%add3A_283] : memref<544xf32, #tpu.memory_space<vmem>>[vector<16xi32>], vector<16xf32>,
      %add3A_285 = arith.addf %add3A_272, %gather3A_284 : vector<16xf32>
      %mul3A_286 = arith.constant 9.765625E-4 : f32
      %mul3A_287 = vector.broadcast %mul3A_286 : f32 to vector<16xf32>
      %mul3A_288 = arith.mulf %add3A_277, %mul3A_287 : vector<16xf32>
      %mul3A_289 = arith.constant 9.765625E-4 : f32
      %mul3A_290 = vector.broadcast %mul3A_289 : f32 to vector<16xf32>
      %mul3A_291 = arith.mulf %add3A_285, %mul3A_290 : vector<16xf32>
      %mul3A_292 = arith.mulf %mul3A_288, %mul3A_288 : vector<16xf32>
      %sub3A = arith.subf %mul3A_291, %mul3A_292 : vector<16xf32>
      %add3A_293 = arith.constant 9.99999996E-13 : f32
      %add3A_294 = vector.broadcast %add3A_293 : f32 to vector<16xf32>
      %add3A_295 = arith.addf %sub3A, %add3A_294 : vector<16xf32>
      %bitcast_convert_type3A = tpu.bitcast %add3A_295 : vector<16xf32> -> vector<16xi32>
      %shift_right_arithmetic3A = arith.constant 1 : i32
      %shift_right_arithmetic3A_296 = vector.broadcast %shift_right_arithmetic3A : i32 to vector<16xi32>
      %shift_right_arithmetic3A_297 = arith.shrsi %bitcast_convert_type3A, %shift_right_arithmetic3A_296 : vector<16xi32>
      %sub3A_298 = arith.constant 1597463007 : i32
      %sub3A_299 = vector.broadcast %sub3A_298 : i32 to vector<16xi32>
      %sub3A_300 = arith.subi %sub3A_299, %shift_right_arithmetic3A_297 : vector<16xi32>
      %bitcast_convert_type3A_301 = tpu.bitcast %sub3A_300 : vector<16xi32> -> vector<16xf32>
      %mul3A_302 = arith.constant 5.000000e-01 : f32
      %mul3A_303 = vector.broadcast %mul3A_302 : f32 to vector<16xf32>
      %mul3A_304 = arith.mulf %mul3A_303, %add3A_295 : vector<16xf32>
      %mul3A_305 = arith.mulf %mul3A_304, %bitcast_convert_type3A_301 : vector<16xf32>
      %mul3A_306 = arith.mulf %mul3A_305, %bitcast_convert_type3A_301 : vector<16xf32>
      %sub3A_307 = arith.constant 1.500000e+00 : f32
      %sub3A_308 = vector.broadcast %sub3A_307 : f32 to vector<16xf32>
      %sub3A_309 = arith.subf %sub3A_308, %mul3A_306 : vector<16xf32>
      %mul3A_310 = arith.mulf %bitcast_convert_type3A_301, %sub3A_309 : vector<16xf32>
      %mul3A_311 = arith.mulf %mul3A_304, %mul3A_310 : vector<16xf32>
      %mul3A_312 = arith.mulf %mul3A_311, %mul3A_310 : vector<16xf32>
      %sub3A_313 = arith.constant 1.500000e+00 : f32
      %sub3A_314 = vector.broadcast %sub3A_313 : f32 to vector<16xf32>
      %sub3A_315 = arith.subf %sub3A_314, %mul3A_312 : vector<16xf32>
      %mul3A_316 = arith.mulf %mul3A_310, %sub3A_315 : vector<16xf32>
      %mul3A_317 = arith.mulf %mul3A_304, %mul3A_316 : vector<16xf32>
      %mul3A_318 = arith.mulf %mul3A_317, %mul3A_316 : vector<16xf32>
      %sub3A_319 = arith.constant 1.500000e+00 : f32
      %sub3A_320 = vector.broadcast %sub3A_319 : f32 to vector<16xf32>
      %sub3A_321 = arith.subf %sub3A_320, %mul3A_318 : vector<16xf32>
      %mul3A_322 = arith.mulf %mul3A_316, %sub3A_321 : vector<16xf32>
      %swap3A = arith.constant 512 : index
      %swap3A_323 = tpu.vector_load %arg17[%swap3A] {strides = array<i32>} : memref<544xf32, #tpu.memory_space<vmem>>, vector<16xf32>,
      tpu.vector_store %arg17[%swap3A], %mul3A_288 {strides = array<i32>} : memref<544xf32, #tpu.memory_space<vmem>>, vector<16xf32>,
      %swap3A_324 = arith.constant 528 : index
      %swap3A_325 = tpu.vector_load %arg17[%swap3A_324] {strides = array<i32>} : memref<544xf32, #tpu.memory_space<vmem>>, vector<16xf32>,
      tpu.vector_store %arg17[%swap3A_324], %mul3A_322 {strides = array<i32>} : memref<544xf32, #tpu.memory_space<vmem>>, vector<16xf32>,
      %broadcast_in_dim3A_326 = arith.constant 0 : i32
      %broadcast_in_dim3A_327 = vector.broadcast %broadcast_in_dim3A_326 : i32 to vector<16xi32>
      %add3A_328 = arith.constant 512 : i32
      %add3A_329 = vector.broadcast %add3A_328 : i32 to vector<16xi32>
      %add3A_330 = arith.addi %add3A_329, %broadcast_in_dim3A_327 : vector<16xi32>
      %gather3A_331 = tpu.vector_load_idx %arg17[%add3A_330] : memref<544xf32, #tpu.memory_space<vmem>>[vector<16xi32>], vector<16xf32>,
      %add3A_332 = arith.constant 528 : i32
      %add3A_333 = vector.broadcast %add3A_332 : i32 to vector<16xi32>
      %add3A_334 = arith.addi %add3A_333, %broadcast_in_dim3A_327 : vector<16xi32>
      %gather3A_335 = tpu.vector_load_idx %arg17[%add3A_334] : memref<544xf32, #tpu.memory_space<vmem>>[vector<16xi32>], vector<16xf32>,
      %broadcast_in_dim3A_336 = arith.constant 1 : i32
      %broadcast_in_dim3A_337 = vector.broadcast %broadcast_in_dim3A_336 : i32 to vector<16xi32>
      %add3A_338 = arith.constant 512 : i32
      %add3A_339 = vector.broadcast %add3A_338 : i32 to vector<16xi32>
      %add3A_340 = arith.addi %add3A_339, %broadcast_in_dim3A_337 : vector<16xi32>
      %gather3A_341 = tpu.vector_load_idx %arg17[%add3A_340] : memref<544xf32, #tpu.memory_space<vmem>>[vector<16xi32>], vector<16xf32>,
      %add3A_342 = arith.constant 528 : i32
      %add3A_343 = vector.broadcast %add3A_342 : i32 to vector<16xi32>
      %add3A_344 = arith.addi %add3A_343, %broadcast_in_dim3A_337 : vector<16xi32>
      %gather3A_345 = tpu.vector_load_idx %arg17[%add3A_344] : memref<544xf32, #tpu.memory_space<vmem>>[vector<16xi32>], vector<16xf32>,
      %broadcast_in_dim3A_346 = arith.constant 2 : i32
      %broadcast_in_dim3A_347 = vector.broadcast %broadcast_in_dim3A_346 : i32 to vector<16xi32>
      %add3A_348 = arith.constant 512 : i32
      %add3A_349 = vector.broadcast %add3A_348 : i32 to vector<16xi32>
      %add3A_350 = arith.addi %add3A_349, %broadcast_in_dim3A_347 : vector<16xi32>
      %gather3A_351 = tpu.vector_load_idx %arg17[%add3A_350] : memref<544xf32, #tpu.memory_space<vmem>>[vector<16xi32>], vector<16xf32>,
      %add3A_352 = arith.constant 528 : i32
      %add3A_353 = vector.broadcast %add3A_352 : i32 to vector<16xi32>
      %add3A_354 = arith.addi %add3A_353, %broadcast_in_dim3A_347 : vector<16xi32>
      %gather3A_355 = tpu.vector_load_idx %arg17[%add3A_354] : memref<544xf32, #tpu.memory_space<vmem>>[vector<16xi32>], vector<16xf32>,
      %broadcast_in_dim3A_356 = arith.constant 3 : i32
      %broadcast_in_dim3A_357 = vector.broadcast %broadcast_in_dim3A_356 : i32 to vector<16xi32>
      %add3A_358 = arith.constant 512 : i32
      %add3A_359 = vector.broadcast %add3A_358 : i32 to vector<16xi32>
      %add3A_360 = arith.addi %add3A_359, %broadcast_in_dim3A_357 : vector<16xi32>
      %gather3A_361 = tpu.vector_load_idx %arg17[%add3A_360] : memref<544xf32, #tpu.memory_space<vmem>>[vector<16xi32>], vector<16xf32>,
      %add3A_362 = arith.constant 528 : i32
      %add3A_363 = vector.broadcast %add3A_362 : i32 to vector<16xi32>
      %add3A_364 = arith.addi %add3A_363, %broadcast_in_dim3A_357 : vector<16xi32>
      %gather3A_365 = tpu.vector_load_idx %arg17[%add3A_364] : memref<544xf32, #tpu.memory_space<vmem>>[vector<16xi32>], vector<16xf32>,
      %broadcast_in_dim3A_366 = arith.constant 4 : i32
      %broadcast_in_dim3A_367 = vector.broadcast %broadcast_in_dim3A_366 : i32 to vector<16xi32>
      %add3A_368 = arith.constant 512 : i32
      %add3A_369 = vector.broadcast %add3A_368 : i32 to vector<16xi32>
      %add3A_370 = arith.addi %add3A_369, %broadcast_in_dim3A_367 : vector<16xi32>
      %gather3A_371 = tpu.vector_load_idx %arg17[%add3A_370] : memref<544xf32, #tpu.memory_space<vmem>>[vector<16xi32>], vector<16xf32>,
      %add3A_372 = arith.constant 528 : i32
      %add3A_373 = vector.broadcast %add3A_372 : i32 to vector<16xi32>
      %add3A_374 = arith.addi %add3A_373, %broadcast_in_dim3A_367 : vector<16xi32>
      %gather3A_375 = tpu.vector_load_idx %arg17[%add3A_374] : memref<544xf32, #tpu.memory_space<vmem>>[vector<16xi32>], vector<16xf32>,
      %broadcast_in_dim3A_376 = arith.constant 5 : i32
      %broadcast_in_dim3A_377 = vector.broadcast %broadcast_in_dim3A_376 : i32 to vector<16xi32>
      %add3A_378 = arith.constant 512 : i32
      %add3A_379 = vector.broadcast %add3A_378 : i32 to vector<16xi32>
      %add3A_380 = arith.addi %add3A_379, %broadcast_in_dim3A_377 : vector<16xi32>
      %gather3A_381 = tpu.vector_load_idx %arg17[%add3A_380] : memref<544xf32, #tpu.memory_space<vmem>>[vector<16xi32>], vector<16xf32>,
      %add3A_382 = arith.constant 528 : i32
      %add3A_383 = vector.broadcast %add3A_382 : i32 to vector<16xi32>
      %add3A_384 = arith.addi %add3A_383, %broadcast_in_dim3A_377 : vector<16xi32>
      %gather3A_385 = tpu.vector_load_idx %arg17[%add3A_384] : memref<544xf32, #tpu.memory_space<vmem>>[vector<16xi32>], vector<16xf32>,
      %broadcast_in_dim3A_386 = arith.constant 6 : i32
      %broadcast_in_dim3A_387 = vector.broadcast %broadcast_in_dim3A_386 : i32 to vector<16xi32>
      %add3A_388 = arith.constant 512 : i32
      %add3A_389 = vector.broadcast %add3A_388 : i32 to vector<16xi32>
      %add3A_390 = arith.addi %add3A_389, %broadcast_in_dim3A_387 : vector<16xi32>
      %gather3A_391 = tpu.vector_load_idx %arg17[%add3A_390] : memref<544xf32, #tpu.memory_space<vmem>>[vector<16xi32>], vector<16xf32>,
      %add3A_392 = arith.constant 528 : i32
      %add3A_393 = vector.broadcast %add3A_392 : i32 to vector<16xi32>
      %add3A_394 = arith.addi %add3A_393, %broadcast_in_dim3A_387 : vector<16xi32>
      %gather3A_395 = tpu.vector_load_idx %arg17[%add3A_394] : memref<544xf32, #tpu.memory_space<vmem>>[vector<16xi32>], vector<16xf32>,
      %broadcast_in_dim3A_396 = arith.constant 7 : i32
      %broadcast_in_dim3A_397 = vector.broadcast %broadcast_in_dim3A_396 : i32 to vector<16xi32>
      %add3A_398 = arith.constant 512 : i32
      %add3A_399 = vector.broadcast %add3A_398 : i32 to vector<16xi32>
      %add3A_400 = arith.addi %add3A_399, %broadcast_in_dim3A_397 : vector<16xi32>
      %gather3A_401 = tpu.vector_load_idx %arg17[%add3A_400] : memref<544xf32, #tpu.memory_space<vmem>>[vector<16xi32>], vector<16xf32>,
      %add3A_402 = arith.constant 528 : i32
      %add3A_403 = vector.broadcast %add3A_402 : i32 to vector<16xi32>
      %add3A_404 = arith.addi %add3A_403, %broadcast_in_dim3A_397 : vector<16xi32>
      %gather3A_405 = tpu.vector_load_idx %arg17[%add3A_404] : memref<544xf32, #tpu.memory_space<vmem>>[vector<16xi32>], vector<16xf32>,
      %broadcast_in_dim3A_406 = arith.constant 8 : i32
      %broadcast_in_dim3A_407 = vector.broadcast %broadcast_in_dim3A_406 : i32 to vector<16xi32>
      %add3A_408 = arith.constant 512 : i32
      %add3A_409 = vector.broadcast %add3A_408 : i32 to vector<16xi32>
      %add3A_410 = arith.addi %add3A_409, %broadcast_in_dim3A_407 : vector<16xi32>
      %gather3A_411 = tpu.vector_load_idx %arg17[%add3A_410] : memref<544xf32, #tpu.memory_space<vmem>>[vector<16xi32>], vector<16xf32>,
      %add3A_412 = arith.constant 528 : i32
      %add3A_413 = vector.broadcast %add3A_412 : i32 to vector<16xi32>
      %add3A_414 = arith.addi %add3A_413, %broadcast_in_dim3A_407 : vector<16xi32>
      %gather3A_415 = tpu.vector_load_idx %arg17[%add3A_414] : memref<544xf32, #tpu.memory_space<vmem>>[vector<16xi32>], vector<16xf32>,
      %broadcast_in_dim3A_416 = arith.constant 9 : i32
      %broadcast_in_dim3A_417 = vector.broadcast %broadcast_in_dim3A_416 : i32 to vector<16xi32>
      %add3A_418 = arith.constant 512 : i32
      %add3A_419 = vector.broadcast %add3A_418 : i32 to vector<16xi32>
      %add3A_420 = arith.addi %add3A_419, %broadcast_in_dim3A_417 : vector<16xi32>
      %gather3A_421 = tpu.vector_load_idx %arg17[%add3A_420] : memref<544xf32, #tpu.memory_space<vmem>>[vector<16xi32>], vector<16xf32>,
      %add3A_422 = arith.constant 528 : i32
      %add3A_423 = vector.broadcast %add3A_422 : i32 to vector<16xi32>
      %add3A_424 = arith.addi %add3A_423, %broadcast_in_dim3A_417 : vector<16xi32>
      %gather3A_425 = tpu.vector_load_idx %arg17[%add3A_424] : memref<544xf32, #tpu.memory_space<vmem>>[vector<16xi32>], vector<16xf32>,
      %broadcast_in_dim3A_426 = arith.constant 10 : i32
      %broadcast_in_dim3A_427 = vector.broadcast %broadcast_in_dim3A_426 : i32 to vector<16xi32>
      %add3A_428 = arith.constant 512 : i32
      %add3A_429 = vector.broadcast %add3A_428 : i32 to vector<16xi32>
      %add3A_430 = arith.addi %add3A_429, %broadcast_in_dim3A_427 : vector<16xi32>
      %gather3A_431 = tpu.vector_load_idx %arg17[%add3A_430] : memref<544xf32, #tpu.memory_space<vmem>>[vector<16xi32>], vector<16xf32>,
      %add3A_432 = arith.constant 528 : i32
      %add3A_433 = vector.broadcast %add3A_432 : i32 to vector<16xi32>
      %add3A_434 = arith.addi %add3A_433, %broadcast_in_dim3A_427 : vector<16xi32>
      %gather3A_435 = tpu.vector_load_idx %arg17[%add3A_434] : memref<544xf32, #tpu.memory_space<vmem>>[vector<16xi32>], vector<16xf32>,
      %broadcast_in_dim3A_436 = arith.constant 11 : i32
      %broadcast_in_dim3A_437 = vector.broadcast %broadcast_in_dim3A_436 : i32 to vector<16xi32>
      %add3A_438 = arith.constant 512 : i32
      %add3A_439 = vector.broadcast %add3A_438 : i32 to vector<16xi32>
      %add3A_440 = arith.addi %add3A_439, %broadcast_in_dim3A_437 : vector<16xi32>
      %gather3A_441 = tpu.vector_load_idx %arg17[%add3A_440] : memref<544xf32, #tpu.memory_space<vmem>>[vector<16xi32>], vector<16xf32>,
      %add3A_442 = arith.constant 528 : i32
      %add3A_443 = vector.broadcast %add3A_442 : i32 to vector<16xi32>
      %add3A_444 = arith.addi %add3A_443, %broadcast_in_dim3A_437 : vector<16xi32>
      %gather3A_445 = tpu.vector_load_idx %arg17[%add3A_444] : memref<544xf32, #tpu.memory_space<vmem>>[vector<16xi32>], vector<16xf32>,
      %broadcast_in_dim3A_446 = arith.constant 12 : i32
      %broadcast_in_dim3A_447 = vector.broadcast %broadcast_in_dim3A_446 : i32 to vector<16xi32>
      %add3A_448 = arith.constant 512 : i32
      %add3A_449 = vector.broadcast %add3A_448 : i32 to vector<16xi32>
      %add3A_450 = arith.addi %add3A_449, %broadcast_in_dim3A_447 : vector<16xi32>
      %gather3A_451 = tpu.vector_load_idx %arg17[%add3A_450] : memref<544xf32, #tpu.memory_space<vmem>>[vector<16xi32>], vector<16xf32>,
      %add3A_452 = arith.constant 528 : i32
      %add3A_453 = vector.broadcast %add3A_452 : i32 to vector<16xi32>
      %add3A_454 = arith.addi %add3A_453, %broadcast_in_dim3A_447 : vector<16xi32>
      %gather3A_455 = tpu.vector_load_idx %arg17[%add3A_454] : memref<544xf32, #tpu.memory_space<vmem>>[vector<16xi32>], vector<16xf32>,
      %broadcast_in_dim3A_456 = arith.constant 13 : i32
      %broadcast_in_dim3A_457 = vector.broadcast %broadcast_in_dim3A_456 : i32 to vector<16xi32>
      %add3A_458 = arith.constant 512 : i32
      %add3A_459 = vector.broadcast %add3A_458 : i32 to vector<16xi32>
      %add3A_460 = arith.addi %add3A_459, %broadcast_in_dim3A_457 : vector<16xi32>
      %gather3A_461 = tpu.vector_load_idx %arg17[%add3A_460] : memref<544xf32, #tpu.memory_space<vmem>>[vector<16xi32>], vector<16xf32>,
      %add3A_462 = arith.constant 528 : i32
      %add3A_463 = vector.broadcast %add3A_462 : i32 to vector<16xi32>
      %add3A_464 = arith.addi %add3A_463, %broadcast_in_dim3A_457 : vector<16xi32>
      %gather3A_465 = tpu.vector_load_idx %arg17[%add3A_464] : memref<544xf32, #tpu.memory_space<vmem>>[vector<16xi32>], vector<16xf32>,
      %broadcast_in_dim3A_466 = arith.constant 14 : i32
      %broadcast_in_dim3A_467 = vector.broadcast %broadcast_in_dim3A_466 : i32 to vector<16xi32>
      %add3A_468 = arith.constant 512 : i32
      %add3A_469 = vector.broadcast %add3A_468 : i32 to vector<16xi32>
      %add3A_470 = arith.addi %add3A_469, %broadcast_in_dim3A_467 : vector<16xi32>
      %gather3A_471 = tpu.vector_load_idx %arg17[%add3A_470] : memref<544xf32, #tpu.memory_space<vmem>>[vector<16xi32>], vector<16xf32>,
      %add3A_472 = arith.constant 528 : i32
      %add3A_473 = vector.broadcast %add3A_472 : i32 to vector<16xi32>
      %add3A_474 = arith.addi %add3A_473, %broadcast_in_dim3A_467 : vector<16xi32>
      %gather3A_475 = tpu.vector_load_idx %arg17[%add3A_474] : memref<544xf32, #tpu.memory_space<vmem>>[vector<16xi32>], vector<16xf32>,
      %broadcast_in_dim3A_476 = arith.constant 15 : i32
      %broadcast_in_dim3A_477 = vector.broadcast %broadcast_in_dim3A_476 : i32 to vector<16xi32>
      %add3A_478 = arith.constant 512 : i32
      %add3A_479 = vector.broadcast %add3A_478 : i32 to vector<16xi32>
      %add3A_480 = arith.addi %add3A_479, %broadcast_in_dim3A_477 : vector<16xi32>
      %gather3A_481 = tpu.vector_load_idx %arg17[%add3A_480] : memref<544xf32, #tpu.memory_space<vmem>>[vector<16xi32>], vector<16xf32>,
      %add3A_482 = arith.constant 528 : i32
      %add3A_483 = vector.broadcast %add3A_482 : i32 to vector<16xi32>
      %add3A_484 = arith.addi %add3A_483, %broadcast_in_dim3A_477 : vector<16xi32>
      %gather3A_485 = tpu.vector_load_idx %arg17[%add3A_484] : memref<544xf32, #tpu.memory_space<vmem>>[vector<16xi32>], vector<16xf32>,
      %parallel_loop3A = arith.constant 0 : i32
      %parallel_loop3A_486 = arith.constant 64 : i32
      %parallel_loop3A_487 = arith.constant 1 : i32
      scf.for %parallel_loop3A_946 = %parallel_loop3A to %parallel_loop3A_486 step %parallel_loop3A_487  : i32 {
        %parallel_loop3A_947 = arith.constant 16 : i32
        %parallel_loop3A_948 = arith.muli %parallel_loop3A_946, %parallel_loop3A_947 : i32
        %parallel_loop3A_949 = arith.index_cast %parallel_loop3A_948 : i32 to index
        %parallel_loop3A_950 = tpu.vector_load %arg15[%parallel_loop3A_949] {strides = array<i32>} : memref<1024xf32, #tpu.memory_space<vmem>>, vector<16xf32>,
        %parallel_loop3A_951 = arith.index_cast %parallel_loop3A_948 : i32 to index
        %parallel_loop3A_952 = tpu.vector_load %arg16[%parallel_loop3A_951] {strides = array<i32>} : memref<1024xf32, #tpu.memory_space<vmem>>, vector<16xf32>,
        %parallel_loop3A_953 = arith.constant 0 : i32
        %parallel_loop3A_954 = arith.index_cast %parallel_loop3A_953 : i32 to index
        %parallel_loop3A_955 = arith.index_cast %parallel_loop3A_948 : i32 to index
        %parallel_loop3A_956 = tpu.vector_load %arg13[%parallel_loop3A_954, %parallel_loop3A_955] {strides = array<i32>} : memref<16x1024xf32, #tpu.memory_space<vmem>>, vector<16xf32>,
        %parallel_loop3A_957 = arith.subf %parallel_loop3A_956, %gather3A_331 : vector<16xf32>
        %parallel_loop3A_958 = arith.mulf %parallel_loop3A_957, %gather3A_335 : vector<16xf32>
        %parallel_loop3A_959 = arith.mulf %parallel_loop3A_958, %parallel_loop3A_950 : vector<16xf32>
        %parallel_loop3A_960 = arith.addf %parallel_loop3A_959, %parallel_loop3A_952 : vector<16xf32>
        %parallel_loop3A_961 = arith.constant 0 : i32
        %parallel_loop3A_962 = arith.index_cast %parallel_loop3A_961 : i32 to index
        %parallel_loop3A_963 = arith.index_cast %parallel_loop3A_948 : i32 to index
        %parallel_loop3A_964 = tpu.vector_load %arg13[%parallel_loop3A_962, %parallel_loop3A_963] {strides = array<i32>} : memref<16x1024xf32, #tpu.memory_space<vmem>>, vector<16xf32>,
        tpu.vector_store %arg13[%parallel_loop3A_962, %parallel_loop3A_963], %parallel_loop3A_960 {strides = array<i32>} : memref<16x1024xf32, #tpu.memory_space<vmem>>, vector<16xf32>,
        %parallel_loop3A_965 = arith.constant 1 : i32
        %parallel_loop3A_966 = arith.index_cast %parallel_loop3A_965 : i32 to index
        %parallel_loop3A_967 = arith.index_cast %parallel_loop3A_948 : i32 to index
        %parallel_loop3A_968 = tpu.vector_load %arg13[%parallel_loop3A_966, %parallel_loop3A_967] {strides = array<i32>} : memref<16x1024xf32, #tpu.memory_space<vmem>>, vector<16xf32>,
        %parallel_loop3A_969 = arith.subf %parallel_loop3A_968, %gather3A_341 : vector<16xf32>
        %parallel_loop3A_970 = arith.mulf %parallel_loop3A_969, %gather3A_345 : vector<16xf32>
        %parallel_loop3A_971 = arith.mulf %parallel_loop3A_970, %parallel_loop3A_950 : vector<16xf32>
        %parallel_loop3A_972 = arith.addf %parallel_loop3A_971, %parallel_loop3A_952 : vector<16xf32>
        %parallel_loop3A_973 = arith.constant 1 : i32
        %parallel_loop3A_974 = arith.index_cast %parallel_loop3A_973 : i32 to index
        %parallel_loop3A_975 = arith.index_cast %parallel_loop3A_948 : i32 to index
        %parallel_loop3A_976 = tpu.vector_load %arg13[%parallel_loop3A_974, %parallel_loop3A_975] {strides = array<i32>} : memref<16x1024xf32, #tpu.memory_space<vmem>>, vector<16xf32>,
        tpu.vector_store %arg13[%parallel_loop3A_974, %parallel_loop3A_975], %parallel_loop3A_972 {strides = array<i32>} : memref<16x1024xf32, #tpu.memory_space<vmem>>, vector<16xf32>,
        %parallel_loop3A_977 = arith.constant 2 : i32
        %parallel_loop3A_978 = arith.index_cast %parallel_loop3A_977 : i32 to index
        %parallel_loop3A_979 = arith.index_cast %parallel_loop3A_948 : i32 to index
        %parallel_loop3A_980 = tpu.vector_load %arg13[%parallel_loop3A_978, %parallel_loop3A_979] {strides = array<i32>} : memref<16x1024xf32, #tpu.memory_space<vmem>>, vector<16xf32>,
        %parallel_loop3A_981 = arith.subf %parallel_loop3A_980, %gather3A_351 : vector<16xf32>
        %parallel_loop3A_982 = arith.mulf %parallel_loop3A_981, %gather3A_355 : vector<16xf32>
        %parallel_loop3A_983 = arith.mulf %parallel_loop3A_982, %parallel_loop3A_950 : vector<16xf32>
        %parallel_loop3A_984 = arith.addf %parallel_loop3A_983, %parallel_loop3A_952 : vector<16xf32>
        %parallel_loop3A_985 = arith.constant 2 : i32
        %parallel_loop3A_986 = arith.index_cast %parallel_loop3A_985 : i32 to index
        %parallel_loop3A_987 = arith.index_cast %parallel_loop3A_948 : i32 to index
        %parallel_loop3A_988 = tpu.vector_load %arg13[%parallel_loop3A_986, %parallel_loop3A_987] {strides = array<i32>} : memref<16x1024xf32, #tpu.memory_space<vmem>>, vector<16xf32>,
        tpu.vector_store %arg13[%parallel_loop3A_986, %parallel_loop3A_987], %parallel_loop3A_984 {strides = array<i32>} : memref<16x1024xf32, #tpu.memory_space<vmem>>, vector<16xf32>,
        %parallel_loop3A_989 = arith.constant 3 : i32
        %parallel_loop3A_990 = arith.index_cast %parallel_loop3A_989 : i32 to index
        %parallel_loop3A_991 = arith.index_cast %parallel_loop3A_948 : i32 to index
        %parallel_loop3A_992 = tpu.vector_load %arg13[%parallel_loop3A_990, %parallel_loop3A_991] {strides = array<i32>} : memref<16x1024xf32, #tpu.memory_space<vmem>>, vector<16xf32>,
        %parallel_loop3A_993 = arith.subf %parallel_loop3A_992, %gather3A_361 : vector<16xf32>
        %parallel_loop3A_994 = arith.mulf %parallel_loop3A_993, %gather3A_365 : vector<16xf32>
        %parallel_loop3A_995 = arith.mulf %parallel_loop3A_994, %parallel_loop3A_950 : vector<16xf32>
        %parallel_loop3A_996 = arith.addf %parallel_loop3A_995, %parallel_loop3A_952 : vector<16xf32>
        %parallel_loop3A_997 = arith.constant 3 : i32
        %parallel_loop3A_998 = arith.index_cast %parallel_loop3A_997 : i32 to index
        %parallel_loop3A_999 = arith.index_cast %parallel_loop3A_948 : i32 to index
        %parallel_loop3A_1000 = tpu.vector_load %arg13[%parallel_loop3A_998, %parallel_loop3A_999] {strides = array<i32>} : memref<16x1024xf32, #tpu.memory_space<vmem>>, vector<16xf32>,
        tpu.vector_store %arg13[%parallel_loop3A_998, %parallel_loop3A_999], %parallel_loop3A_996 {strides = array<i32>} : memref<16x1024xf32, #tpu.memory_space<vmem>>, vector<16xf32>,
        %parallel_loop3A_1001 = arith.constant 4 : i32
        %parallel_loop3A_1002 = arith.index_cast %parallel_loop3A_1001 : i32 to index
        %parallel_loop3A_1003 = arith.index_cast %parallel_loop3A_948 : i32 to index
        %parallel_loop3A_1004 = tpu.vector_load %arg13[%parallel_loop3A_1002, %parallel_loop3A_1003] {strides = array<i32>} : memref<16x1024xf32, #tpu.memory_space<vmem>>, vector<16xf32>,
        %parallel_loop3A_1005 = arith.subf %parallel_loop3A_1004, %gather3A_371 : vector<16xf32>
        %parallel_loop3A_1006 = arith.mulf %parallel_loop3A_1005, %gather3A_375 : vector<16xf32>
        %parallel_loop3A_1007 = arith.mulf %parallel_loop3A_1006, %parallel_loop3A_950 : vector<16xf32>
        %parallel_loop3A_1008 = arith.addf %parallel_loop3A_1007, %parallel_loop3A_952 : vector<16xf32>
        %parallel_loop3A_1009 = arith.constant 4 : i32
        %parallel_loop3A_1010 = arith.index_cast %parallel_loop3A_1009 : i32 to index
        %parallel_loop3A_1011 = arith.index_cast %parallel_loop3A_948 : i32 to index
        %parallel_loop3A_1012 = tpu.vector_load %arg13[%parallel_loop3A_1010, %parallel_loop3A_1011] {strides = array<i32>} : memref<16x1024xf32, #tpu.memory_space<vmem>>, vector<16xf32>,
        tpu.vector_store %arg13[%parallel_loop3A_1010, %parallel_loop3A_1011], %parallel_loop3A_1008 {strides = array<i32>} : memref<16x1024xf32, #tpu.memory_space<vmem>>, vector<16xf32>,
        %parallel_loop3A_1013 = arith.constant 5 : i32
        %parallel_loop3A_1014 = arith.index_cast %parallel_loop3A_1013 : i32 to index
        %parallel_loop3A_1015 = arith.index_cast %parallel_loop3A_948 : i32 to index
        %parallel_loop3A_1016 = tpu.vector_load %arg13[%parallel_loop3A_1014, %parallel_loop3A_1015] {strides = array<i32>} : memref<16x1024xf32, #tpu.memory_space<vmem>>, vector<16xf32>,
        %parallel_loop3A_1017 = arith.subf %parallel_loop3A_1016, %gather3A_381 : vector<16xf32>
        %parallel_loop3A_1018 = arith.mulf %parallel_loop3A_1017, %gather3A_385 : vector<16xf32>
        %parallel_loop3A_1019 = arith.mulf %parallel_loop3A_1018, %parallel_loop3A_950 : vector<16xf32>
        %parallel_loop3A_1020 = arith.addf %parallel_loop3A_1019, %parallel_loop3A_952 : vector<16xf32>
        %parallel_loop3A_1021 = arith.constant 5 : i32
        %parallel_loop3A_1022 = arith.index_cast %parallel_loop3A_1021 : i32 to index
        %parallel_loop3A_1023 = arith.index_cast %parallel_loop3A_948 : i32 to index
        %parallel_loop3A_1024 = tpu.vector_load %arg13[%parallel_loop3A_1022, %parallel_loop3A_1023] {strides = array<i32>} : memref<16x1024xf32, #tpu.memory_space<vmem>>, vector<16xf32>,
        tpu.vector_store %arg13[%parallel_loop3A_1022, %parallel_loop3A_1023], %parallel_loop3A_1020 {strides = array<i32>} : memref<16x1024xf32, #tpu.memory_space<vmem>>, vector<16xf32>,
        %parallel_loop3A_1025 = arith.constant 6 : i32
        %parallel_loop3A_1026 = arith.index_cast %parallel_loop3A_1025 : i32 to index
        %parallel_loop3A_1027 = arith.index_cast %parallel_loop3A_948 : i32 to index
        %parallel_loop3A_1028 = tpu.vector_load %arg13[%parallel_loop3A_1026, %parallel_loop3A_1027] {strides = array<i32>} : memref<16x1024xf32, #tpu.memory_space<vmem>>, vector<16xf32>,
        %parallel_loop3A_1029 = arith.subf %parallel_loop3A_1028, %gather3A_391 : vector<16xf32>
        %parallel_loop3A_1030 = arith.mulf %parallel_loop3A_1029, %gather3A_395 : vector<16xf32>
        %parallel_loop3A_1031 = arith.mulf %parallel_loop3A_1030, %parallel_loop3A_950 : vector<16xf32>
        %parallel_loop3A_1032 = arith.addf %parallel_loop3A_1031, %parallel_loop3A_952 : vector<16xf32>
        %parallel_loop3A_1033 = arith.constant 6 : i32
        %parallel_loop3A_1034 = arith.index_cast %parallel_loop3A_1033 : i32 to index
        %parallel_loop3A_1035 = arith.index_cast %parallel_loop3A_948 : i32 to index
        %parallel_loop3A_1036 = tpu.vector_load %arg13[%parallel_loop3A_1034, %parallel_loop3A_1035] {strides = array<i32>} : memref<16x1024xf32, #tpu.memory_space<vmem>>, vector<16xf32>,
        tpu.vector_store %arg13[%parallel_loop3A_1034, %parallel_loop3A_1035], %parallel_loop3A_1032 {strides = array<i32>} : memref<16x1024xf32, #tpu.memory_space<vmem>>, vector<16xf32>,
        %parallel_loop3A_1037 = arith.constant 7 : i32
        %parallel_loop3A_1038 = arith.index_cast %parallel_loop3A_1037 : i32 to index
        %parallel_loop3A_1039 = arith.index_cast %parallel_loop3A_948 : i32 to index
        %parallel_loop3A_1040 = tpu.vector_load %arg13[%parallel_loop3A_1038, %parallel_loop3A_1039] {strides = array<i32>} : memref<16x1024xf32, #tpu.memory_space<vmem>>, vector<16xf32>,
        %parallel_loop3A_1041 = arith.subf %parallel_loop3A_1040, %gather3A_401 : vector<16xf32>
        %parallel_loop3A_1042 = arith.mulf %parallel_loop3A_1041, %gather3A_405 : vector<16xf32>
        %parallel_loop3A_1043 = arith.mulf %parallel_loop3A_1042, %parallel_loop3A_950 : vector<16xf32>
        %parallel_loop3A_1044 = arith.addf %parallel_loop3A_1043, %parallel_loop3A_952 : vector<16xf32>
        %parallel_loop3A_1045 = arith.constant 7 : i32
        %parallel_loop3A_1046 = arith.index_cast %parallel_loop3A_1045 : i32 to index
        %parallel_loop3A_1047 = arith.index_cast %parallel_loop3A_948 : i32 to index
        %parallel_loop3A_1048 = tpu.vector_load %arg13[%parallel_loop3A_1046, %parallel_loop3A_1047] {strides = array<i32>} : memref<16x1024xf32, #tpu.memory_space<vmem>>, vector<16xf32>,
        tpu.vector_store %arg13[%parallel_loop3A_1046, %parallel_loop3A_1047], %parallel_loop3A_1044 {strides = array<i32>} : memref<16x1024xf32, #tpu.memory_space<vmem>>, vector<16xf32>,
        %parallel_loop3A_1049 = arith.constant 8 : i32
        %parallel_loop3A_1050 = arith.index_cast %parallel_loop3A_1049 : i32 to index
        %parallel_loop3A_1051 = arith.index_cast %parallel_loop3A_948 : i32 to index
        %parallel_loop3A_1052 = tpu.vector_load %arg13[%parallel_loop3A_1050, %parallel_loop3A_1051] {strides = array<i32>} : memref<16x1024xf32, #tpu.memory_space<vmem>>, vector<16xf32>,
        %parallel_loop3A_1053 = arith.subf %parallel_loop3A_1052, %gather3A_411 : vector<16xf32>
        %parallel_loop3A_1054 = arith.mulf %parallel_loop3A_1053, %gather3A_415 : vector<16xf32>
        %parallel_loop3A_1055 = arith.mulf %parallel_loop3A_1054, %parallel_loop3A_950 : vector<16xf32>
        %parallel_loop3A_1056 = arith.addf %parallel_loop3A_1055, %parallel_loop3A_952 : vector<16xf32>
        %parallel_loop3A_1057 = arith.constant 8 : i32
        %parallel_loop3A_1058 = arith.index_cast %parallel_loop3A_1057 : i32 to index
        %parallel_loop3A_1059 = arith.index_cast %parallel_loop3A_948 : i32 to index
        %parallel_loop3A_1060 = tpu.vector_load %arg13[%parallel_loop3A_1058, %parallel_loop3A_1059] {strides = array<i32>} : memref<16x1024xf32, #tpu.memory_space<vmem>>, vector<16xf32>,
        tpu.vector_store %arg13[%parallel_loop3A_1058, %parallel_loop3A_1059], %parallel_loop3A_1056 {strides = array<i32>} : memref<16x1024xf32, #tpu.memory_space<vmem>>, vector<16xf32>,
        %parallel_loop3A_1061 = arith.constant 9 : i32
        %parallel_loop3A_1062 = arith.index_cast %parallel_loop3A_1061 : i32 to index
        %parallel_loop3A_1063 = arith.index_cast %parallel_loop3A_948 : i32 to index
        %parallel_loop3A_1064 = tpu.vector_load %arg13[%parallel_loop3A_1062, %parallel_loop3A_1063] {strides = array<i32>} : memref<16x1024xf32, #tpu.memory_space<vmem>>, vector<16xf32>,
        %parallel_loop3A_1065 = arith.subf %parallel_loop3A_1064, %gather3A_421 : vector<16xf32>
        %parallel_loop3A_1066 = arith.mulf %parallel_loop3A_1065, %gather3A_425 : vector<16xf32>
        %parallel_loop3A_1067 = arith.mulf %parallel_loop3A_1066, %parallel_loop3A_950 : vector<16xf32>
        %parallel_loop3A_1068 = arith.addf %parallel_loop3A_1067, %parallel_loop3A_952 : vector<16xf32>
        %parallel_loop3A_1069 = arith.constant 9 : i32
        %parallel_loop3A_1070 = arith.index_cast %parallel_loop3A_1069 : i32 to index
        %parallel_loop3A_1071 = arith.index_cast %parallel_loop3A_948 : i32 to index
        %parallel_loop3A_1072 = tpu.vector_load %arg13[%parallel_loop3A_1070, %parallel_loop3A_1071] {strides = array<i32>} : memref<16x1024xf32, #tpu.memory_space<vmem>>, vector<16xf32>,
        tpu.vector_store %arg13[%parallel_loop3A_1070, %parallel_loop3A_1071], %parallel_loop3A_1068 {strides = array<i32>} : memref<16x1024xf32, #tpu.memory_space<vmem>>, vector<16xf32>,
        %parallel_loop3A_1073 = arith.constant 10 : i32
        %parallel_loop3A_1074 = arith.index_cast %parallel_loop3A_1073 : i32 to index
        %parallel_loop3A_1075 = arith.index_cast %parallel_loop3A_948 : i32 to index
        %parallel_loop3A_1076 = tpu.vector_load %arg13[%parallel_loop3A_1074, %parallel_loop3A_1075] {strides = array<i32>} : memref<16x1024xf32, #tpu.memory_space<vmem>>, vector<16xf32>,
        %parallel_loop3A_1077 = arith.subf %parallel_loop3A_1076, %gather3A_431 : vector<16xf32>
        %parallel_loop3A_1078 = arith.mulf %parallel_loop3A_1077, %gather3A_435 : vector<16xf32>
        %parallel_loop3A_1079 = arith.mulf %parallel_loop3A_1078, %parallel_loop3A_950 : vector<16xf32>
        %parallel_loop3A_1080 = arith.addf %parallel_loop3A_1079, %parallel_loop3A_952 : vector<16xf32>
        %parallel_loop3A_1081 = arith.constant 10 : i32
        %parallel_loop3A_1082 = arith.index_cast %parallel_loop3A_1081 : i32 to index
        %parallel_loop3A_1083 = arith.index_cast %parallel_loop3A_948 : i32 to index
        %parallel_loop3A_1084 = tpu.vector_load %arg13[%parallel_loop3A_1082, %parallel_loop3A_1083] {strides = array<i32>} : memref<16x1024xf32, #tpu.memory_space<vmem>>, vector<16xf32>,
        tpu.vector_store %arg13[%parallel_loop3A_1082, %parallel_loop3A_1083], %parallel_loop3A_1080 {strides = array<i32>} : memref<16x1024xf32, #tpu.memory_space<vmem>>, vector<16xf32>,
        %parallel_loop3A_1085 = arith.constant 11 : i32
        %parallel_loop3A_1086 = arith.index_cast %parallel_loop3A_1085 : i32 to index
        %parallel_loop3A_1087 = arith.index_cast %parallel_loop3A_948 : i32 to index
        %parallel_loop3A_1088 = tpu.vector_load %arg13[%parallel_loop3A_1086, %parallel_loop3A_1087] {strides = array<i32>} : memref<16x1024xf32, #tpu.memory_space<vmem>>, vector<16xf32>,
        %parallel_loop3A_1089 = arith.subf %parallel_loop3A_1088, %gather3A_441 : vector<16xf32>
        %parallel_loop3A_1090 = arith.mulf %parallel_loop3A_1089, %gather3A_445 : vector<16xf32>
        %parallel_loop3A_1091 = arith.mulf %parallel_loop3A_1090, %parallel_loop3A_950 : vector<16xf32>
        %parallel_loop3A_1092 = arith.addf %parallel_loop3A_1091, %parallel_loop3A_952 : vector<16xf32>
        %parallel_loop3A_1093 = arith.constant 11 : i32
        %parallel_loop3A_1094 = arith.index_cast %parallel_loop3A_1093 : i32 to index
        %parallel_loop3A_1095 = arith.index_cast %parallel_loop3A_948 : i32 to index
        %parallel_loop3A_1096 = tpu.vector_load %arg13[%parallel_loop3A_1094, %parallel_loop3A_1095] {strides = array<i32>} : memref<16x1024xf32, #tpu.memory_space<vmem>>, vector<16xf32>,
        tpu.vector_store %arg13[%parallel_loop3A_1094, %parallel_loop3A_1095], %parallel_loop3A_1092 {strides = array<i32>} : memref<16x1024xf32, #tpu.memory_space<vmem>>, vector<16xf32>,
        %parallel_loop3A_1097 = arith.constant 12 : i32
        %parallel_loop3A_1098 = arith.index_cast %parallel_loop3A_1097 : i32 to index
        %parallel_loop3A_1099 = arith.index_cast %parallel_loop3A_948 : i32 to index
        %parallel_loop3A_1100 = tpu.vector_load %arg13[%parallel_loop3A_1098, %parallel_loop3A_1099] {strides = array<i32>} : memref<16x1024xf32, #tpu.memory_space<vmem>>, vector<16xf32>,
        %parallel_loop3A_1101 = arith.subf %parallel_loop3A_1100, %gather3A_451 : vector<16xf32>
        %parallel_loop3A_1102 = arith.mulf %parallel_loop3A_1101, %gather3A_455 : vector<16xf32>
        %parallel_loop3A_1103 = arith.mulf %parallel_loop3A_1102, %parallel_loop3A_950 : vector<16xf32>
        %parallel_loop3A_1104 = arith.addf %parallel_loop3A_1103, %parallel_loop3A_952 : vector<16xf32>
        %parallel_loop3A_1105 = arith.constant 12 : i32
        %parallel_loop3A_1106 = arith.index_cast %parallel_loop3A_1105 : i32 to index
        %parallel_loop3A_1107 = arith.index_cast %parallel_loop3A_948 : i32 to index
        %parallel_loop3A_1108 = tpu.vector_load %arg13[%parallel_loop3A_1106, %parallel_loop3A_1107] {strides = array<i32>} : memref<16x1024xf32, #tpu.memory_space<vmem>>, vector<16xf32>,
        tpu.vector_store %arg13[%parallel_loop3A_1106, %parallel_loop3A_1107], %parallel_loop3A_1104 {strides = array<i32>} : memref<16x1024xf32, #tpu.memory_space<vmem>>, vector<16xf32>,
        %parallel_loop3A_1109 = arith.constant 13 : i32
        %parallel_loop3A_1110 = arith.index_cast %parallel_loop3A_1109 : i32 to index
        %parallel_loop3A_1111 = arith.index_cast %parallel_loop3A_948 : i32 to index
        %parallel_loop3A_1112 = tpu.vector_load %arg13[%parallel_loop3A_1110, %parallel_loop3A_1111] {strides = array<i32>} : memref<16x1024xf32, #tpu.memory_space<vmem>>, vector<16xf32>,
        %parallel_loop3A_1113 = arith.subf %parallel_loop3A_1112, %gather3A_461 : vector<16xf32>
        %parallel_loop3A_1114 = arith.mulf %parallel_loop3A_1113, %gather3A_465 : vector<16xf32>
        %parallel_loop3A_1115 = arith.mulf %parallel_loop3A_1114, %parallel_loop3A_950 : vector<16xf32>
        %parallel_loop3A_1116 = arith.addf %parallel_loop3A_1115, %parallel_loop3A_952 : vector<16xf32>
        %parallel_loop3A_1117 = arith.constant 13 : i32
        %parallel_loop3A_1118 = arith.index_cast %parallel_loop3A_1117 : i32 to index
        %parallel_loop3A_1119 = arith.index_cast %parallel_loop3A_948 : i32 to index
        %parallel_loop3A_1120 = tpu.vector_load %arg13[%parallel_loop3A_1118, %parallel_loop3A_1119] {strides = array<i32>} : memref<16x1024xf32, #tpu.memory_space<vmem>>, vector<16xf32>,
        tpu.vector_store %arg13[%parallel_loop3A_1118, %parallel_loop3A_1119], %parallel_loop3A_1116 {strides = array<i32>} : memref<16x1024xf32, #tpu.memory_space<vmem>>, vector<16xf32>,
        %parallel_loop3A_1121 = arith.constant 14 : i32
        %parallel_loop3A_1122 = arith.index_cast %parallel_loop3A_1121 : i32 to index
        %parallel_loop3A_1123 = arith.index_cast %parallel_loop3A_948 : i32 to index
        %parallel_loop3A_1124 = tpu.vector_load %arg13[%parallel_loop3A_1122, %parallel_loop3A_1123] {strides = array<i32>} : memref<16x1024xf32, #tpu.memory_space<vmem>>, vector<16xf32>,
        %parallel_loop3A_1125 = arith.subf %parallel_loop3A_1124, %gather3A_471 : vector<16xf32>
        %parallel_loop3A_1126 = arith.mulf %parallel_loop3A_1125, %gather3A_475 : vector<16xf32>
        %parallel_loop3A_1127 = arith.mulf %parallel_loop3A_1126, %parallel_loop3A_950 : vector<16xf32>
        %parallel_loop3A_1128 = arith.addf %parallel_loop3A_1127, %parallel_loop3A_952 : vector<16xf32>
        %parallel_loop3A_1129 = arith.constant 14 : i32
        %parallel_loop3A_1130 = arith.index_cast %parallel_loop3A_1129 : i32 to index
        %parallel_loop3A_1131 = arith.index_cast %parallel_loop3A_948 : i32 to index
        %parallel_loop3A_1132 = tpu.vector_load %arg13[%parallel_loop3A_1130, %parallel_loop3A_1131] {strides = array<i32>} : memref<16x1024xf32, #tpu.memory_space<vmem>>, vector<16xf32>,
        tpu.vector_store %arg13[%parallel_loop3A_1130, %parallel_loop3A_1131], %parallel_loop3A_1128 {strides = array<i32>} : memref<16x1024xf32, #tpu.memory_space<vmem>>, vector<16xf32>,
        %parallel_loop3A_1133 = arith.constant 15 : i32
        %parallel_loop3A_1134 = arith.index_cast %parallel_loop3A_1133 : i32 to index
        %parallel_loop3A_1135 = arith.index_cast %parallel_loop3A_948 : i32 to index
        %parallel_loop3A_1136 = tpu.vector_load %arg13[%parallel_loop3A_1134, %parallel_loop3A_1135] {strides = array<i32>} : memref<16x1024xf32, #tpu.memory_space<vmem>>, vector<16xf32>,
        %parallel_loop3A_1137 = arith.subf %parallel_loop3A_1136, %gather3A_481 : vector<16xf32>
        %parallel_loop3A_1138 = arith.mulf %parallel_loop3A_1137, %gather3A_485 : vector<16xf32>
        %parallel_loop3A_1139 = arith.mulf %parallel_loop3A_1138, %parallel_loop3A_950 : vector<16xf32>
        %parallel_loop3A_1140 = arith.addf %parallel_loop3A_1139, %parallel_loop3A_952 : vector<16xf32>
        %parallel_loop3A_1141 = arith.constant 15 : i32
        %parallel_loop3A_1142 = arith.index_cast %parallel_loop3A_1141 : i32 to index
        %parallel_loop3A_1143 = arith.index_cast %parallel_loop3A_948 : i32 to index
        %parallel_loop3A_1144 = tpu.vector_load %arg13[%parallel_loop3A_1142, %parallel_loop3A_1143] {strides = array<i32>} : memref<16x1024xf32, #tpu.memory_space<vmem>>, vector<16xf32>,
        tpu.vector_store %arg13[%parallel_loop3A_1142, %parallel_loop3A_1143], %parallel_loop3A_1140 {strides = array<i32>} : memref<16x1024xf32, #tpu.memory_space<vmem>>, vector<16xf32>,
      } {sc.loop_unroll_factor = 1 : i64, sc.parallel_access}
      %dma_start3A_488 = arith.constant 0 : i32
      %dma_start3A_489 = tpu.memref_slice %arg7[%add3A_53, %dma_start3A_488] : memref<16384x1024xf32, #tpu.memory_space<hbm>> -> memref<16x1024xf32, #tpu.memory_space<hbm>>
      %dma_start3A_490 = arith.constant 0 : i32
      %dma_start3A_491 = tpu.memref_slice %arg7[%add3A_53, %dma_start3A_490] : memref<16384x1024xf32, #tpu.memory_space<hbm>> -> memref<16x1024xf32, #tpu.memory_space<hbm>>
      tpu.enqueue_dma source(%arg13 : memref<16x1024xf32, #tpu.memory_space<vmem>>) target(%dma_start3A_491 : memref<16x1024xf32, #tpu.memory_space<hbm>>) target_semaphore(%arg22 : memref<!tpu.dma_semaphore, #tpu.memory_space<semaphore_mem>>)
      %add3A_492 = arith.constant 1 : i32
      %add3A_493 = arith.addi %mul3A_48, %add3A_492 : i32
      %mul3A_494 = arith.constant 16 : i32
      %mul3A_495 = arith.muli %add3A_493, %mul3A_494 : i32
      %add3A_496 = arith.addi %mul3A_2, %mul3A_495 : i32
      %mul3A_497 = arith.constant 16 : i32
      %mul3A_498 = arith.muli %add3A_493, %mul3A_497 : i32
      %dma_wait3A_499 = tpu.memref_slice %arg8[%mul3A_498] : memref<512xi32, #tpu.memory_space<vmem>> -> memref<16xi32, #tpu.memory_space<vmem>>
      %dma_wait3A_500 = arith.constant 0 : i32
      %dma_wait3A_501 = arith.constant 0 : i32
      %dma_wait3A_502 = tpu.memref_slice %arg4[%dma_wait3A_500, %dma_wait3A_501] : memref<4096x1024xf32, #tpu.memory_space<hbm>> -> memref<4096x1024xf32, #tpu.memory_space<hbm>>
      tpu.wait_indirect_dma semaphore(%arg19 : memref<!tpu.dma_semaphore, #tpu.memory_space<semaphore_mem>>) src(%dma_wait3A_502 : memref<4096x1024xf32, #tpu.memory_space<hbm>>) dst(%arg12 : memref<16x1024xf32, #tpu.memory_space<vmem>>)
      %dma_wait3A_503 = arith.constant 0 : i32
      %dma_wait3A_504 = tpu.memref_slice %arg2[%add3A_496, %dma_wait3A_503] : memref<16384x1024xf32, #tpu.memory_space<hbm>> -> memref<16x1024xf32, #tpu.memory_space<hbm>>
      %dma_wait3A_505 = arith.constant 0 : i32
      %dma_wait3A_506 = tpu.memref_slice %arg2[%add3A_496, %dma_wait3A_505] : memref<16384x1024xf32, #tpu.memory_space<hbm>> -> memref<16x1024xf32, #tpu.memory_space<hbm>>
      tpu.wait_dma2 semaphore(%arg21 : memref<!tpu.dma_semaphore, #tpu.memory_space<semaphore_mem>>) src(%dma_wait3A_506 : memref<16x1024xf32, #tpu.memory_space<hbm>>) dst(%arg10 : memref<16x1024xf32, #tpu.memory_space<vmem>>)
      %ge3A_507 = arith.constant 2 : i32
      %ge3A_508 = arith.cmpi sge, %add3A_493, %ge3A_507 : i32
      %convert_element_type3A_509 = arith.extui %ge3A_508 : i1 to i32
      %cond3A_510 = arith.constant 0 : i32
      %cond3A_511 = arith.cmpi ne, %convert_element_type3A_509, %cond3A_510 : i32
      scf.if %cond3A_511 {
        %sub3A_946 = arith.constant 2 : i32
        %sub3A_947 = arith.subi %add3A_493, %sub3A_946 : i32
        %mul3A_948 = arith.constant 16 : i32
        %mul3A_949 = arith.muli %sub3A_947, %mul3A_948 : i32
        %add3A_950 = arith.addi %mul3A_2, %mul3A_949 : i32
        %dma_wait3A_951 = arith.constant 0 : i32
        %dma_wait3A_952 = tpu.memref_slice %arg7[%add3A_950, %dma_wait3A_951] : memref<16384x1024xf32, #tpu.memory_space<hbm>> -> memref<16x1024xf32, #tpu.memory_space<hbm>>
        %dma_wait3A_953 = arith.constant 0 : i32
        %dma_wait3A_954 = tpu.memref_slice %arg7[%add3A_950, %dma_wait3A_953] : memref<16384x1024xf32, #tpu.memory_space<hbm>> -> memref<16x1024xf32, #tpu.memory_space<hbm>>
        tpu.wait_dma2 semaphore(%arg23 : memref<!tpu.dma_semaphore, #tpu.memory_space<semaphore_mem>>) src(%arg14 : memref<16x1024xf32, #tpu.memory_space<vmem>>) dst(%dma_wait3A_954 : memref<16x1024xf32, #tpu.memory_space<hbm>>)
      } else {
      }
      %scan3A_512 = arith.constant 0 : i32
      %scan3A_513 = arith.constant 0 : i32
      %scan3A_514 = arith.constant 16 : i32
      %scan3A_515 = arith.addi %scan3A_513, %scan3A_514 : i32
      %scan3A_516 = arith.constant 1 : i32
      %scan3A_517 = scf.for %scan3A_946 = %scan3A_513 to %scan3A_515 step %scan3A_516 iter_args(%scan3A_947 = %scan3A_512) -> (i32)  : i32 {
        %parallel_loop3A_948 = arith.constant 0 : i32
        %parallel_loop3A_949 = arith.constant 64 : i32
        %parallel_loop3A_950 = arith.constant 4 : i32
        %parallel_loop3A_951:8 = scf.for %parallel_loop3A_973 = %parallel_loop3A_948 to %parallel_loop3A_949 step %parallel_loop3A_950 iter_args(%parallel_loop3A_974 = %broadcast_in_dim3A_3, %parallel_loop3A_975 = %broadcast_in_dim3A_3, %parallel_loop3A_976 = %broadcast_in_dim3A_3, %parallel_loop3A_977 = %broadcast_in_dim3A_3, %parallel_loop3A_978 = %broadcast_in_dim3A_3, %parallel_loop3A_979 = %broadcast_in_dim3A_3, %parallel_loop3A_980 = %broadcast_in_dim3A_3, %parallel_loop3A_981 = %broadcast_in_dim3A_3) -> (vector<16xf32>, vector<16xf32>, vector<16xf32>, vector<16xf32>, vector<16xf32>, vector<16xf32>, vector<16xf32>, vector<16xf32>)  : i32 {
          %parallel_loop3A_982 = arith.constant 0 : i32
          %parallel_loop3A_983 = arith.addi %parallel_loop3A_973, %parallel_loop3A_982 : i32
          %parallel_loop3A_984 = arith.constant 16 : i32
          %parallel_loop3A_985 = arith.muli %parallel_loop3A_983, %parallel_loop3A_984 : i32
          %parallel_loop3A_986 = arith.index_cast %scan3A_946 : i32 to index
          %parallel_loop3A_987 = arith.index_cast %parallel_loop3A_985 : i32 to index
          %parallel_loop3A_988 = tpu.vector_load %arg10[%parallel_loop3A_986, %parallel_loop3A_987] {strides = array<i32>} : memref<16x1024xf32, #tpu.memory_space<vmem>>, vector<16xf32>,
          %parallel_loop3A_989 = arith.index_cast %scan3A_946 : i32 to index
          %parallel_loop3A_990 = arith.index_cast %parallel_loop3A_985 : i32 to index
          %parallel_loop3A_991 = tpu.vector_load %arg12[%parallel_loop3A_989, %parallel_loop3A_990] {strides = array<i32>} : memref<16x1024xf32, #tpu.memory_space<vmem>>, vector<16xf32>,
          %parallel_loop3A_992 = arith.addf %parallel_loop3A_988, %parallel_loop3A_991 : vector<16xf32>
          %parallel_loop3A_993 = arith.index_cast %scan3A_946 : i32 to index
          %parallel_loop3A_994 = arith.index_cast %parallel_loop3A_985 : i32 to index
          %parallel_loop3A_995 = tpu.vector_load %arg14[%parallel_loop3A_993, %parallel_loop3A_994] {strides = array<i32>} : memref<16x1024xf32, #tpu.memory_space<vmem>>, vector<16xf32>,
          tpu.vector_store %arg14[%parallel_loop3A_993, %parallel_loop3A_994], %parallel_loop3A_992 {strides = array<i32>} : memref<16x1024xf32, #tpu.memory_space<vmem>>, vector<16xf32>,
          %parallel_loop3A_996 = arith.addf %parallel_loop3A_974, %parallel_loop3A_992 : vector<16xf32>
          %parallel_loop3A_997 = arith.mulf %parallel_loop3A_992, %parallel_loop3A_992 : vector<16xf32>
          %parallel_loop3A_998 = arith.addf %parallel_loop3A_978, %parallel_loop3A_997 : vector<16xf32>
          %parallel_loop3A_999 = arith.constant 1 : i32
          %parallel_loop3A_1000 = arith.addi %parallel_loop3A_973, %parallel_loop3A_999 : i32
          %parallel_loop3A_1001 = arith.constant 16 : i32
          %parallel_loop3A_1002 = arith.muli %parallel_loop3A_1000, %parallel_loop3A_1001 : i32
          %parallel_loop3A_1003 = arith.index_cast %scan3A_946 : i32 to index
          %parallel_loop3A_1004 = arith.index_cast %parallel_loop3A_1002 : i32 to index
          %parallel_loop3A_1005 = tpu.vector_load %arg10[%parallel_loop3A_1003, %parallel_loop3A_1004] {strides = array<i32>} : memref<16x1024xf32, #tpu.memory_space<vmem>>, vector<16xf32>,
          %parallel_loop3A_1006 = arith.index_cast %scan3A_946 : i32 to index
          %parallel_loop3A_1007 = arith.index_cast %parallel_loop3A_1002 : i32 to index
          %parallel_loop3A_1008 = tpu.vector_load %arg12[%parallel_loop3A_1006, %parallel_loop3A_1007] {strides = array<i32>} : memref<16x1024xf32, #tpu.memory_space<vmem>>, vector<16xf32>,
          %parallel_loop3A_1009 = arith.addf %parallel_loop3A_1005, %parallel_loop3A_1008 : vector<16xf32>
          %parallel_loop3A_1010 = arith.index_cast %scan3A_946 : i32 to index
          %parallel_loop3A_1011 = arith.index_cast %parallel_loop3A_1002 : i32 to index
          %parallel_loop3A_1012 = tpu.vector_load %arg14[%parallel_loop3A_1010, %parallel_loop3A_1011] {strides = array<i32>} : memref<16x1024xf32, #tpu.memory_space<vmem>>, vector<16xf32>,
          tpu.vector_store %arg14[%parallel_loop3A_1010, %parallel_loop3A_1011], %parallel_loop3A_1009 {strides = array<i32>} : memref<16x1024xf32, #tpu.memory_space<vmem>>, vector<16xf32>,
          %parallel_loop3A_1013 = arith.addf %parallel_loop3A_975, %parallel_loop3A_1009 : vector<16xf32>
          %parallel_loop3A_1014 = arith.mulf %parallel_loop3A_1009, %parallel_loop3A_1009 : vector<16xf32>
          %parallel_loop3A_1015 = arith.addf %parallel_loop3A_979, %parallel_loop3A_1014 : vector<16xf32>
          %parallel_loop3A_1016 = arith.constant 2 : i32
          %parallel_loop3A_1017 = arith.addi %parallel_loop3A_973, %parallel_loop3A_1016 : i32
          %parallel_loop3A_1018 = arith.constant 16 : i32
          %parallel_loop3A_1019 = arith.muli %parallel_loop3A_1017, %parallel_loop3A_1018 : i32
          %parallel_loop3A_1020 = arith.index_cast %scan3A_946 : i32 to index
          %parallel_loop3A_1021 = arith.index_cast %parallel_loop3A_1019 : i32 to index
          %parallel_loop3A_1022 = tpu.vector_load %arg10[%parallel_loop3A_1020, %parallel_loop3A_1021] {strides = array<i32>} : memref<16x1024xf32, #tpu.memory_space<vmem>>, vector<16xf32>,
          %parallel_loop3A_1023 = arith.index_cast %scan3A_946 : i32 to index
          %parallel_loop3A_1024 = arith.index_cast %parallel_loop3A_1019 : i32 to index
          %parallel_loop3A_1025 = tpu.vector_load %arg12[%parallel_loop3A_1023, %parallel_loop3A_1024] {strides = array<i32>} : memref<16x1024xf32, #tpu.memory_space<vmem>>, vector<16xf32>,
          %parallel_loop3A_1026 = arith.addf %parallel_loop3A_1022, %parallel_loop3A_1025 : vector<16xf32>
          %parallel_loop3A_1027 = arith.index_cast %scan3A_946 : i32 to index
          %parallel_loop3A_1028 = arith.index_cast %parallel_loop3A_1019 : i32 to index
          %parallel_loop3A_1029 = tpu.vector_load %arg14[%parallel_loop3A_1027, %parallel_loop3A_1028] {strides = array<i32>} : memref<16x1024xf32, #tpu.memory_space<vmem>>, vector<16xf32>,
          tpu.vector_store %arg14[%parallel_loop3A_1027, %parallel_loop3A_1028], %parallel_loop3A_1026 {strides = array<i32>} : memref<16x1024xf32, #tpu.memory_space<vmem>>, vector<16xf32>,
          %parallel_loop3A_1030 = arith.addf %parallel_loop3A_976, %parallel_loop3A_1026 : vector<16xf32>
          %parallel_loop3A_1031 = arith.mulf %parallel_loop3A_1026, %parallel_loop3A_1026 : vector<16xf32>
          %parallel_loop3A_1032 = arith.addf %parallel_loop3A_980, %parallel_loop3A_1031 : vector<16xf32>
          %parallel_loop3A_1033 = arith.constant 3 : i32
          %parallel_loop3A_1034 = arith.addi %parallel_loop3A_973, %parallel_loop3A_1033 : i32
          %parallel_loop3A_1035 = arith.constant 16 : i32
          %parallel_loop3A_1036 = arith.muli %parallel_loop3A_1034, %parallel_loop3A_1035 : i32
          %parallel_loop3A_1037 = arith.index_cast %scan3A_946 : i32 to index
          %parallel_loop3A_1038 = arith.index_cast %parallel_loop3A_1036 : i32 to index
          %parallel_loop3A_1039 = tpu.vector_load %arg10[%parallel_loop3A_1037, %parallel_loop3A_1038] {strides = array<i32>} : memref<16x1024xf32, #tpu.memory_space<vmem>>, vector<16xf32>,
          %parallel_loop3A_1040 = arith.index_cast %scan3A_946 : i32 to index
          %parallel_loop3A_1041 = arith.index_cast %parallel_loop3A_1036 : i32 to index
          %parallel_loop3A_1042 = tpu.vector_load %arg12[%parallel_loop3A_1040, %parallel_loop3A_1041] {strides = array<i32>} : memref<16x1024xf32, #tpu.memory_space<vmem>>, vector<16xf32>,
          %parallel_loop3A_1043 = arith.addf %parallel_loop3A_1039, %parallel_loop3A_1042 : vector<16xf32>
          %parallel_loop3A_1044 = arith.index_cast %scan3A_946 : i32 to index
          %parallel_loop3A_1045 = arith.index_cast %parallel_loop3A_1036 : i32 to index
          %parallel_loop3A_1046 = tpu.vector_load %arg14[%parallel_loop3A_1044, %parallel_loop3A_1045] {strides = array<i32>} : memref<16x1024xf32, #tpu.memory_space<vmem>>, vector<16xf32>,
          tpu.vector_store %arg14[%parallel_loop3A_1044, %parallel_loop3A_1045], %parallel_loop3A_1043 {strides = array<i32>} : memref<16x1024xf32, #tpu.memory_space<vmem>>, vector<16xf32>,
          %parallel_loop3A_1047 = arith.addf %parallel_loop3A_977, %parallel_loop3A_1043 : vector<16xf32>
          %parallel_loop3A_1048 = arith.mulf %parallel_loop3A_1043, %parallel_loop3A_1043 : vector<16xf32>
          %parallel_loop3A_1049 = arith.addf %parallel_loop3A_981, %parallel_loop3A_1048 : vector<16xf32>
          scf.yield %parallel_loop3A_996, %parallel_loop3A_1013, %parallel_loop3A_1030, %parallel_loop3A_1047, %parallel_loop3A_998, %parallel_loop3A_1015, %parallel_loop3A_1032, %parallel_loop3A_1049 : vector<16xf32>, vector<16xf32>, vector<16xf32>, vector<16xf32>, vector<16xf32>, vector<16xf32>, vector<16xf32>, vector<16xf32>
        } {sc.loop_unroll_factor = 2 : i64, sc.parallel_access}
        %add3A_952 = arith.addf %parallel_loop3A_951#0, %parallel_loop3A_951#1 : vector<16xf32>
        %add3A_953 = arith.addf %parallel_loop3A_951#2, %parallel_loop3A_951#3 : vector<16xf32>
        %add3A_954 = arith.addf %add3A_952, %add3A_953 : vector<16xf32>
        %add3A_955 = arith.addf %parallel_loop3A_951#4, %parallel_loop3A_951#5 : vector<16xf32>
        %add3A_956 = arith.addf %parallel_loop3A_951#6, %parallel_loop3A_951#7 : vector<16xf32>
        %add3A_957 = arith.addf %add3A_955, %add3A_956 : vector<16xf32>
        %mul3A_958 = arith.constant 2 : i32
        %mul3A_959 = arith.muli %scan3A_946, %mul3A_958 : i32
        %mul3A_960 = arith.constant 16 : i32
        %mul3A_961 = arith.muli %mul3A_959, %mul3A_960 : i32
        %swap3A_962 = arith.index_cast %mul3A_961 : i32 to index
        %swap3A_963 = tpu.vector_load %arg17[%swap3A_962] {strides = array<i32>} : memref<544xf32, #tpu.memory_space<vmem>>, vector<16xf32>,
        tpu.vector_store %arg17[%swap3A_962], %add3A_954 {strides = array<i32>} : memref<544xf32, #tpu.memory_space<vmem>>, vector<16xf32>,
        %mul3A_964 = arith.constant 2 : i32
        %mul3A_965 = arith.muli %scan3A_946, %mul3A_964 : i32
        %mul3A_966 = arith.constant 16 : i32
        %mul3A_967 = arith.muli %mul3A_965, %mul3A_966 : i32
        %add3A_968 = arith.constant 16 : i32
        %add3A_969 = arith.addi %mul3A_967, %add3A_968 : i32
        %swap3A_970 = arith.index_cast %add3A_969 : i32 to index
        %swap3A_971 = tpu.vector_load %arg17[%swap3A_970] {strides = array<i32>} : memref<544xf32, #tpu.memory_space<vmem>>, vector<16xf32>,
        tpu.vector_store %arg17[%swap3A_970], %add3A_957 {strides = array<i32>} : memref<544xf32, #tpu.memory_space<vmem>>, vector<16xf32>,
        %scan3A_972 = arith.constant 0 : i32
        scf.yield %scan3A_972 : i32
      }
      %scan3A_518 = arith.constant 16 : i32
      %add3A_519 = arith.constant 2 : i32
      %add3A_520 = arith.addi %add3A_493, %add3A_519 : i32
      %lt3A_521 = arith.constant 32 : i32
      %lt3A_522 = arith.cmpi slt, %add3A_520, %lt3A_521 : i32
      %convert_element_type3A_523 = arith.extui %lt3A_522 : i1 to i32
      %cond3A_524 = arith.constant 0 : i32
      %cond3A_525 = arith.cmpi ne, %convert_element_type3A_523, %cond3A_524 : i32
      scf.if %cond3A_525 {
        %add3A_946 = arith.constant 2 : i32
        %add3A_947 = arith.addi %add3A_493, %add3A_946 : i32
        %mul3A_948 = arith.constant 16 : i32
        %mul3A_949 = arith.muli %add3A_947, %mul3A_948 : i32
        %add3A_950 = arith.addi %mul3A_2, %mul3A_949 : i32
        %mul3A_951 = arith.constant 16 : i32
        %mul3A_952 = arith.muli %add3A_947, %mul3A_951 : i32
        %dma_start3A_953 = tpu.memref_slice %arg8[%mul3A_952] : memref<512xi32, #tpu.memory_space<vmem>> -> memref<16xi32, #tpu.memory_space<vmem>>
        %dma_start3A_954 = arith.constant 0 : i32
        %dma_start3A_955 = arith.constant 0 : i32
        %dma_start3A_956 = tpu.memref_slice %arg4[%dma_start3A_954, %dma_start3A_955] : memref<4096x1024xf32, #tpu.memory_space<hbm>> -> memref<4096x1024xf32, #tpu.memory_space<hbm>>
        tpu.enqueue_indirect_dma source(%dma_start3A_956 : memref<4096x1024xf32, #tpu.memory_space<hbm>>) target(%arg12 : memref<16x1024xf32, #tpu.memory_space<vmem>>) offsets(%dma_start3A_953 : memref<16xi32, #tpu.memory_space<vmem>>) semaphore(%arg19 : memref<!tpu.dma_semaphore, #tpu.memory_space<semaphore_mem>>)
        %dma_start3A_957 = arith.constant 0 : i32
        %dma_start3A_958 = tpu.memref_slice %arg2[%add3A_950, %dma_start3A_957] : memref<16384x1024xf32, #tpu.memory_space<hbm>> -> memref<16x1024xf32, #tpu.memory_space<hbm>>
        %dma_start3A_959 = arith.constant 0 : i32
        %dma_start3A_960 = tpu.memref_slice %arg2[%add3A_950, %dma_start3A_959] : memref<16384x1024xf32, #tpu.memory_space<hbm>> -> memref<16x1024xf32, #tpu.memory_space<hbm>>
        tpu.enqueue_dma source(%dma_start3A_960 : memref<16x1024xf32, #tpu.memory_space<hbm>>) target(%arg10 : memref<16x1024xf32, #tpu.memory_space<vmem>>) target_semaphore(%arg21 : memref<!tpu.dma_semaphore, #tpu.memory_space<semaphore_mem>>)
      } else {
      }
      %add3A_526 = arith.constant 0 : i32
      %add3A_527 = vector.broadcast %add3A_526 : i32 to vector<16xi32>
      %add3A_528 = arith.addi %mul3A_6, %add3A_527 : vector<16xi32>
      %gather3A_529 = tpu.vector_load_idx %arg17[%add3A_528] : memref<544xf32, #tpu.memory_space<vmem>>[vector<16xi32>], vector<16xf32>,
      %add3A_530 = arith.addf %broadcast_in_dim3A_3, %gather3A_529 : vector<16xf32>
      %add3A_531 = arith.constant 16 : i32
      %add3A_532 = vector.broadcast %add3A_531 : i32 to vector<16xi32>
      %add3A_533 = arith.addi %mul3A_6, %add3A_532 : vector<16xi32>
      %add3A_534 = arith.constant 0 : i32
      %add3A_535 = vector.broadcast %add3A_534 : i32 to vector<16xi32>
      %add3A_536 = arith.addi %add3A_533, %add3A_535 : vector<16xi32>
      %gather3A_537 = tpu.vector_load_idx %arg17[%add3A_536] : memref<544xf32, #tpu.memory_space<vmem>>[vector<16xi32>], vector<16xf32>,
      %add3A_538 = arith.addf %broadcast_in_dim3A_3, %gather3A_537 : vector<16xf32>
      %add3A_539 = arith.constant 1 : i32
      %add3A_540 = vector.broadcast %add3A_539 : i32 to vector<16xi32>
      %add3A_541 = arith.addi %mul3A_6, %add3A_540 : vector<16xi32>
      %gather3A_542 = tpu.vector_load_idx %arg17[%add3A_541] : memref<544xf32, #tpu.memory_space<vmem>>[vector<16xi32>], vector<16xf32>,
      %add3A_543 = arith.addf %add3A_530, %gather3A_542 : vector<16xf32>
      %add3A_544 = arith.constant 16 : i32
      %add3A_545 = vector.broadcast %add3A_544 : i32 to vector<16xi32>
      %add3A_546 = arith.addi %mul3A_6, %add3A_545 : vector<16xi32>
      %add3A_547 = arith.constant 1 : i32
      %add3A_548 = vector.broadcast %add3A_547 : i32 to vector<16xi32>
      %add3A_549 = arith.addi %add3A_546, %add3A_548 : vector<16xi32>
      %gather3A_550 = tpu.vector_load_idx %arg17[%add3A_549] : memref<544xf32, #tpu.memory_space<vmem>>[vector<16xi32>], vector<16xf32>,
      %add3A_551 = arith.addf %add3A_538, %gather3A_550 : vector<16xf32>
      %add3A_552 = arith.constant 2 : i32
      %add3A_553 = vector.broadcast %add3A_552 : i32 to vector<16xi32>
      %add3A_554 = arith.addi %mul3A_6, %add3A_553 : vector<16xi32>
      %gather3A_555 = tpu.vector_load_idx %arg17[%add3A_554] : memref<544xf32, #tpu.memory_space<vmem>>[vector<16xi32>], vector<16xf32>,
      %add3A_556 = arith.addf %add3A_543, %gather3A_555 : vector<16xf32>
      %add3A_557 = arith.constant 16 : i32
      %add3A_558 = vector.broadcast %add3A_557 : i32 to vector<16xi32>
      %add3A_559 = arith.addi %mul3A_6, %add3A_558 : vector<16xi32>
      %add3A_560 = arith.constant 2 : i32
      %add3A_561 = vector.broadcast %add3A_560 : i32 to vector<16xi32>
      %add3A_562 = arith.addi %add3A_559, %add3A_561 : vector<16xi32>
      %gather3A_563 = tpu.vector_load_idx %arg17[%add3A_562] : memref<544xf32, #tpu.memory_space<vmem>>[vector<16xi32>], vector<16xf32>,
      %add3A_564 = arith.addf %add3A_551, %gather3A_563 : vector<16xf32>
      %add3A_565 = arith.constant 3 : i32
      %add3A_566 = vector.broadcast %add3A_565 : i32 to vector<16xi32>
      %add3A_567 = arith.addi %mul3A_6, %add3A_566 : vector<16xi32>
      %gather3A_568 = tpu.vector_load_idx %arg17[%add3A_567] : memref<544xf32, #tpu.memory_space<vmem>>[vector<16xi32>], vector<16xf32>,
      %add3A_569 = arith.addf %add3A_556, %gather3A_568 : vector<16xf32>
      %add3A_570 = arith.constant 16 : i32
      %add3A_571 = vector.broadcast %add3A_570 : i32 to vector<16xi32>
      %add3A_572 = arith.addi %mul3A_6, %add3A_571 : vector<16xi32>
      %add3A_573 = arith.constant 3 : i32
      %add3A_574 = vector.broadcast %add3A_573 : i32 to vector<16xi32>
      %add3A_575 = arith.addi %add3A_572, %add3A_574 : vector<16xi32>
      %gather3A_576 = tpu.vector_load_idx %arg17[%add3A_575] : memref<544xf32, #tpu.memory_space<vmem>>[vector<16xi32>], vector<16xf32>,
      %add3A_577 = arith.addf %add3A_564, %gather3A_576 : vector<16xf32>
      %add3A_578 = arith.constant 4 : i32
      %add3A_579 = vector.broadcast %add3A_578 : i32 to vector<16xi32>
      %add3A_580 = arith.addi %mul3A_6, %add3A_579 : vector<16xi32>
      %gather3A_581 = tpu.vector_load_idx %arg17[%add3A_580] : memref<544xf32, #tpu.memory_space<vmem>>[vector<16xi32>], vector<16xf32>,
      %add3A_582 = arith.addf %add3A_569, %gather3A_581 : vector<16xf32>
      %add3A_583 = arith.constant 16 : i32
      %add3A_584 = vector.broadcast %add3A_583 : i32 to vector<16xi32>
      %add3A_585 = arith.addi %mul3A_6, %add3A_584 : vector<16xi32>
      %add3A_586 = arith.constant 4 : i32
      %add3A_587 = vector.broadcast %add3A_586 : i32 to vector<16xi32>
      %add3A_588 = arith.addi %add3A_585, %add3A_587 : vector<16xi32>
      %gather3A_589 = tpu.vector_load_idx %arg17[%add3A_588] : memref<544xf32, #tpu.memory_space<vmem>>[vector<16xi32>], vector<16xf32>,
      %add3A_590 = arith.addf %add3A_577, %gather3A_589 : vector<16xf32>
      %add3A_591 = arith.constant 5 : i32
      %add3A_592 = vector.broadcast %add3A_591 : i32 to vector<16xi32>
      %add3A_593 = arith.addi %mul3A_6, %add3A_592 : vector<16xi32>
      %gather3A_594 = tpu.vector_load_idx %arg17[%add3A_593] : memref<544xf32, #tpu.memory_space<vmem>>[vector<16xi32>], vector<16xf32>,
      %add3A_595 = arith.addf %add3A_582, %gather3A_594 : vector<16xf32>
      %add3A_596 = arith.constant 16 : i32
      %add3A_597 = vector.broadcast %add3A_596 : i32 to vector<16xi32>
      %add3A_598 = arith.addi %mul3A_6, %add3A_597 : vector<16xi32>
      %add3A_599 = arith.constant 5 : i32
      %add3A_600 = vector.broadcast %add3A_599 : i32 to vector<16xi32>
      %add3A_601 = arith.addi %add3A_598, %add3A_600 : vector<16xi32>
      %gather3A_602 = tpu.vector_load_idx %arg17[%add3A_601] : memref<544xf32, #tpu.memory_space<vmem>>[vector<16xi32>], vector<16xf32>,
      %add3A_603 = arith.addf %add3A_590, %gather3A_602 : vector<16xf32>
      %add3A_604 = arith.constant 6 : i32
      %add3A_605 = vector.broadcast %add3A_604 : i32 to vector<16xi32>
      %add3A_606 = arith.addi %mul3A_6, %add3A_605 : vector<16xi32>
      %gather3A_607 = tpu.vector_load_idx %arg17[%add3A_606] : memref<544xf32, #tpu.memory_space<vmem>>[vector<16xi32>], vector<16xf32>,
      %add3A_608 = arith.addf %add3A_595, %gather3A_607 : vector<16xf32>
      %add3A_609 = arith.constant 16 : i32
      %add3A_610 = vector.broadcast %add3A_609 : i32 to vector<16xi32>
      %add3A_611 = arith.addi %mul3A_6, %add3A_610 : vector<16xi32>
      %add3A_612 = arith.constant 6 : i32
      %add3A_613 = vector.broadcast %add3A_612 : i32 to vector<16xi32>
      %add3A_614 = arith.addi %add3A_611, %add3A_613 : vector<16xi32>
      %gather3A_615 = tpu.vector_load_idx %arg17[%add3A_614] : memref<544xf32, #tpu.memory_space<vmem>>[vector<16xi32>], vector<16xf32>,
      %add3A_616 = arith.addf %add3A_603, %gather3A_615 : vector<16xf32>
      %add3A_617 = arith.constant 7 : i32
      %add3A_618 = vector.broadcast %add3A_617 : i32 to vector<16xi32>
      %add3A_619 = arith.addi %mul3A_6, %add3A_618 : vector<16xi32>
      %gather3A_620 = tpu.vector_load_idx %arg17[%add3A_619] : memref<544xf32, #tpu.memory_space<vmem>>[vector<16xi32>], vector<16xf32>,
      %add3A_621 = arith.addf %add3A_608, %gather3A_620 : vector<16xf32>
      %add3A_622 = arith.constant 16 : i32
      %add3A_623 = vector.broadcast %add3A_622 : i32 to vector<16xi32>
      %add3A_624 = arith.addi %mul3A_6, %add3A_623 : vector<16xi32>
      %add3A_625 = arith.constant 7 : i32
      %add3A_626 = vector.broadcast %add3A_625 : i32 to vector<16xi32>
      %add3A_627 = arith.addi %add3A_624, %add3A_626 : vector<16xi32>
      %gather3A_628 = tpu.vector_load_idx %arg17[%add3A_627] : memref<544xf32, #tpu.memory_space<vmem>>[vector<16xi32>], vector<16xf32>,
      %add3A_629 = arith.addf %add3A_616, %gather3A_628 : vector<16xf32>
      %add3A_630 = arith.constant 8 : i32
      %add3A_631 = vector.broadcast %add3A_630 : i32 to vector<16xi32>
      %add3A_632 = arith.addi %mul3A_6, %add3A_631 : vector<16xi32>
      %gather3A_633 = tpu.vector_load_idx %arg17[%add3A_632] : memref<544xf32, #tpu.memory_space<vmem>>[vector<16xi32>], vector<16xf32>,
      %add3A_634 = arith.addf %add3A_621, %gather3A_633 : vector<16xf32>
      %add3A_635 = arith.constant 16 : i32
      %add3A_636 = vector.broadcast %add3A_635 : i32 to vector<16xi32>
      %add3A_637 = arith.addi %mul3A_6, %add3A_636 : vector<16xi32>
      %add3A_638 = arith.constant 8 : i32
      %add3A_639 = vector.broadcast %add3A_638 : i32 to vector<16xi32>
      %add3A_640 = arith.addi %add3A_637, %add3A_639 : vector<16xi32>
      %gather3A_641 = tpu.vector_load_idx %arg17[%add3A_640] : memref<544xf32, #tpu.memory_space<vmem>>[vector<16xi32>], vector<16xf32>,
      %add3A_642 = arith.addf %add3A_629, %gather3A_641 : vector<16xf32>
      %add3A_643 = arith.constant 9 : i32
      %add3A_644 = vector.broadcast %add3A_643 : i32 to vector<16xi32>
      %add3A_645 = arith.addi %mul3A_6, %add3A_644 : vector<16xi32>
      %gather3A_646 = tpu.vector_load_idx %arg17[%add3A_645] : memref<544xf32, #tpu.memory_space<vmem>>[vector<16xi32>], vector<16xf32>,
      %add3A_647 = arith.addf %add3A_634, %gather3A_646 : vector<16xf32>
      %add3A_648 = arith.constant 16 : i32
      %add3A_649 = vector.broadcast %add3A_648 : i32 to vector<16xi32>
      %add3A_650 = arith.addi %mul3A_6, %add3A_649 : vector<16xi32>
      %add3A_651 = arith.constant 9 : i32
      %add3A_652 = vector.broadcast %add3A_651 : i32 to vector<16xi32>
      %add3A_653 = arith.addi %add3A_650, %add3A_652 : vector<16xi32>
      %gather3A_654 = tpu.vector_load_idx %arg17[%add3A_653] : memref<544xf32, #tpu.memory_space<vmem>>[vector<16xi32>], vector<16xf32>,
      %add3A_655 = arith.addf %add3A_642, %gather3A_654 : vector<16xf32>
      %add3A_656 = arith.constant 10 : i32
      %add3A_657 = vector.broadcast %add3A_656 : i32 to vector<16xi32>
      %add3A_658 = arith.addi %mul3A_6, %add3A_657 : vector<16xi32>
      %gather3A_659 = tpu.vector_load_idx %arg17[%add3A_658] : memref<544xf32, #tpu.memory_space<vmem>>[vector<16xi32>], vector<16xf32>,
      %add3A_660 = arith.addf %add3A_647, %gather3A_659 : vector<16xf32>
      %add3A_661 = arith.constant 16 : i32
      %add3A_662 = vector.broadcast %add3A_661 : i32 to vector<16xi32>
      %add3A_663 = arith.addi %mul3A_6, %add3A_662 : vector<16xi32>
      %add3A_664 = arith.constant 10 : i32
      %add3A_665 = vector.broadcast %add3A_664 : i32 to vector<16xi32>
      %add3A_666 = arith.addi %add3A_663, %add3A_665 : vector<16xi32>
      %gather3A_667 = tpu.vector_load_idx %arg17[%add3A_666] : memref<544xf32, #tpu.memory_space<vmem>>[vector<16xi32>], vector<16xf32>,
      %add3A_668 = arith.addf %add3A_655, %gather3A_667 : vector<16xf32>
      %add3A_669 = arith.constant 11 : i32
      %add3A_670 = vector.broadcast %add3A_669 : i32 to vector<16xi32>
      %add3A_671 = arith.addi %mul3A_6, %add3A_670 : vector<16xi32>
      %gather3A_672 = tpu.vector_load_idx %arg17[%add3A_671] : memref<544xf32, #tpu.memory_space<vmem>>[vector<16xi32>], vector<16xf32>,
      %add3A_673 = arith.addf %add3A_660, %gather3A_672 : vector<16xf32>
      %add3A_674 = arith.constant 16 : i32
      %add3A_675 = vector.broadcast %add3A_674 : i32 to vector<16xi32>
      %add3A_676 = arith.addi %mul3A_6, %add3A_675 : vector<16xi32>
      %add3A_677 = arith.constant 11 : i32
      %add3A_678 = vector.broadcast %add3A_677 : i32 to vector<16xi32>
      %add3A_679 = arith.addi %add3A_676, %add3A_678 : vector<16xi32>
      %gather3A_680 = tpu.vector_load_idx %arg17[%add3A_679] : memref<544xf32, #tpu.memory_space<vmem>>[vector<16xi32>], vector<16xf32>,
      %add3A_681 = arith.addf %add3A_668, %gather3A_680 : vector<16xf32>
      %add3A_682 = arith.constant 12 : i32
      %add3A_683 = vector.broadcast %add3A_682 : i32 to vector<16xi32>
      %add3A_684 = arith.addi %mul3A_6, %add3A_683 : vector<16xi32>
      %gather3A_685 = tpu.vector_load_idx %arg17[%add3A_684] : memref<544xf32, #tpu.memory_space<vmem>>[vector<16xi32>], vector<16xf32>,
      %add3A_686 = arith.addf %add3A_673, %gather3A_685 : vector<16xf32>
      %add3A_687 = arith.constant 16 : i32
      %add3A_688 = vector.broadcast %add3A_687 : i32 to vector<16xi32>
      %add3A_689 = arith.addi %mul3A_6, %add3A_688 : vector<16xi32>
      %add3A_690 = arith.constant 12 : i32
      %add3A_691 = vector.broadcast %add3A_690 : i32 to vector<16xi32>
      %add3A_692 = arith.addi %add3A_689, %add3A_691 : vector<16xi32>
      %gather3A_693 = tpu.vector_load_idx %arg17[%add3A_692] : memref<544xf32, #tpu.memory_space<vmem>>[vector<16xi32>], vector<16xf32>,
      %add3A_694 = arith.addf %add3A_681, %gather3A_693 : vector<16xf32>
      %add3A_695 = arith.constant 13 : i32
      %add3A_696 = vector.broadcast %add3A_695 : i32 to vector<16xi32>
      %add3A_697 = arith.addi %mul3A_6, %add3A_696 : vector<16xi32>
      %gather3A_698 = tpu.vector_load_idx %arg17[%add3A_697] : memref<544xf32, #tpu.memory_space<vmem>>[vector<16xi32>], vector<16xf32>,
      %add3A_699 = arith.addf %add3A_686, %gather3A_698 : vector<16xf32>
      %add3A_700 = arith.constant 16 : i32
      %add3A_701 = vector.broadcast %add3A_700 : i32 to vector<16xi32>
      %add3A_702 = arith.addi %mul3A_6, %add3A_701 : vector<16xi32>
      %add3A_703 = arith.constant 13 : i32
      %add3A_704 = vector.broadcast %add3A_703 : i32 to vector<16xi32>
      %add3A_705 = arith.addi %add3A_702, %add3A_704 : vector<16xi32>
      %gather3A_706 = tpu.vector_load_idx %arg17[%add3A_705] : memref<544xf32, #tpu.memory_space<vmem>>[vector<16xi32>], vector<16xf32>,
      %add3A_707 = arith.addf %add3A_694, %gather3A_706 : vector<16xf32>
      %add3A_708 = arith.constant 14 : i32
      %add3A_709 = vector.broadcast %add3A_708 : i32 to vector<16xi32>
      %add3A_710 = arith.addi %mul3A_6, %add3A_709 : vector<16xi32>
      %gather3A_711 = tpu.vector_load_idx %arg17[%add3A_710] : memref<544xf32, #tpu.memory_space<vmem>>[vector<16xi32>], vector<16xf32>,
      %add3A_712 = arith.addf %add3A_699, %gather3A_711 : vector<16xf32>
      %add3A_713 = arith.constant 16 : i32
      %add3A_714 = vector.broadcast %add3A_713 : i32 to vector<16xi32>
      %add3A_715 = arith.addi %mul3A_6, %add3A_714 : vector<16xi32>
      %add3A_716 = arith.constant 14 : i32
      %add3A_717 = vector.broadcast %add3A_716 : i32 to vector<16xi32>
      %add3A_718 = arith.addi %add3A_715, %add3A_717 : vector<16xi32>
      %gather3A_719 = tpu.vector_load_idx %arg17[%add3A_718] : memref<544xf32, #tpu.memory_space<vmem>>[vector<16xi32>], vector<16xf32>,
      %add3A_720 = arith.addf %add3A_707, %gather3A_719 : vector<16xf32>
      %add3A_721 = arith.constant 15 : i32
      %add3A_722 = vector.broadcast %add3A_721 : i32 to vector<16xi32>
      %add3A_723 = arith.addi %mul3A_6, %add3A_722 : vector<16xi32>
      %gather3A_724 = tpu.vector_load_idx %arg17[%add3A_723] : memref<544xf32, #tpu.memory_space<vmem>>[vector<16xi32>], vector<16xf32>,
      %add3A_725 = arith.addf %add3A_712, %gather3A_724 : vector<16xf32>
      %add3A_726 = arith.constant 16 : i32
      %add3A_727 = vector.broadcast %add3A_726 : i32 to vector<16xi32>
      %add3A_728 = arith.addi %mul3A_6, %add3A_727 : vector<16xi32>
      %add3A_729 = arith.constant 15 : i32
      %add3A_730 = vector.broadcast %add3A_729 : i32 to vector<16xi32>
      %add3A_731 = arith.addi %add3A_728, %add3A_730 : vector<16xi32>
      %gather3A_732 = tpu.vector_load_idx %arg17[%add3A_731] : memref<544xf32, #tpu.memory_space<vmem>>[vector<16xi32>], vector<16xf32>,
      %add3A_733 = arith.addf %add3A_720, %gather3A_732 : vector<16xf32>
      %mul3A_734 = arith.constant 9.765625E-4 : f32
      %mul3A_735 = vector.broadcast %mul3A_734 : f32 to vector<16xf32>
      %mul3A_736 = arith.mulf %add3A_725, %mul3A_735 : vector<16xf32>
      %mul3A_737 = arith.constant 9.765625E-4 : f32
      %mul3A_738 = vector.broadcast %mul3A_737 : f32 to vector<16xf32>
      %mul3A_739 = arith.mulf %add3A_733, %mul3A_738 : vector<16xf32>
      %mul3A_740 = arith.mulf %mul3A_736, %mul3A_736 : vector<16xf32>
      %sub3A_741 = arith.subf %mul3A_739, %mul3A_740 : vector<16xf32>
      %add3A_742 = arith.constant 9.99999996E-13 : f32
      %add3A_743 = vector.broadcast %add3A_742 : f32 to vector<16xf32>
      %add3A_744 = arith.addf %sub3A_741, %add3A_743 : vector<16xf32>
      %bitcast_convert_type3A_745 = tpu.bitcast %add3A_744 : vector<16xf32> -> vector<16xi32>
      %shift_right_arithmetic3A_746 = arith.constant 1 : i32
      %shift_right_arithmetic3A_747 = vector.broadcast %shift_right_arithmetic3A_746 : i32 to vector<16xi32>
      %shift_right_arithmetic3A_748 = arith.shrsi %bitcast_convert_type3A_745, %shift_right_arithmetic3A_747 : vector<16xi32>
      %sub3A_749 = arith.constant 1597463007 : i32
      %sub3A_750 = vector.broadcast %sub3A_749 : i32 to vector<16xi32>
      %sub3A_751 = arith.subi %sub3A_750, %shift_right_arithmetic3A_748 : vector<16xi32>
      %bitcast_convert_type3A_752 = tpu.bitcast %sub3A_751 : vector<16xi32> -> vector<16xf32>
      %mul3A_753 = arith.constant 5.000000e-01 : f32
      %mul3A_754 = vector.broadcast %mul3A_753 : f32 to vector<16xf32>
      %mul3A_755 = arith.mulf %mul3A_754, %add3A_744 : vector<16xf32>
      %mul3A_756 = arith.mulf %mul3A_755, %bitcast_convert_type3A_752 : vector<16xf32>
      %mul3A_757 = arith.mulf %mul3A_756, %bitcast_convert_type3A_752 : vector<16xf32>
      %sub3A_758 = arith.constant 1.500000e+00 : f32
      %sub3A_759 = vector.broadcast %sub3A_758 : f32 to vector<16xf32>
      %sub3A_760 = arith.subf %sub3A_759, %mul3A_757 : vector<16xf32>
      %mul3A_761 = arith.mulf %bitcast_convert_type3A_752, %sub3A_760 : vector<16xf32>
      %mul3A_762 = arith.mulf %mul3A_755, %mul3A_761 : vector<16xf32>
      %mul3A_763 = arith.mulf %mul3A_762, %mul3A_761 : vector<16xf32>
      %sub3A_764 = arith.constant 1.500000e+00 : f32
      %sub3A_765 = vector.broadcast %sub3A_764 : f32 to vector<16xf32>
      %sub3A_766 = arith.subf %sub3A_765, %mul3A_763 : vector<16xf32>
      %mul3A_767 = arith.mulf %mul3A_761, %sub3A_766 : vector<16xf32>
      %mul3A_768 = arith.mulf %mul3A_755, %mul3A_767 : vector<16xf32>
      %mul3A_769 = arith.mulf %mul3A_768, %mul3A_767 : vector<16xf32>
      %sub3A_770 = arith.constant 1.500000e+00 : f32
      %sub3A_771 = vector.broadcast %sub3A_770 : f32 to vector<16xf32>
      %sub3A_772 = arith.subf %sub3A_771, %mul3A_769 : vector<16xf32>
      %mul3A_773 = arith.mulf %mul3A_767, %sub3A_772 : vector<16xf32>
      %swap3A_774 = arith.constant 512 : index
      %swap3A_775 = tpu.vector_load %arg17[%swap3A_774] {strides = array<i32>} : memref<544xf32, #tpu.memory_space<vmem>>, vector<16xf32>,
      tpu.vector_store %arg17[%swap3A_774], %mul3A_736 {strides = array<i32>} : memref<544xf32, #tpu.memory_space<vmem>>, vector<16xf32>,
      %swap3A_776 = arith.constant 528 : index
      %swap3A_777 = tpu.vector_load %arg17[%swap3A_776] {strides = array<i32>} : memref<544xf32, #tpu.memory_space<vmem>>, vector<16xf32>,
      tpu.vector_store %arg17[%swap3A_776], %mul3A_773 {strides = array<i32>} : memref<544xf32, #tpu.memory_space<vmem>>, vector<16xf32>,
      %broadcast_in_dim3A_778 = arith.constant 0 : i32
      %broadcast_in_dim3A_779 = vector.broadcast %broadcast_in_dim3A_778 : i32 to vector<16xi32>
      %add3A_780 = arith.constant 512 : i32
      %add3A_781 = vector.broadcast %add3A_780 : i32 to vector<16xi32>
      %add3A_782 = arith.addi %add3A_781, %broadcast_in_dim3A_779 : vector<16xi32>
      %gather3A_783 = tpu.vector_load_idx %arg17[%add3A_782] : memref<544xf32, #tpu.memory_space<vmem>>[vector<16xi32>], vector<16xf32>,
      %add3A_784 = arith.constant 528 : i32
      %add3A_785 = vector.broadcast %add3A_784 : i32 to vector<16xi32>
      %add3A_786 = arith.addi %add3A_785, %broadcast_in_dim3A_779 : vector<16xi32>
      %gather3A_787 = tpu.vector_load_idx %arg17[%add3A_786] : memref<544xf32, #tpu.memory_space<vmem>>[vector<16xi32>], vector<16xf32>,
      %broadcast_in_dim3A_788 = arith.constant 1 : i32
      %broadcast_in_dim3A_789 = vector.broadcast %broadcast_in_dim3A_788 : i32 to vector<16xi32>
      %add3A_790 = arith.constant 512 : i32
      %add3A_791 = vector.broadcast %add3A_790 : i32 to vector<16xi32>
      %add3A_792 = arith.addi %add3A_791, %broadcast_in_dim3A_789 : vector<16xi32>
      %gather3A_793 = tpu.vector_load_idx %arg17[%add3A_792] : memref<544xf32, #tpu.memory_space<vmem>>[vector<16xi32>], vector<16xf32>,
      %add3A_794 = arith.constant 528 : i32
      %add3A_795 = vector.broadcast %add3A_794 : i32 to vector<16xi32>
      %add3A_796 = arith.addi %add3A_795, %broadcast_in_dim3A_789 : vector<16xi32>
      %gather3A_797 = tpu.vector_load_idx %arg17[%add3A_796] : memref<544xf32, #tpu.memory_space<vmem>>[vector<16xi32>], vector<16xf32>,
      %broadcast_in_dim3A_798 = arith.constant 2 : i32
      %broadcast_in_dim3A_799 = vector.broadcast %broadcast_in_dim3A_798 : i32 to vector<16xi32>
      %add3A_800 = arith.constant 512 : i32
      %add3A_801 = vector.broadcast %add3A_800 : i32 to vector<16xi32>
      %add3A_802 = arith.addi %add3A_801, %broadcast_in_dim3A_799 : vector<16xi32>
      %gather3A_803 = tpu.vector_load_idx %arg17[%add3A_802] : memref<544xf32, #tpu.memory_space<vmem>>[vector<16xi32>], vector<16xf32>,
      %add3A_804 = arith.constant 528 : i32
      %add3A_805 = vector.broadcast %add3A_804 : i32 to vector<16xi32>
      %add3A_806 = arith.addi %add3A_805, %broadcast_in_dim3A_799 : vector<16xi32>
      %gather3A_807 = tpu.vector_load_idx %arg17[%add3A_806] : memref<544xf32, #tpu.memory_space<vmem>>[vector<16xi32>], vector<16xf32>,
      %broadcast_in_dim3A_808 = arith.constant 3 : i32
      %broadcast_in_dim3A_809 = vector.broadcast %broadcast_in_dim3A_808 : i32 to vector<16xi32>
      %add3A_810 = arith.constant 512 : i32
      %add3A_811 = vector.broadcast %add3A_810 : i32 to vector<16xi32>
      %add3A_812 = arith.addi %add3A_811, %broadcast_in_dim3A_809 : vector<16xi32>
      %gather3A_813 = tpu.vector_load_idx %arg17[%add3A_812] : memref<544xf32, #tpu.memory_space<vmem>>[vector<16xi32>], vector<16xf32>,
      %add3A_814 = arith.constant 528 : i32
      %add3A_815 = vector.broadcast %add3A_814 : i32 to vector<16xi32>
      %add3A_816 = arith.addi %add3A_815, %broadcast_in_dim3A_809 : vector<16xi32>
      %gather3A_817 = tpu.vector_load_idx %arg17[%add3A_816] : memref<544xf32, #tpu.memory_space<vmem>>[vector<16xi32>], vector<16xf32>,
      %broadcast_in_dim3A_818 = arith.constant 4 : i32
      %broadcast_in_dim3A_819 = vector.broadcast %broadcast_in_dim3A_818 : i32 to vector<16xi32>
      %add3A_820 = arith.constant 512 : i32
      %add3A_821 = vector.broadcast %add3A_820 : i32 to vector<16xi32>
      %add3A_822 = arith.addi %add3A_821, %broadcast_in_dim3A_819 : vector<16xi32>
      %gather3A_823 = tpu.vector_load_idx %arg17[%add3A_822] : memref<544xf32, #tpu.memory_space<vmem>>[vector<16xi32>], vector<16xf32>,
      %add3A_824 = arith.constant 528 : i32
      %add3A_825 = vector.broadcast %add3A_824 : i32 to vector<16xi32>
      %add3A_826 = arith.addi %add3A_825, %broadcast_in_dim3A_819 : vector<16xi32>
      %gather3A_827 = tpu.vector_load_idx %arg17[%add3A_826] : memref<544xf32, #tpu.memory_space<vmem>>[vector<16xi32>], vector<16xf32>,
      %broadcast_in_dim3A_828 = arith.constant 5 : i32
      %broadcast_in_dim3A_829 = vector.broadcast %broadcast_in_dim3A_828 : i32 to vector<16xi32>
      %add3A_830 = arith.constant 512 : i32
      %add3A_831 = vector.broadcast %add3A_830 : i32 to vector<16xi32>
      %add3A_832 = arith.addi %add3A_831, %broadcast_in_dim3A_829 : vector<16xi32>
      %gather3A_833 = tpu.vector_load_idx %arg17[%add3A_832] : memref<544xf32, #tpu.memory_space<vmem>>[vector<16xi32>], vector<16xf32>,
      %add3A_834 = arith.constant 528 : i32
      %add3A_835 = vector.broadcast %add3A_834 : i32 to vector<16xi32>
      %add3A_836 = arith.addi %add3A_835, %broadcast_in_dim3A_829 : vector<16xi32>
      %gather3A_837 = tpu.vector_load_idx %arg17[%add3A_836] : memref<544xf32, #tpu.memory_space<vmem>>[vector<16xi32>], vector<16xf32>,
      %broadcast_in_dim3A_838 = arith.constant 6 : i32
      %broadcast_in_dim3A_839 = vector.broadcast %broadcast_in_dim3A_838 : i32 to vector<16xi32>
      %add3A_840 = arith.constant 512 : i32
      %add3A_841 = vector.broadcast %add3A_840 : i32 to vector<16xi32>
      %add3A_842 = arith.addi %add3A_841, %broadcast_in_dim3A_839 : vector<16xi32>
      %gather3A_843 = tpu.vector_load_idx %arg17[%add3A_842] : memref<544xf32, #tpu.memory_space<vmem>>[vector<16xi32>], vector<16xf32>,
      %add3A_844 = arith.constant 528 : i32
      %add3A_845 = vector.broadcast %add3A_844 : i32 to vector<16xi32>
      %add3A_846 = arith.addi %add3A_845, %broadcast_in_dim3A_839 : vector<16xi32>
      %gather3A_847 = tpu.vector_load_idx %arg17[%add3A_846] : memref<544xf32, #tpu.memory_space<vmem>>[vector<16xi32>], vector<16xf32>,
      %broadcast_in_dim3A_848 = arith.constant 7 : i32
      %broadcast_in_dim3A_849 = vector.broadcast %broadcast_in_dim3A_848 : i32 to vector<16xi32>
      %add3A_850 = arith.constant 512 : i32
      %add3A_851 = vector.broadcast %add3A_850 : i32 to vector<16xi32>
      %add3A_852 = arith.addi %add3A_851, %broadcast_in_dim3A_849 : vector<16xi32>
      %gather3A_853 = tpu.vector_load_idx %arg17[%add3A_852] : memref<544xf32, #tpu.memory_space<vmem>>[vector<16xi32>], vector<16xf32>,
      %add3A_854 = arith.constant 528 : i32
      %add3A_855 = vector.broadcast %add3A_854 : i32 to vector<16xi32>
      %add3A_856 = arith.addi %add3A_855, %broadcast_in_dim3A_849 : vector<16xi32>
      %gather3A_857 = tpu.vector_load_idx %arg17[%add3A_856] : memref<544xf32, #tpu.memory_space<vmem>>[vector<16xi32>], vector<16xf32>,
      %broadcast_in_dim3A_858 = arith.constant 8 : i32
      %broadcast_in_dim3A_859 = vector.broadcast %broadcast_in_dim3A_858 : i32 to vector<16xi32>
      %add3A_860 = arith.constant 512 : i32
      %add3A_861 = vector.broadcast %add3A_860 : i32 to vector<16xi32>
      %add3A_862 = arith.addi %add3A_861, %broadcast_in_dim3A_859 : vector<16xi32>
      %gather3A_863 = tpu.vector_load_idx %arg17[%add3A_862] : memref<544xf32, #tpu.memory_space<vmem>>[vector<16xi32>], vector<16xf32>,
      %add3A_864 = arith.constant 528 : i32
      %add3A_865 = vector.broadcast %add3A_864 : i32 to vector<16xi32>
      %add3A_866 = arith.addi %add3A_865, %broadcast_in_dim3A_859 : vector<16xi32>
      %gather3A_867 = tpu.vector_load_idx %arg17[%add3A_866] : memref<544xf32, #tpu.memory_space<vmem>>[vector<16xi32>], vector<16xf32>,
      %broadcast_in_dim3A_868 = arith.constant 9 : i32
      %broadcast_in_dim3A_869 = vector.broadcast %broadcast_in_dim3A_868 : i32 to vector<16xi32>
      %add3A_870 = arith.constant 512 : i32
      %add3A_871 = vector.broadcast %add3A_870 : i32 to vector<16xi32>
      %add3A_872 = arith.addi %add3A_871, %broadcast_in_dim3A_869 : vector<16xi32>
      %gather3A_873 = tpu.vector_load_idx %arg17[%add3A_872] : memref<544xf32, #tpu.memory_space<vmem>>[vector<16xi32>], vector<16xf32>,
      %add3A_874 = arith.constant 528 : i32
      %add3A_875 = vector.broadcast %add3A_874 : i32 to vector<16xi32>
      %add3A_876 = arith.addi %add3A_875, %broadcast_in_dim3A_869 : vector<16xi32>
      %gather3A_877 = tpu.vector_load_idx %arg17[%add3A_876] : memref<544xf32, #tpu.memory_space<vmem>>[vector<16xi32>], vector<16xf32>,
      %broadcast_in_dim3A_878 = arith.constant 10 : i32
      %broadcast_in_dim3A_879 = vector.broadcast %broadcast_in_dim3A_878 : i32 to vector<16xi32>
      %add3A_880 = arith.constant 512 : i32
      %add3A_881 = vector.broadcast %add3A_880 : i32 to vector<16xi32>
      %add3A_882 = arith.addi %add3A_881, %broadcast_in_dim3A_879 : vector<16xi32>
      %gather3A_883 = tpu.vector_load_idx %arg17[%add3A_882] : memref<544xf32, #tpu.memory_space<vmem>>[vector<16xi32>], vector<16xf32>,
      %add3A_884 = arith.constant 528 : i32
      %add3A_885 = vector.broadcast %add3A_884 : i32 to vector<16xi32>
      %add3A_886 = arith.addi %add3A_885, %broadcast_in_dim3A_879 : vector<16xi32>
      %gather3A_887 = tpu.vector_load_idx %arg17[%add3A_886] : memref<544xf32, #tpu.memory_space<vmem>>[vector<16xi32>], vector<16xf32>,
      %broadcast_in_dim3A_888 = arith.constant 11 : i32
      %broadcast_in_dim3A_889 = vector.broadcast %broadcast_in_dim3A_888 : i32 to vector<16xi32>
      %add3A_890 = arith.constant 512 : i32
      %add3A_891 = vector.broadcast %add3A_890 : i32 to vector<16xi32>
      %add3A_892 = arith.addi %add3A_891, %broadcast_in_dim3A_889 : vector<16xi32>
      %gather3A_893 = tpu.vector_load_idx %arg17[%add3A_892] : memref<544xf32, #tpu.memory_space<vmem>>[vector<16xi32>], vector<16xf32>,
      %add3A_894 = arith.constant 528 : i32
      %add3A_895 = vector.broadcast %add3A_894 : i32 to vector<16xi32>
      %add3A_896 = arith.addi %add3A_895, %broadcast_in_dim3A_889 : vector<16xi32>
      %gather3A_897 = tpu.vector_load_idx %arg17[%add3A_896] : memref<544xf32, #tpu.memory_space<vmem>>[vector<16xi32>], vector<16xf32>,
      %broadcast_in_dim3A_898 = arith.constant 12 : i32
      %broadcast_in_dim3A_899 = vector.broadcast %broadcast_in_dim3A_898 : i32 to vector<16xi32>
      %add3A_900 = arith.constant 512 : i32
      %add3A_901 = vector.broadcast %add3A_900 : i32 to vector<16xi32>
      %add3A_902 = arith.addi %add3A_901, %broadcast_in_dim3A_899 : vector<16xi32>
      %gather3A_903 = tpu.vector_load_idx %arg17[%add3A_902] : memref<544xf32, #tpu.memory_space<vmem>>[vector<16xi32>], vector<16xf32>,
      %add3A_904 = arith.constant 528 : i32
      %add3A_905 = vector.broadcast %add3A_904 : i32 to vector<16xi32>
      %add3A_906 = arith.addi %add3A_905, %broadcast_in_dim3A_899 : vector<16xi32>
      %gather3A_907 = tpu.vector_load_idx %arg17[%add3A_906] : memref<544xf32, #tpu.memory_space<vmem>>[vector<16xi32>], vector<16xf32>,
      %broadcast_in_dim3A_908 = arith.constant 13 : i32
      %broadcast_in_dim3A_909 = vector.broadcast %broadcast_in_dim3A_908 : i32 to vector<16xi32>
      %add3A_910 = arith.constant 512 : i32
      %add3A_911 = vector.broadcast %add3A_910 : i32 to vector<16xi32>
      %add3A_912 = arith.addi %add3A_911, %broadcast_in_dim3A_909 : vector<16xi32>
      %gather3A_913 = tpu.vector_load_idx %arg17[%add3A_912] : memref<544xf32, #tpu.memory_space<vmem>>[vector<16xi32>], vector<16xf32>,
      %add3A_914 = arith.constant 528 : i32
      %add3A_915 = vector.broadcast %add3A_914 : i32 to vector<16xi32>
      %add3A_916 = arith.addi %add3A_915, %broadcast_in_dim3A_909 : vector<16xi32>
      %gather3A_917 = tpu.vector_load_idx %arg17[%add3A_916] : memref<544xf32, #tpu.memory_space<vmem>>[vector<16xi32>], vector<16xf32>,
      %broadcast_in_dim3A_918 = arith.constant 14 : i32
      %broadcast_in_dim3A_919 = vector.broadcast %broadcast_in_dim3A_918 : i32 to vector<16xi32>
      %add3A_920 = arith.constant 512 : i32
      %add3A_921 = vector.broadcast %add3A_920 : i32 to vector<16xi32>
      %add3A_922 = arith.addi %add3A_921, %broadcast_in_dim3A_919 : vector<16xi32>
      %gather3A_923 = tpu.vector_load_idx %arg17[%add3A_922] : memref<544xf32, #tpu.memory_space<vmem>>[vector<16xi32>], vector<16xf32>,
      %add3A_924 = arith.constant 528 : i32
      %add3A_925 = vector.broadcast %add3A_924 : i32 to vector<16xi32>
      %add3A_926 = arith.addi %add3A_925, %broadcast_in_dim3A_919 : vector<16xi32>
      %gather3A_927 = tpu.vector_load_idx %arg17[%add3A_926] : memref<544xf32, #tpu.memory_space<vmem>>[vector<16xi32>], vector<16xf32>,
      %broadcast_in_dim3A_928 = arith.constant 15 : i32
      %broadcast_in_dim3A_929 = vector.broadcast %broadcast_in_dim3A_928 : i32 to vector<16xi32>
      %add3A_930 = arith.constant 512 : i32
      %add3A_931 = vector.broadcast %add3A_930 : i32 to vector<16xi32>
      %add3A_932 = arith.addi %add3A_931, %broadcast_in_dim3A_929 : vector<16xi32>
      %gather3A_933 = tpu.vector_load_idx %arg17[%add3A_932] : memref<544xf32, #tpu.memory_space<vmem>>[vector<16xi32>], vector<16xf32>,
      %add3A_934 = arith.constant 528 : i32
      %add3A_935 = vector.broadcast %add3A_934 : i32 to vector<16xi32>
      %add3A_936 = arith.addi %add3A_935, %broadcast_in_dim3A_929 : vector<16xi32>
      %gather3A_937 = tpu.vector_load_idx %arg17[%add3A_936] : memref<544xf32, #tpu.memory_space<vmem>>[vector<16xi32>], vector<16xf32>,
      %parallel_loop3A_938 = arith.constant 0 : i32
      %parallel_loop3A_939 = arith.constant 64 : i32
      %parallel_loop3A_940 = arith.constant 1 : i32
      scf.for %parallel_loop3A_946 = %parallel_loop3A_938 to %parallel_loop3A_939 step %parallel_loop3A_940  : i32 {
        %parallel_loop3A_947 = arith.constant 16 : i32
        %parallel_loop3A_948 = arith.muli %parallel_loop3A_946, %parallel_loop3A_947 : i32
        %parallel_loop3A_949 = arith.index_cast %parallel_loop3A_948 : i32 to index
        %parallel_loop3A_950 = tpu.vector_load %arg15[%parallel_loop3A_949] {strides = array<i32>} : memref<1024xf32, #tpu.memory_space<vmem>>, vector<16xf32>,
        %parallel_loop3A_951 = arith.index_cast %parallel_loop3A_948 : i32 to index
        %parallel_loop3A_952 = tpu.vector_load %arg16[%parallel_loop3A_951] {strides = array<i32>} : memref<1024xf32, #tpu.memory_space<vmem>>, vector<16xf32>,
        %parallel_loop3A_953 = arith.constant 0 : i32
        %parallel_loop3A_954 = arith.index_cast %parallel_loop3A_953 : i32 to index
        %parallel_loop3A_955 = arith.index_cast %parallel_loop3A_948 : i32 to index
        %parallel_loop3A_956 = tpu.vector_load %arg14[%parallel_loop3A_954, %parallel_loop3A_955] {strides = array<i32>} : memref<16x1024xf32, #tpu.memory_space<vmem>>, vector<16xf32>,
        %parallel_loop3A_957 = arith.subf %parallel_loop3A_956, %gather3A_783 : vector<16xf32>
        %parallel_loop3A_958 = arith.mulf %parallel_loop3A_957, %gather3A_787 : vector<16xf32>
        %parallel_loop3A_959 = arith.mulf %parallel_loop3A_958, %parallel_loop3A_950 : vector<16xf32>
        %parallel_loop3A_960 = arith.addf %parallel_loop3A_959, %parallel_loop3A_952 : vector<16xf32>
        %parallel_loop3A_961 = arith.constant 0 : i32
        %parallel_loop3A_962 = arith.index_cast %parallel_loop3A_961 : i32 to index
        %parallel_loop3A_963 = arith.index_cast %parallel_loop3A_948 : i32 to index
        %parallel_loop3A_964 = tpu.vector_load %arg14[%parallel_loop3A_962, %parallel_loop3A_963] {strides = array<i32>} : memref<16x1024xf32, #tpu.memory_space<vmem>>, vector<16xf32>,
        tpu.vector_store %arg14[%parallel_loop3A_962, %parallel_loop3A_963], %parallel_loop3A_960 {strides = array<i32>} : memref<16x1024xf32, #tpu.memory_space<vmem>>, vector<16xf32>,
        %parallel_loop3A_965 = arith.constant 1 : i32
        %parallel_loop3A_966 = arith.index_cast %parallel_loop3A_965 : i32 to index
        %parallel_loop3A_967 = arith.index_cast %parallel_loop3A_948 : i32 to index
        %parallel_loop3A_968 = tpu.vector_load %arg14[%parallel_loop3A_966, %parallel_loop3A_967] {strides = array<i32>} : memref<16x1024xf32, #tpu.memory_space<vmem>>, vector<16xf32>,
        %parallel_loop3A_969 = arith.subf %parallel_loop3A_968, %gather3A_793 : vector<16xf32>
        %parallel_loop3A_970 = arith.mulf %parallel_loop3A_969, %gather3A_797 : vector<16xf32>
        %parallel_loop3A_971 = arith.mulf %parallel_loop3A_970, %parallel_loop3A_950 : vector<16xf32>
        %parallel_loop3A_972 = arith.addf %parallel_loop3A_971, %parallel_loop3A_952 : vector<16xf32>
        %parallel_loop3A_973 = arith.constant 1 : i32
        %parallel_loop3A_974 = arith.index_cast %parallel_loop3A_973 : i32 to index
        %parallel_loop3A_975 = arith.index_cast %parallel_loop3A_948 : i32 to index
        %parallel_loop3A_976 = tpu.vector_load %arg14[%parallel_loop3A_974, %parallel_loop3A_975] {strides = array<i32>} : memref<16x1024xf32, #tpu.memory_space<vmem>>, vector<16xf32>,
        tpu.vector_store %arg14[%parallel_loop3A_974, %parallel_loop3A_975], %parallel_loop3A_972 {strides = array<i32>} : memref<16x1024xf32, #tpu.memory_space<vmem>>, vector<16xf32>,
        %parallel_loop3A_977 = arith.constant 2 : i32
        %parallel_loop3A_978 = arith.index_cast %parallel_loop3A_977 : i32 to index
        %parallel_loop3A_979 = arith.index_cast %parallel_loop3A_948 : i32 to index
        %parallel_loop3A_980 = tpu.vector_load %arg14[%parallel_loop3A_978, %parallel_loop3A_979] {strides = array<i32>} : memref<16x1024xf32, #tpu.memory_space<vmem>>, vector<16xf32>,
        %parallel_loop3A_981 = arith.subf %parallel_loop3A_980, %gather3A_803 : vector<16xf32>
        %parallel_loop3A_982 = arith.mulf %parallel_loop3A_981, %gather3A_807 : vector<16xf32>
        %parallel_loop3A_983 = arith.mulf %parallel_loop3A_982, %parallel_loop3A_950 : vector<16xf32>
        %parallel_loop3A_984 = arith.addf %parallel_loop3A_983, %parallel_loop3A_952 : vector<16xf32>
        %parallel_loop3A_985 = arith.constant 2 : i32
        %parallel_loop3A_986 = arith.index_cast %parallel_loop3A_985 : i32 to index
        %parallel_loop3A_987 = arith.index_cast %parallel_loop3A_948 : i32 to index
        %parallel_loop3A_988 = tpu.vector_load %arg14[%parallel_loop3A_986, %parallel_loop3A_987] {strides = array<i32>} : memref<16x1024xf32, #tpu.memory_space<vmem>>, vector<16xf32>,
        tpu.vector_store %arg14[%parallel_loop3A_986, %parallel_loop3A_987], %parallel_loop3A_984 {strides = array<i32>} : memref<16x1024xf32, #tpu.memory_space<vmem>>, vector<16xf32>,
        %parallel_loop3A_989 = arith.constant 3 : i32
        %parallel_loop3A_990 = arith.index_cast %parallel_loop3A_989 : i32 to index
        %parallel_loop3A_991 = arith.index_cast %parallel_loop3A_948 : i32 to index
        %parallel_loop3A_992 = tpu.vector_load %arg14[%parallel_loop3A_990, %parallel_loop3A_991] {strides = array<i32>} : memref<16x1024xf32, #tpu.memory_space<vmem>>, vector<16xf32>,
        %parallel_loop3A_993 = arith.subf %parallel_loop3A_992, %gather3A_813 : vector<16xf32>
        %parallel_loop3A_994 = arith.mulf %parallel_loop3A_993, %gather3A_817 : vector<16xf32>
        %parallel_loop3A_995 = arith.mulf %parallel_loop3A_994, %parallel_loop3A_950 : vector<16xf32>
        %parallel_loop3A_996 = arith.addf %parallel_loop3A_995, %parallel_loop3A_952 : vector<16xf32>
        %parallel_loop3A_997 = arith.constant 3 : i32
        %parallel_loop3A_998 = arith.index_cast %parallel_loop3A_997 : i32 to index
        %parallel_loop3A_999 = arith.index_cast %parallel_loop3A_948 : i32 to index
        %parallel_loop3A_1000 = tpu.vector_load %arg14[%parallel_loop3A_998, %parallel_loop3A_999] {strides = array<i32>} : memref<16x1024xf32, #tpu.memory_space<vmem>>, vector<16xf32>,
        tpu.vector_store %arg14[%parallel_loop3A_998, %parallel_loop3A_999], %parallel_loop3A_996 {strides = array<i32>} : memref<16x1024xf32, #tpu.memory_space<vmem>>, vector<16xf32>,
        %parallel_loop3A_1001 = arith.constant 4 : i32
        %parallel_loop3A_1002 = arith.index_cast %parallel_loop3A_1001 : i32 to index
        %parallel_loop3A_1003 = arith.index_cast %parallel_loop3A_948 : i32 to index
        %parallel_loop3A_1004 = tpu.vector_load %arg14[%parallel_loop3A_1002, %parallel_loop3A_1003] {strides = array<i32>} : memref<16x1024xf32, #tpu.memory_space<vmem>>, vector<16xf32>,
        %parallel_loop3A_1005 = arith.subf %parallel_loop3A_1004, %gather3A_823 : vector<16xf32>
        %parallel_loop3A_1006 = arith.mulf %parallel_loop3A_1005, %gather3A_827 : vector<16xf32>
        %parallel_loop3A_1007 = arith.mulf %parallel_loop3A_1006, %parallel_loop3A_950 : vector<16xf32>
        %parallel_loop3A_1008 = arith.addf %parallel_loop3A_1007, %parallel_loop3A_952 : vector<16xf32>
        %parallel_loop3A_1009 = arith.constant 4 : i32
        %parallel_loop3A_1010 = arith.index_cast %parallel_loop3A_1009 : i32 to index
        %parallel_loop3A_1011 = arith.index_cast %parallel_loop3A_948 : i32 to index
        %parallel_loop3A_1012 = tpu.vector_load %arg14[%parallel_loop3A_1010, %parallel_loop3A_1011] {strides = array<i32>} : memref<16x1024xf32, #tpu.memory_space<vmem>>, vector<16xf32>,
        tpu.vector_store %arg14[%parallel_loop3A_1010, %parallel_loop3A_1011], %parallel_loop3A_1008 {strides = array<i32>} : memref<16x1024xf32, #tpu.memory_space<vmem>>, vector<16xf32>,
        %parallel_loop3A_1013 = arith.constant 5 : i32
        %parallel_loop3A_1014 = arith.index_cast %parallel_loop3A_1013 : i32 to index
        %parallel_loop3A_1015 = arith.index_cast %parallel_loop3A_948 : i32 to index
        %parallel_loop3A_1016 = tpu.vector_load %arg14[%parallel_loop3A_1014, %parallel_loop3A_1015] {strides = array<i32>} : memref<16x1024xf32, #tpu.memory_space<vmem>>, vector<16xf32>,
        %parallel_loop3A_1017 = arith.subf %parallel_loop3A_1016, %gather3A_833 : vector<16xf32>
        %parallel_loop3A_1018 = arith.mulf %parallel_loop3A_1017, %gather3A_837 : vector<16xf32>
        %parallel_loop3A_1019 = arith.mulf %parallel_loop3A_1018, %parallel_loop3A_950 : vector<16xf32>
        %parallel_loop3A_1020 = arith.addf %parallel_loop3A_1019, %parallel_loop3A_952 : vector<16xf32>
        %parallel_loop3A_1021 = arith.constant 5 : i32
        %parallel_loop3A_1022 = arith.index_cast %parallel_loop3A_1021 : i32 to index
        %parallel_loop3A_1023 = arith.index_cast %parallel_loop3A_948 : i32 to index
        %parallel_loop3A_1024 = tpu.vector_load %arg14[%parallel_loop3A_1022, %parallel_loop3A_1023] {strides = array<i32>} : memref<16x1024xf32, #tpu.memory_space<vmem>>, vector<16xf32>,
        tpu.vector_store %arg14[%parallel_loop3A_1022, %parallel_loop3A_1023], %parallel_loop3A_1020 {strides = array<i32>} : memref<16x1024xf32, #tpu.memory_space<vmem>>, vector<16xf32>,
        %parallel_loop3A_1025 = arith.constant 6 : i32
        %parallel_loop3A_1026 = arith.index_cast %parallel_loop3A_1025 : i32 to index
        %parallel_loop3A_1027 = arith.index_cast %parallel_loop3A_948 : i32 to index
        %parallel_loop3A_1028 = tpu.vector_load %arg14[%parallel_loop3A_1026, %parallel_loop3A_1027] {strides = array<i32>} : memref<16x1024xf32, #tpu.memory_space<vmem>>, vector<16xf32>,
        %parallel_loop3A_1029 = arith.subf %parallel_loop3A_1028, %gather3A_843 : vector<16xf32>
        %parallel_loop3A_1030 = arith.mulf %parallel_loop3A_1029, %gather3A_847 : vector<16xf32>
        %parallel_loop3A_1031 = arith.mulf %parallel_loop3A_1030, %parallel_loop3A_950 : vector<16xf32>
        %parallel_loop3A_1032 = arith.addf %parallel_loop3A_1031, %parallel_loop3A_952 : vector<16xf32>
        %parallel_loop3A_1033 = arith.constant 6 : i32
        %parallel_loop3A_1034 = arith.index_cast %parallel_loop3A_1033 : i32 to index
        %parallel_loop3A_1035 = arith.index_cast %parallel_loop3A_948 : i32 to index
        %parallel_loop3A_1036 = tpu.vector_load %arg14[%parallel_loop3A_1034, %parallel_loop3A_1035] {strides = array<i32>} : memref<16x1024xf32, #tpu.memory_space<vmem>>, vector<16xf32>,
        tpu.vector_store %arg14[%parallel_loop3A_1034, %parallel_loop3A_1035], %parallel_loop3A_1032 {strides = array<i32>} : memref<16x1024xf32, #tpu.memory_space<vmem>>, vector<16xf32>,
        %parallel_loop3A_1037 = arith.constant 7 : i32
        %parallel_loop3A_1038 = arith.index_cast %parallel_loop3A_1037 : i32 to index
        %parallel_loop3A_1039 = arith.index_cast %parallel_loop3A_948 : i32 to index
        %parallel_loop3A_1040 = tpu.vector_load %arg14[%parallel_loop3A_1038, %parallel_loop3A_1039] {strides = array<i32>} : memref<16x1024xf32, #tpu.memory_space<vmem>>, vector<16xf32>,
        %parallel_loop3A_1041 = arith.subf %parallel_loop3A_1040, %gather3A_853 : vector<16xf32>
        %parallel_loop3A_1042 = arith.mulf %parallel_loop3A_1041, %gather3A_857 : vector<16xf32>
        %parallel_loop3A_1043 = arith.mulf %parallel_loop3A_1042, %parallel_loop3A_950 : vector<16xf32>
        %parallel_loop3A_1044 = arith.addf %parallel_loop3A_1043, %parallel_loop3A_952 : vector<16xf32>
        %parallel_loop3A_1045 = arith.constant 7 : i32
        %parallel_loop3A_1046 = arith.index_cast %parallel_loop3A_1045 : i32 to index
        %parallel_loop3A_1047 = arith.index_cast %parallel_loop3A_948 : i32 to index
        %parallel_loop3A_1048 = tpu.vector_load %arg14[%parallel_loop3A_1046, %parallel_loop3A_1047] {strides = array<i32>} : memref<16x1024xf32, #tpu.memory_space<vmem>>, vector<16xf32>,
        tpu.vector_store %arg14[%parallel_loop3A_1046, %parallel_loop3A_1047], %parallel_loop3A_1044 {strides = array<i32>} : memref<16x1024xf32, #tpu.memory_space<vmem>>, vector<16xf32>,
        %parallel_loop3A_1049 = arith.constant 8 : i32
        %parallel_loop3A_1050 = arith.index_cast %parallel_loop3A_1049 : i32 to index
        %parallel_loop3A_1051 = arith.index_cast %parallel_loop3A_948 : i32 to index
        %parallel_loop3A_1052 = tpu.vector_load %arg14[%parallel_loop3A_1050, %parallel_loop3A_1051] {strides = array<i32>} : memref<16x1024xf32, #tpu.memory_space<vmem>>, vector<16xf32>,
        %parallel_loop3A_1053 = arith.subf %parallel_loop3A_1052, %gather3A_863 : vector<16xf32>
        %parallel_loop3A_1054 = arith.mulf %parallel_loop3A_1053, %gather3A_867 : vector<16xf32>
        %parallel_loop3A_1055 = arith.mulf %parallel_loop3A_1054, %parallel_loop3A_950 : vector<16xf32>
        %parallel_loop3A_1056 = arith.addf %parallel_loop3A_1055, %parallel_loop3A_952 : vector<16xf32>
        %parallel_loop3A_1057 = arith.constant 8 : i32
        %parallel_loop3A_1058 = arith.index_cast %parallel_loop3A_1057 : i32 to index
        %parallel_loop3A_1059 = arith.index_cast %parallel_loop3A_948 : i32 to index
        %parallel_loop3A_1060 = tpu.vector_load %arg14[%parallel_loop3A_1058, %parallel_loop3A_1059] {strides = array<i32>} : memref<16x1024xf32, #tpu.memory_space<vmem>>, vector<16xf32>,
        tpu.vector_store %arg14[%parallel_loop3A_1058, %parallel_loop3A_1059], %parallel_loop3A_1056 {strides = array<i32>} : memref<16x1024xf32, #tpu.memory_space<vmem>>, vector<16xf32>,
        %parallel_loop3A_1061 = arith.constant 9 : i32
        %parallel_loop3A_1062 = arith.index_cast %parallel_loop3A_1061 : i32 to index
        %parallel_loop3A_1063 = arith.index_cast %parallel_loop3A_948 : i32 to index
        %parallel_loop3A_1064 = tpu.vector_load %arg14[%parallel_loop3A_1062, %parallel_loop3A_1063] {strides = array<i32>} : memref<16x1024xf32, #tpu.memory_space<vmem>>, vector<16xf32>,
        %parallel_loop3A_1065 = arith.subf %parallel_loop3A_1064, %gather3A_873 : vector<16xf32>
        %parallel_loop3A_1066 = arith.mulf %parallel_loop3A_1065, %gather3A_877 : vector<16xf32>
        %parallel_loop3A_1067 = arith.mulf %parallel_loop3A_1066, %parallel_loop3A_950 : vector<16xf32>
        %parallel_loop3A_1068 = arith.addf %parallel_loop3A_1067, %parallel_loop3A_952 : vector<16xf32>
        %parallel_loop3A_1069 = arith.constant 9 : i32
        %parallel_loop3A_1070 = arith.index_cast %parallel_loop3A_1069 : i32 to index
        %parallel_loop3A_1071 = arith.index_cast %parallel_loop3A_948 : i32 to index
        %parallel_loop3A_1072 = tpu.vector_load %arg14[%parallel_loop3A_1070, %parallel_loop3A_1071] {strides = array<i32>} : memref<16x1024xf32, #tpu.memory_space<vmem>>, vector<16xf32>,
        tpu.vector_store %arg14[%parallel_loop3A_1070, %parallel_loop3A_1071], %parallel_loop3A_1068 {strides = array<i32>} : memref<16x1024xf32, #tpu.memory_space<vmem>>, vector<16xf32>,
        %parallel_loop3A_1073 = arith.constant 10 : i32
        %parallel_loop3A_1074 = arith.index_cast %parallel_loop3A_1073 : i32 to index
        %parallel_loop3A_1075 = arith.index_cast %parallel_loop3A_948 : i32 to index
        %parallel_loop3A_1076 = tpu.vector_load %arg14[%parallel_loop3A_1074, %parallel_loop3A_1075] {strides = array<i32>} : memref<16x1024xf32, #tpu.memory_space<vmem>>, vector<16xf32>,
        %parallel_loop3A_1077 = arith.subf %parallel_loop3A_1076, %gather3A_883 : vector<16xf32>
        %parallel_loop3A_1078 = arith.mulf %parallel_loop3A_1077, %gather3A_887 : vector<16xf32>
        %parallel_loop3A_1079 = arith.mulf %parallel_loop3A_1078, %parallel_loop3A_950 : vector<16xf32>
        %parallel_loop3A_1080 = arith.addf %parallel_loop3A_1079, %parallel_loop3A_952 : vector<16xf32>
        %parallel_loop3A_1081 = arith.constant 10 : i32
        %parallel_loop3A_1082 = arith.index_cast %parallel_loop3A_1081 : i32 to index
        %parallel_loop3A_1083 = arith.index_cast %parallel_loop3A_948 : i32 to index
        %parallel_loop3A_1084 = tpu.vector_load %arg14[%parallel_loop3A_1082, %parallel_loop3A_1083] {strides = array<i32>} : memref<16x1024xf32, #tpu.memory_space<vmem>>, vector<16xf32>,
        tpu.vector_store %arg14[%parallel_loop3A_1082, %parallel_loop3A_1083], %parallel_loop3A_1080 {strides = array<i32>} : memref<16x1024xf32, #tpu.memory_space<vmem>>, vector<16xf32>,
        %parallel_loop3A_1085 = arith.constant 11 : i32
        %parallel_loop3A_1086 = arith.index_cast %parallel_loop3A_1085 : i32 to index
        %parallel_loop3A_1087 = arith.index_cast %parallel_loop3A_948 : i32 to index
        %parallel_loop3A_1088 = tpu.vector_load %arg14[%parallel_loop3A_1086, %parallel_loop3A_1087] {strides = array<i32>} : memref<16x1024xf32, #tpu.memory_space<vmem>>, vector<16xf32>,
        %parallel_loop3A_1089 = arith.subf %parallel_loop3A_1088, %gather3A_893 : vector<16xf32>
        %parallel_loop3A_1090 = arith.mulf %parallel_loop3A_1089, %gather3A_897 : vector<16xf32>
        %parallel_loop3A_1091 = arith.mulf %parallel_loop3A_1090, %parallel_loop3A_950 : vector<16xf32>
        %parallel_loop3A_1092 = arith.addf %parallel_loop3A_1091, %parallel_loop3A_952 : vector<16xf32>
        %parallel_loop3A_1093 = arith.constant 11 : i32
        %parallel_loop3A_1094 = arith.index_cast %parallel_loop3A_1093 : i32 to index
        %parallel_loop3A_1095 = arith.index_cast %parallel_loop3A_948 : i32 to index
        %parallel_loop3A_1096 = tpu.vector_load %arg14[%parallel_loop3A_1094, %parallel_loop3A_1095] {strides = array<i32>} : memref<16x1024xf32, #tpu.memory_space<vmem>>, vector<16xf32>,
        tpu.vector_store %arg14[%parallel_loop3A_1094, %parallel_loop3A_1095], %parallel_loop3A_1092 {strides = array<i32>} : memref<16x1024xf32, #tpu.memory_space<vmem>>, vector<16xf32>,
        %parallel_loop3A_1097 = arith.constant 12 : i32
        %parallel_loop3A_1098 = arith.index_cast %parallel_loop3A_1097 : i32 to index
        %parallel_loop3A_1099 = arith.index_cast %parallel_loop3A_948 : i32 to index
        %parallel_loop3A_1100 = tpu.vector_load %arg14[%parallel_loop3A_1098, %parallel_loop3A_1099] {strides = array<i32>} : memref<16x1024xf32, #tpu.memory_space<vmem>>, vector<16xf32>,
        %parallel_loop3A_1101 = arith.subf %parallel_loop3A_1100, %gather3A_903 : vector<16xf32>
        %parallel_loop3A_1102 = arith.mulf %parallel_loop3A_1101, %gather3A_907 : vector<16xf32>
        %parallel_loop3A_1103 = arith.mulf %parallel_loop3A_1102, %parallel_loop3A_950 : vector<16xf32>
        %parallel_loop3A_1104 = arith.addf %parallel_loop3A_1103, %parallel_loop3A_952 : vector<16xf32>
        %parallel_loop3A_1105 = arith.constant 12 : i32
        %parallel_loop3A_1106 = arith.index_cast %parallel_loop3A_1105 : i32 to index
        %parallel_loop3A_1107 = arith.index_cast %parallel_loop3A_948 : i32 to index
        %parallel_loop3A_1108 = tpu.vector_load %arg14[%parallel_loop3A_1106, %parallel_loop3A_1107] {strides = array<i32>} : memref<16x1024xf32, #tpu.memory_space<vmem>>, vector<16xf32>,
        tpu.vector_store %arg14[%parallel_loop3A_1106, %parallel_loop3A_1107], %parallel_loop3A_1104 {strides = array<i32>} : memref<16x1024xf32, #tpu.memory_space<vmem>>, vector<16xf32>,
        %parallel_loop3A_1109 = arith.constant 13 : i32
        %parallel_loop3A_1110 = arith.index_cast %parallel_loop3A_1109 : i32 to index
        %parallel_loop3A_1111 = arith.index_cast %parallel_loop3A_948 : i32 to index
        %parallel_loop3A_1112 = tpu.vector_load %arg14[%parallel_loop3A_1110, %parallel_loop3A_1111] {strides = array<i32>} : memref<16x1024xf32, #tpu.memory_space<vmem>>, vector<16xf32>,
        %parallel_loop3A_1113 = arith.subf %parallel_loop3A_1112, %gather3A_913 : vector<16xf32>
        %parallel_loop3A_1114 = arith.mulf %parallel_loop3A_1113, %gather3A_917 : vector<16xf32>
        %parallel_loop3A_1115 = arith.mulf %parallel_loop3A_1114, %parallel_loop3A_950 : vector<16xf32>
        %parallel_loop3A_1116 = arith.addf %parallel_loop3A_1115, %parallel_loop3A_952 : vector<16xf32>
        %parallel_loop3A_1117 = arith.constant 13 : i32
        %parallel_loop3A_1118 = arith.index_cast %parallel_loop3A_1117 : i32 to index
        %parallel_loop3A_1119 = arith.index_cast %parallel_loop3A_948 : i32 to index
        %parallel_loop3A_1120 = tpu.vector_load %arg14[%parallel_loop3A_1118, %parallel_loop3A_1119] {strides = array<i32>} : memref<16x1024xf32, #tpu.memory_space<vmem>>, vector<16xf32>,
        tpu.vector_store %arg14[%parallel_loop3A_1118, %parallel_loop3A_1119], %parallel_loop3A_1116 {strides = array<i32>} : memref<16x1024xf32, #tpu.memory_space<vmem>>, vector<16xf32>,
        %parallel_loop3A_1121 = arith.constant 14 : i32
        %parallel_loop3A_1122 = arith.index_cast %parallel_loop3A_1121 : i32 to index
        %parallel_loop3A_1123 = arith.index_cast %parallel_loop3A_948 : i32 to index
        %parallel_loop3A_1124 = tpu.vector_load %arg14[%parallel_loop3A_1122, %parallel_loop3A_1123] {strides = array<i32>} : memref<16x1024xf32, #tpu.memory_space<vmem>>, vector<16xf32>,
        %parallel_loop3A_1125 = arith.subf %parallel_loop3A_1124, %gather3A_923 : vector<16xf32>
        %parallel_loop3A_1126 = arith.mulf %parallel_loop3A_1125, %gather3A_927 : vector<16xf32>
        %parallel_loop3A_1127 = arith.mulf %parallel_loop3A_1126, %parallel_loop3A_950 : vector<16xf32>
        %parallel_loop3A_1128 = arith.addf %parallel_loop3A_1127, %parallel_loop3A_952 : vector<16xf32>
        %parallel_loop3A_1129 = arith.constant 14 : i32
        %parallel_loop3A_1130 = arith.index_cast %parallel_loop3A_1129 : i32 to index
        %parallel_loop3A_1131 = arith.index_cast %parallel_loop3A_948 : i32 to index
        %parallel_loop3A_1132 = tpu.vector_load %arg14[%parallel_loop3A_1130, %parallel_loop3A_1131] {strides = array<i32>} : memref<16x1024xf32, #tpu.memory_space<vmem>>, vector<16xf32>,
        tpu.vector_store %arg14[%parallel_loop3A_1130, %parallel_loop3A_1131], %parallel_loop3A_1128 {strides = array<i32>} : memref<16x1024xf32, #tpu.memory_space<vmem>>, vector<16xf32>,
        %parallel_loop3A_1133 = arith.constant 15 : i32
        %parallel_loop3A_1134 = arith.index_cast %parallel_loop3A_1133 : i32 to index
        %parallel_loop3A_1135 = arith.index_cast %parallel_loop3A_948 : i32 to index
        %parallel_loop3A_1136 = tpu.vector_load %arg14[%parallel_loop3A_1134, %parallel_loop3A_1135] {strides = array<i32>} : memref<16x1024xf32, #tpu.memory_space<vmem>>, vector<16xf32>,
        %parallel_loop3A_1137 = arith.subf %parallel_loop3A_1136, %gather3A_933 : vector<16xf32>
        %parallel_loop3A_1138 = arith.mulf %parallel_loop3A_1137, %gather3A_937 : vector<16xf32>
        %parallel_loop3A_1139 = arith.mulf %parallel_loop3A_1138, %parallel_loop3A_950 : vector<16xf32>
        %parallel_loop3A_1140 = arith.addf %parallel_loop3A_1139, %parallel_loop3A_952 : vector<16xf32>
        %parallel_loop3A_1141 = arith.constant 15 : i32
        %parallel_loop3A_1142 = arith.index_cast %parallel_loop3A_1141 : i32 to index
        %parallel_loop3A_1143 = arith.index_cast %parallel_loop3A_948 : i32 to index
        %parallel_loop3A_1144 = tpu.vector_load %arg14[%parallel_loop3A_1142, %parallel_loop3A_1143] {strides = array<i32>} : memref<16x1024xf32, #tpu.memory_space<vmem>>, vector<16xf32>,
        tpu.vector_store %arg14[%parallel_loop3A_1142, %parallel_loop3A_1143], %parallel_loop3A_1140 {strides = array<i32>} : memref<16x1024xf32, #tpu.memory_space<vmem>>, vector<16xf32>,
      } {sc.loop_unroll_factor = 1 : i64, sc.parallel_access}
      %dma_start3A_941 = arith.constant 0 : i32
      %dma_start3A_942 = tpu.memref_slice %arg7[%add3A_496, %dma_start3A_941] : memref<16384x1024xf32, #tpu.memory_space<hbm>> -> memref<16x1024xf32, #tpu.memory_space<hbm>>
      %dma_start3A_943 = arith.constant 0 : i32
      %dma_start3A_944 = tpu.memref_slice %arg7[%add3A_496, %dma_start3A_943] : memref<16384x1024xf32, #tpu.memory_space<hbm>> -> memref<16x1024xf32, #tpu.memory_space<hbm>>
      tpu.enqueue_dma source(%arg14 : memref<16x1024xf32, #tpu.memory_space<vmem>>) target(%dma_start3A_944 : memref<16x1024xf32, #tpu.memory_space<hbm>>) target_semaphore(%arg23 : memref<!tpu.dma_semaphore, #tpu.memory_space<semaphore_mem>>)
      %scan3A_945 = arith.constant 0 : i32
      scf.yield %scan3A_945 : i32
    }
    %scan3A_33 = arith.constant 16 : i32
    %add3A_34 = arith.constant 480 : i32
    %add3A_35 = arith.addi %mul3A_2, %add3A_34 : i32
    %dma_wait3A = arith.constant 0 : i32
    %dma_wait3A_36 = tpu.memref_slice %arg7[%add3A_35, %dma_wait3A] : memref<16384x1024xf32, #tpu.memory_space<hbm>> -> memref<16x1024xf32, #tpu.memory_space<hbm>>
    %dma_wait3A_37 = arith.constant 0 : i32
    %dma_wait3A_38 = tpu.memref_slice %arg7[%add3A_35, %dma_wait3A_37] : memref<16384x1024xf32, #tpu.memory_space<hbm>> -> memref<16x1024xf32, #tpu.memory_space<hbm>>
    tpu.wait_dma2 semaphore(%arg22 : memref<!tpu.dma_semaphore, #tpu.memory_space<semaphore_mem>>) src(%arg13 : memref<16x1024xf32, #tpu.memory_space<vmem>>) dst(%dma_wait3A_38 : memref<16x1024xf32, #tpu.memory_space<hbm>>)
    %add3A_39 = arith.constant 496 : i32
    %add3A_40 = arith.addi %mul3A_2, %add3A_39 : i32
    %dma_wait3A_41 = arith.constant 0 : i32
    %dma_wait3A_42 = tpu.memref_slice %arg7[%add3A_40, %dma_wait3A_41] : memref<16384x1024xf32, #tpu.memory_space<hbm>> -> memref<16x1024xf32, #tpu.memory_space<hbm>>
    %dma_wait3A_43 = arith.constant 0 : i32
    %dma_wait3A_44 = tpu.memref_slice %arg7[%add3A_40, %dma_wait3A_43] : memref<16384x1024xf32, #tpu.memory_space<hbm>> -> memref<16x1024xf32, #tpu.memory_space<hbm>>
    tpu.wait_dma2 semaphore(%arg23 : memref<!tpu.dma_semaphore, #tpu.memory_space<semaphore_mem>>) src(%arg14 : memref<16x1024xf32, #tpu.memory_space<vmem>>) dst(%dma_wait3A_44 : memref<16x1024xf32, #tpu.memory_space<hbm>>)
    return
  }
}

</mosaic_0001>

<sc_bundles>
// kernel: _emb_ln.3.cloned.1.call-start
scs
__scs_entry_jumppad:
0x0: {  	(pc) =	sbr.rel $0x88, $3  }
0x1: {  	(tag) =	ssettag $0x0;
	lr =	simm.s32 $0x1  }
0x2: {  	[smem:$0x3F9C] =	sst lr;
	_ =	strace $0xD0000000  }
0x3: {  	_ = 	snop  }
0x4: {  	_ = 	snop  }
0x5: {  	_ = 	snop  }
0x6: {  	_ = 	snop  }
0x7: {  	_ = 	snop  }
__scs_overlays_trampoline_lowered:
0x8: {  	[smem:$0x3FAB] =	sst s0  }
0x9: {  	[smem:$0x3FAC] =	sst s1  }
0xa: {  	[smem:$0x3FAD] =	sst s2  }
0xb: {  	[smem:$0x3FAE] =	sst s3  }
0xc: {  	[smem:$0x3FAF] =	sst s4  }
0xd: {  	[smem:$0x3FB0] =	sst s5  }
0xe: {  	[smem:$0x3FB1] =	sst s6  }
0xf: {  	[smem:$0x3FB2] =	sst s7  }
0x10: {  	[smem:$0x3FB3] =	sst s8  }
0x11: {  	[smem:$0x3FB4] =	sst s9;
	s0 =	simm.s32 @!p0 $0x0  }
0x12: {  	s1 =	sld [smem:$0x3F9A];
	s0 =	simm.s32 @p0 $0x1  }
0x13: {  	[smem:$0x3FB5] =	sst s0;
	s0 =	simm.s32 @!p1 $0x0  }
0x14: {  	s2 =	sld [smem:$0x3F99];
	s0 =	simm.s32 @p1 $0x1  }
0x15: {  	[smem:$0x3FB6] =	sst s0;
	s0 =	simm.s32 @!p2 $0x0  }
0x16: {  	s3 =	sld [smem:$0x3FDB];
	s0 =	simm.s32 @p2 $0x1  }
0x17: {  	s4 =	simm.s32 $0x1BF5;
	[smem:$0x3FB8] =	sst s0  }
0x18: {  	s0 =	sld [smem:$0x3F9B];
	_ =	swait.ge [sflag:s4], $0x0  }
0x19: {  	s7 =	sld [smem:$0x3F9C]  }
0x1a: {  	s8 =	sadd.s32 $0xFFFFE003, lr  }
0x1b: {  	s9 =	sadd.s32 $0xFFFFFEF7, lr;
	s5 =	simm.s32 $0xFFFFFFFF;
	p2 =	slt.u32 s8, $0xFFFFF086  }
0x1c: {  	p1 =	slt.u32 s9, $0xF7A;
	s5 =	simm.s32 @!p2 $0x0  }
0x1d: {  	s5 =	simm.s32 @p1 $0x1;
	p0 =	seq.s32 s7, s2  }
0x1e: {  	s7 =	smul.u32 @!p0 $0xF7A, s2;
	p2 =	seq.s32 @!p0 s5, $0x0  }
0x1f: {  	s9 =	smul.u32 $0xF7A, s1;
	s8 =	simm.s32 @!p0 $0x1BF5;
	p2 =	por !p2, p0  }
0x20: {  	[sflag:s8] =	ssyncset.s32 @!p0 $0xFFFFF086;
	s6 =	sadd.s32 @!p0 s3, s7;
	s7 =	simm.s32 @!p0 $0x108  }
0x21: {  	s3 =	sadd.s32 s3, s9;
	s6 =	sadd.s32 @!p0 $0x88, s6;
	s7 =	simm.s32 @p2 $0x1082  }
0x22: {  	[simem:s7], [sflag:s8] =	dma.local @!p0 [hbm:s6], $0xF7A  }
0x23: {  	s9 =	sor.u32 $0xD0000000, s2;
	s6 =	simm.s32 $0x108;
	_ =	swait.ge @!p0 [sflag:s8], $0x0  }
0x24: {  	s3 =	sadd.s32 $0x88, s3;
	s6 =	simm.s32 @!p1 $0x1082;
	[sflag:s4] =	ssyncset.s32 $0xFFFFF086  }
0x25: {  	[simem:s6], [sflag:s4] =	dma.local [hbm:s3], $0xF7A  }
0x26: {  	[smem:$0x3F9C] =	sst s1;
	(tag) =	ssettag s2;
	_ =	strace s9  }
0x27: {  	s1 =	sld [smem:$0x3FAC]  }
0x28: {  	s2 =	sld [smem:$0x3FAD]  }
0x29: {  	s4 =	sld [smem:$0x3FAF]  }
0x2a: {  	p0 =	seq.s32 s5, $0x0;
	s5 =	sld [smem:$0x3FB0]  }
0x2b: {  	s6 =	sld [smem:$0x3FB1]  }
0x2c: {  	s7 =	sld [smem:$0x3FB2]  }
0x2d: {  	s3 =	simm.s32 $0x108;
	s8 =	sld [smem:$0x3FB3]  }
0x2e: {  	s3 =	simm.s32 @!p0 $0x1082;
	s9 =	sld [smem:$0x3FB4]  }
0x2f: {  	lr =	sadd.s32 s0, s3;
	s0 =	sld [smem:$0x3FAB]  }
0x30: {  	s3 =	sld [smem:$0x3FAE]  }
0x31: {  	[smem:$0x3FB7] =	sst s10  }
0x32: {  	s10 =	sld [smem:$0x3FB5];
	_ =	sdelay $0x3  }
0x33: {  	p0 =	seq.s32 s10, $0x1;
	s10 =	sld [smem:$0x3FB7];
	_ =	sdelay $0x3  }
0x34: {  	[smem:$0x3FB7] =	sst s10  }
0x35: {  	s10 =	sld [smem:$0x3FB6];
	_ =	sdelay $0x3  }
0x36: {  	p1 =	seq.s32 s10, $0x1;
	s10 =	sld [smem:$0x3FB7];
	_ =	sdelay $0x3  }
0x37: {  	[smem:$0x3FB7] =	sst s10  }
0x38: {  	s10 =	sld [smem:$0x3FB8]  }
0x39: {  	_ = 	snop;
	(pc) =	sbr.ind lr, $3  }
0x3a: {  	_ = 	snop  }
0x3b: {  	_ = 	snop  }
0x3c: {  	p2 =	seq.s32 s10, $0x1;
	s10 =	sld [smem:$0x3FB7]  }
0x3d: {  	_ =	shalt  }
0x3e: {  	_ =	shalt  }
0x3f: {  	_ =	shalt  }
0x40: {  	_ =	shalt  }
0x41: {  	_ =	shalt  }
0x42: {  	_ =	shalt  }
0x43: {  	_ =	shalt  }
0x44: {  	_ =	shalt  }
0x45: {  	_ =	shalt  }
0x46: {  	_ =	shalt  }
0x47: {  	_ =	shalt  }
0x48: {  	_ =	shalt  }
0x49: {  	_ =	shalt  }
0x4a: {  	_ =	shalt  }
0x4b: {  	_ =	shalt  }
0x4c: {  	_ =	shalt  }
0x4d: {  	_ =	shalt  }
0x4e: {  	_ =	shalt  }
0x4f: {  	_ =	shalt  }
0x50: {  	_ =	shalt  }
0x51: {  	_ =	shalt  }
0x52: {  	_ =	shalt  }
0x53: {  	_ =	shalt  }
0x54: {  	_ =	shalt  }
0x55: {  	_ =	shalt  }
0x56: {  	_ =	shalt  }
0x57: {  	_ =	shalt  }
0x58: {  	_ =	shalt  }
0x59: {  	_ =	shalt  }
0x5a: {  	_ =	shalt  }
0x5b: {  	_ =	shalt  }
0x5c: {  	_ =	shalt  }
0x5d: {  	_ =	shalt  }
0x5e: {  	_ =	shalt  }
0x5f: {  	_ =	shalt  }
0x60: {  	_ =	shalt  }
0x61: {  	_ =	shalt  }
0x62: {  	_ =	shalt  }
0x63: {  	_ =	shalt  }
0x64: {  	_ =	shalt  }
0x65: {  	_ =	shalt  }
0x66: {  	_ =	shalt  }
0x67: {  	_ =	shalt  }
0x68: {  	_ =	shalt  }
0x69: {  	_ =	shalt  }
0x6a: {  	_ =	shalt  }
0x6b: {  	_ =	shalt  }
0x6c: {  	_ =	shalt  }
0x6d: {  	_ =	shalt  }
0x6e: {  	_ =	shalt  }
0x6f: {  	_ =	shalt  }
0x70: {  	_ =	shalt  }
0x71: {  	_ =	shalt  }
0x72: {  	_ =	shalt  }
0x73: {  	_ =	shalt  }
0x74: {  	_ =	shalt  }
0x75: {  	_ =	shalt  }
0x76: {  	_ =	shalt  }
0x77: {  	_ =	shalt  }
0x78: {  	_ =	shalt  }
0x79: {  	_ =	shalt  }
0x7a: {  	_ =	shalt  }
0x7b: {  	_ =	shalt  }
0x7c: {  	_ =	shalt  }
0x7d: {  	_ =	shalt  }
0x7e: {  	_ =	shalt  }
0x7f: {  	_ =	shalt  }
0x80: {  	_ =	shalt  }
0x81: {  	_ =	shalt  }
0x82: {  	_ =	shalt  }
0x83: {  	_ =	shalt  }
0x84: {  	_ =	shalt  }
0x85: {  	_ =	shalt  }
0x86: {  	_ =	shalt  }
0x87: {  	_ =	shalt  }
.Lfunc_end0:
.L_simem_size_0:
called_computation_lowered:
.L_overlay_start_0:
0x88: {  	s2 =	sld [smem:$0x3FD9]  }
0x89: {  	s3 =	sld [smem:$0x3FFE];
	_ =	sdelay $0x1  }
0x8a: {  	s1 =	srdreg.scid  }
0x8b: {  	s0 =	sand.u32 $0x1, s1  }
0x8c: {  	s18 =	sshll.u32 s0, $0xA;
	s2 =	sadd.s32 s3, s2  }
0x8d: {  	s2 =	sadd.s32 s2, s18  }
0x8e: {  	[smem:$0x3FC3] =	sst s2  }
0x8f: {  	_ = 	snop  }
0x90: {  	s2 =	sld [smem:$0x3FC9]  }
0x91: {  	s19 =	sld [smem:$0x3FC8]  }
0x92: {  	s4 =	sld [smem:$0x3FC7]  }
0x93: {  	s5 =	sld [smem:$0x3FC6]  }
0x94: {  	s6 =	sld [smem:$0x3FC5]  }
0x95: {  	s7 =	sld [smem:$0x3FD0];
	(tm) =	ssettm $0x1  }
0x96: {  	s8 =	sld [smem:$0x3FFB];
	_ =	sdelay $0x3  }
0x97: {  	_ =	strace s8  }
0x98: {  	s8 =	sld [smem:$0x3FFC];
	_ =	sdelay $0x3  }
0x99: {  	_ =	strace s8  }
0x9a: {  	s8 =	sld [smem:$0x3FFD];
	_ =	sdelay $0x3  }
0x9b: {  	_ =	strace s8  }
0x9c: {  	_ =	strace $0x8FFFFFFF  }
0x9d: {  	s20 =	sld [smem:$0x3FDB];
	_ =	sdelay $0x1  }
0x9e: {  	s9 =	simm.s32 $_scs_section_size  }
0x9f: {  	s10 =	simm.s32 $_size__tile_overlayer_lowered;
	s11 =	simm.s32 $_tile_overlayer_lowered  }
0xa0: {  	s23 =	simm.s32 $0x1BFF;
	s22 =	sshll.u32 s11, $0x1;
	s8 =	sadd.s32 s9, s20  }
0xa1: {  	s12 =	simm.s32 $0x0;
	s21 =	sshll.u32 s10, $0x1;
	s10 =	sadd.s32 s22, s8  }
0xa2: {  	[timem:s12], [sflag:s23] =	dma.local [hbm:s10], s21  }
0xa3: {  	_ =	swait.ge [sflag:s23], s21  }
0xa4: {  	s9 =	ssub.s32 $0x0, s21;
	[sflag:s23] =	ssyncset.done $0x0  }
0xa5: {  	[sflag:s23] =	ssyncadd.s32 s9;
	_ =	sdelay $0x1  }
0xa6: {  	s24 =	simm.s32 $0x1B8B  }
0xa7: {  	_ =	swait.ge [sflag:s24], $0x1  }
0xa8: {  	[sflag:s24] =	ssyncset.done $0x0  }
0xa9: {  	s25 =	simm.s32 $0x1B8E;
	[sflag:s24] =	ssyncadd.s32 $0xFFFFFFFF  }
0xaa: {  	s26 =	simm.s32 $execute0_lowered;
	[smem:$0x3FD2] =	sst s25  }
0xab: {  	s9 =	sshll.u32 s26, $0x1;
	_ =	strace $0x80000046;
	[dreg:$0x1] =	wrdreg $0xFFFFFFFF  }
0xac: {  	s28 =	simm.s32 $_size_execute0_lowered;
	s8 =	sadd.s32 s8, s9;
	[dreg:$0x0] =	wrdreg $0x0  }
0xad: {  	s9 =	sshll.u32 s28, $0x1;
	[dreg:$0x2] =	wrdreg s8  }
0xae: {  	[dreg:$0x3] =	wrdreg s9  }
0xaf: {  	[dreg:$0x4] =	wrdreg $0xC0  }
0xb0: {  	_ =	task [dreg:s12], $0x5FFFF  }
0xb1: {  	[dreg:$0x1] =	wrdreg $0xFFFFFFFF  }
0xb2: {  	[dreg:$0x0] =	wrdreg $0x60  }
0xb3: {  	[dreg:$0x2] =	wrdreg s2  }
0xb4: {  	[dreg:$0x3] =	wrdreg s19  }
0xb5: {  	[dreg:$0x4] =	wrdreg s4  }
0xb6: {  	[dreg:$0x5] =	wrdreg s5  }
0xb7: {  	[dreg:$0x6] =	wrdreg s6  }
0xb8: {  	[dreg:$0x7] =	wrdreg s7  }
0xb9: {  	[dreg:$0x8] =	wrdreg $0x9  }
0xba: {  	_ =	task.clear_ibuf [dreg:s12], $0x9FFFF;
	_ =	strace $0x90000046  }
0xbb: {  	s29 =	simm.s32 $0x9;
	_ =	strace $0x80000048  }
0xbc: {  	_ =	swait.ge [sflag:s29], $0x1  }
0xbd: {  	[sflag:s29] =	ssyncadd.s32 $0xFFFFFFFF  }
0xbe: {  	_ =	strace $0x90000048  }
0xbf: {  	_ =	sfence  }
0xc0: {  	s30 =	sld [smem:$0x0];
	_ =	sdelay $0x2  }
0xc1: {  	s31 =	sshll.u32 s1, $0xD;
	s1 =	sshrl.u32 s1, $0x2  }
0xc2: {  	s3 =	sand.u32 $0x4000, s31;
	s1 =	sadd.s32 s1, s30  }
0xc3: {  	s0 =	sor.u32 s3, s0;
	s1 =	sshll.u32 s1, $0x11  }
0xc4: {  	s0 =	sor.u32 s1, s0  }
0xc5: {  	s0 =	sadd.s32 $0x8F2B, s0  }
0xc6: {  	[sflag:s0] =	ssyncadd.remote.s32 $0x1  }
0xc7: {  	_ =	sfence.sel $0xFFFF  }
0xc8: {  	[dreg:$0x0] =	wrdreg $0xFFFFFFFF;
	(pc) =	sbr.abs _section_cstart, $3  }
0xc9: {  	[dreg:$0x1] =	wrdreg $0xFFFFFFFF  }
0xca: {  	_ =	task.clear_ibuf [dreg:s12], $0x2FFFF;
	_ =	strace $0x9FFFFFFF  }
0xcb: {  	(tm) =	ssettm $0x7FFFFFFF  }
tec
execute0_lowered:
.L_overlay_start_1:
0x0: {  	(tag) =	ssettag $0x1  }
0x1: {  	v0 =	vlaneseq.u32  }
0x2: {  	v1 =	vand.u32 $0x7, v0;
	v42 =	vshrl.u32 v0, $0x3  }
0x3: {  	v2 =	vmul.u32 $0x20, v0;
	v0 =	vor.u32 $0x8, v0;
	[tilespmem:$0x1FE80] =	vst v1;
	v1 =	vmul.u32 $0x8, v42  }
0x4: {  	[tilespmem:$0x1FEA0] =	vst v0  }
0x5: {  	v43 =	vor.u32 $0x10, v2;
	[tilespmem:$0x1FE90] =	vst v1  }
0x6: {  	v44 =	vor.u32 $0x1, v2;
	[tilespmem:$0x1FEB0] =	vst v43  }
0x7: {  	v45 =	vor.u32 $0x11, v2;
	[tilespmem:$0x1FEC0] =	vst v44  }
0x8: {  	v46 =	vor.u32 $0x2, v2;
	[tilespmem:$0x1FED0] =	vst v45  }
0x9: {  	v47 =	vor.u32 $0x12, v2;
	[tilespmem:$0x1FEE0] =	vst v46  }
0xa: {  	v48 =	vor.u32 $0x3, v2;
	[tilespmem:$0x1FEF0] =	vst v47  }
0xb: {  	v49 =	vor.u32 $0x13, v2;
	[tilespmem:$0x1FF00] =	vst v48  }
0xc: {  	v50 =	vor.u32 $0x4, v2;
	[tilespmem:$0x1FF10] =	vst v49  }
0xd: {  	s0 =	rddreg [dreg:$0x0];
	v51 =	vor.u32 $0x14, v2;
	[tilespmem:$0x1FF20] =	vst v50  }
0xe: {  	s2 =	rddreg [dreg:$0x1];
	v52 =	vor.u32 $0x5, v2;
	[tilespmem:$0x1FF30] =	vst v51  }
0xf: {  	s1 =	rddreg [dreg:$0x2];
	v53 =	vor.u32 $0x15, v2;
	[tilespmem:$0x1FF40] =	vst v52  }
0x10: {  	s9 =	rddreg [dreg:$0x5];
	s6 =	simm.s32 $0x0;
	v54 =	vor.u32 $0x6, v2;
	[tilespmem:$0x1FF50] =	vst v53  }
0x11: {  	s3 =	srdreg.scid;
	s5 =	stileid.u32;
	s21 =	simm.s32 $0x1;
	v55 =	vor.u32 $0x16, v2;
	[tilespmem:$0x1FF60] =	vst v54  }
0x12: {  	s22 =	simm.s32 $0x3;
	s23 =	simm.s32 $0x18A00;
	s24 =	simm.s32 $0x10200;
	v56 =	vor.u32 $0x7, v2;
	[tilespmem:$0x1FF70] =	vst v55  }
0x13: {  	s25 =	simm.s32 $0x2;
	s28 =	simm.s32 $0x14200;
	s3 =	sand.u32 $0x1, s3;
	v57 =	vor.u32 $0x17, v2;
	[tilespmem:$0x1FF80] =	vst v56  }
0x14: {  	s5 =	sshll.u32 s5, $0xA;
	s4 =	ssub.s32 $0x2, s3;
	s3 =	sshll.u32 s3, $0x9;
	v58 =	vor.u32 $0x8, v2;
	[tilespmem:$0x1FF90] =	vst v57  }
0x15: {  	[smem:$0x7FF] =	sst s6;
	s10 =	sadd.s32 $0x100, s1;
	v59 =	vor.u32 $0x18, v2;
	s8 =	sor.u32 s3, s5;
	[tilespmem:$0x1FFA0] =	vst v58  }
0x16: {  	s12 =	sadd.s32 $0x200, s1;
	v60 =	vor.u32 $0x9, v2;
	s7 =	sshrl.u32 s4, $0x1;
	[tilespmem:$0x1FFB0] =	vst v59;
	s29 =	sshrl.u32 s8, $0x3  }
0x17: {  	vm0 =	vmmov $0xffff;
	v61 =	vor.u32 $0x19, v2;
	[tilespmem:$0x1FFC0] =	vst v60;
	s26 =	ssub.s32 s4, s7;
	s5 =	sshll.u32 s8, $0x7;
	s2 =	sadd.s32 s2, s29  }
0x18: {  	v62 =	vor.u32 $0xA, v2;
	v63 =	vor.u32 $0x1A, v2;
	v25 =	vor.u32 $0xB, v2;
	_ =	strace $0x80000047;
	s30 =	sadd.s32 s0, s5;
	[dreg:$0x7] =	wrdreg s2  }
0x19: {  	s13 =	sadd.s32 $0x300, s1;
	v26 =	vor.u32 $0x1B, v2;
	v27 =	vor.u32 $0xC, v2;
	v28 =	vor.u32 $0x1C, v2;
	[tilespmem:$0x1FFD0] =	vst v61;
	s31 =	smax.u32 s26, $0x1;
	[dreg:$0x8] =	wrdreg s30  }
0x1a: {  	v29 =	vor.u32 $0xD, v2;
	v30 =	vor.u32 $0x1D, v2;
	v31 =	vor.u32 $0xE, v2;
	s4 =	simm.s32 $0x0;
	[tilespmem:$0x1FFE0] =	vst v62;
	s2 =	sadd.s32 $0x800, s30;
	[dreg:$0xa] =	wrdreg s31  }
0x1b: {  	v32 =	vor.u32 $0x1E, v2;
	v33 =	vor.u32 $0xF, v2;
	v24 =	vmovc v2;
	v34 =	vor.u32 $0x1F, v2;
	[tilespmem:$0x1FFF0] =	vst v63;
	s15 =	sadd.s32 s9, s5;
	s26 =	simm.s32 $0x4;
	[dreg:$0x9] =	wrdreg s2  }
.LBB2_1:
0x1c: {  	[dreg:$0xb] =	wrdreg s4  }
0x1d: {  	s2 =	rddreg [dreg:$0x3];
	s3 =	simm.s32 $0x18200;
	s14 =	simm.s32 $0x7  }
0x1e: {  	[tilespmem:s3], [sflag:$0x7] =	stream.linear.gather [hbm4b:s2+s6], $0x400, $0x38;
	[tilespmem:$0x18C80] =	vst v63  }
0x1f: {  	_ =	swait.ge [sflag:s14], $0x400  }
0x20: {  	[sflag:s14] =	ssyncset.done $0x0  }
0x21: {  	[sflag:s14] =	ssyncadd.s32 $0xFFFFFC00  }
0x22: {  	s17 =	simm.s32 $0x18600;
	s16 =	rddreg [dreg:$0x4]  }
0x23: {  	[tilespmem:s17], [sflag:$0x7] =	stream.linear.gather [hbm4b:s16+s6], $0x400, $0x38;
	[tilespmem:$0x18C80] =	vst v63  }
0x24: {  	_ =	swait.ge [sflag:s14], $0x400  }
0x25: {  	[sflag:s14] =	ssyncset.done $0x0  }
0x26: {  	s18 =	rddreg [dreg:$0x7];
	[sflag:s14] =	ssyncadd.s32 $0xFFFFFC00  }
0x27: {  	[tilespmem:s6], [sflag:$0x7] =	stream.linear.gather [hbm4b:s18+s6], $0x200, $0x38;
	[tilespmem:$0x18C80] =	vst v63  }
0x28: {  	_ =	swait.ge [sflag:s14], $0x200  }
0x29: {  	[sflag:s14] =	ssyncset.done $0x0  }
0x2a: {  	[sflag:s14] =	ssyncadd.s32 $0xFFFFFE00  }
0x2b: {  	v0 =	vld [tilespmem:$0x0];
	_ =	sdelay $0x2  }
0x2c: {  	v2 =	vld [tilespmem:$0x1FE80];
	_ =	sdelay $0x1  }
0x2d: {  	v3 =	vld [tilespmem:$0x1FE90];
	v1 =	vshll.u32 v0, $0x3  }
0x2e: {  	v0 =	vand.u32 $0x7, v0;
	v1 =	vand.u32 $0xFFFFFFC0, v1  }
0x2f: {  	v0 =	vor.u32 v0, v1  }
0x30: {  	v1 =	vperm.xlane v0, v2;
	_ =	sdelay $0x1  }
0x31: {  	v1 =	vadd.s32 v3, v1  }
0x32: {  	v4 =	vld [tilespmem:$0x1FEA0];
	_ =	sdelay $0x2  }
0x33: {  	s19 =	simm.s32 $0x8200  }
0x34: {  	[tilespmem:s19], [sflag:$0x1] =	stream.indirect_vreg.gather [hbm4b:s1+s6], $0x80, v1, vm0, $0xb8;
	[tilespmem:$0x18C80] =	vst v63  }
0x35: {  	s20 =	simm.s32 $0x8A00;
	v0 =	vperm.xlane v0, v4  }
0x36: {  	[tilespmem:s20], [sflag:$0x1] =	stream.indirect_vreg.gather [hbm4b:s10+s6], $0x80, v1, vm0, $0xb8;
	[tilespmem:$0x18C80] =	vst v63  }
0x37: {  	s29 =	simm.s32 $0x9200;
	v0 =	vadd.s32 v3, v0  }
0x38: {  	[tilespmem:s29], [sflag:$0x1] =	stream.indirect_vreg.gather [hbm4b:s12+s6], $0x80, v1, vm0, $0xb8;
	[tilespmem:$0x18C80] =	vst v63  }
0x39: {  	s30 =	simm.s32 $0x9A00  }
0x3a: {  	[tilespmem:s30], [sflag:$0x1] =	stream.indirect_vreg.gather [hbm4b:s13+s6], $0x80, v1, vm0, $0xb8;
	[tilespmem:$0x18C80] =	vst v63  }
0x3b: {  	s31 =	simm.s32 $0xA200  }
0x3c: {  	[tilespmem:s31], [sflag:$0x1] =	stream.indirect_vreg.gather [hbm4b:s1+s6], $0x80, v0, vm0, $0xb8;
	[tilespmem:$0x18C80] =	vst v63  }
0x3d: {  	s3 =	simm.s32 $0xAA00  }
0x3e: {  	[tilespmem:s3], [sflag:$0x1] =	stream.indirect_vreg.gather [hbm4b:s10+s6], $0x80, v0, vm0, $0xb8;
	[tilespmem:$0x18C80] =	vst v63  }
0x3f: {  	s4 =	simm.s32 $0xB200  }
0x40: {  	[tilespmem:s4], [sflag:$0x1] =	stream.indirect_vreg.gather [hbm4b:s12+s6], $0x80, v0, vm0, $0xb8;
	[tilespmem:$0x18C80] =	vst v63  }
0x41: {  	s5 =	simm.s32 $0xBA00  }
0x42: {  	[tilespmem:s5], [sflag:$0x1] =	stream.indirect_vreg.gather [hbm4b:s13+s6], $0x80, v0, vm0, $0xb8;
	[tilespmem:$0x18C80] =	vst v63  }
0x43: {  	s9 =	simm.s32 $0x200;
	s7 =	rddreg [dreg:$0x8]  }
0x44: {  	[tilespmem:s9], [sflag:$0x3] =	stream.linear.gather [hbm4b:s7+s6], $0x4000, $0x38;
	[tilespmem:$0x18C80] =	vst v63  }
0x45: {  	v0 =	vld [tilespmem:$0x10];
	_ =	sdelay $0x4  }
0x46: {  	v63 =	vshll.u32 v0, $0x3  }
0x47: {  	v0 =	vand.u32 $0x7, v0;
	v1 =	vand.u32 $0xFFFFFFC0, v63  }
0x48: {  	v0 =	vor.u32 v0, v1  }
0x49: {  	v1 =	vperm.xlane v0, v2;
	_ =	sdelay $0x1  }
0x4a: {  	v1 =	vadd.s32 v3, v1;
	_ =	sdelay $0x3  }
0x4b: {  	s11 =	simm.s32 $0xC200  }
0x4c: {  	[tilespmem:s11], [sflag:$0x2] =	stream.indirect_vreg.gather [hbm4b:s1+s6], $0x80, v1, vm0, $0xb8;
	[tilespmem:$0x18C80] =	vst v63  }
0x4d: {  	s14 =	simm.s32 $0xCA00;
	v0 =	vperm.xlane v0, v4  }
0x4e: {  	[tilespmem:s14], [sflag:$0x2] =	stream.indirect_vreg.gather [hbm4b:s10+s6], $0x80, v1, vm0, $0xb8;
	[tilespmem:$0x18C80] =	vst v63  }
0x4f: {  	s16 =	simm.s32 $0xD200;
	v0 =	vadd.s32 v3, v0  }
0x50: {  	[tilespmem:s16], [sflag:$0x2] =	stream.indirect_vreg.gather [hbm4b:s12+s6], $0x80, v1, vm0, $0xb8;
	[tilespmem:$0x18C80] =	vst v63  }
0x51: {  	s17 =	simm.s32 $0xDA00  }
0x52: {  	[tilespmem:s17], [sflag:$0x2] =	stream.indirect_vreg.gather [hbm4b:s13+s6], $0x80, v1, vm0, $0xb8;
	[tilespmem:$0x18C80] =	vst v63  }
0x53: {  	s18 =	simm.s32 $0xE200  }
0x54: {  	[tilespmem:s18], [sflag:$0x2] =	stream.indirect_vreg.gather [hbm4b:s1+s6], $0x80, v0, vm0, $0xb8;
	[tilespmem:$0x18C80] =	vst v63  }
0x55: {  	s19 =	simm.s32 $0xEA00  }
0x56: {  	[tilespmem:s19], [sflag:$0x2] =	stream.indirect_vreg.gather [hbm4b:s10+s6], $0x80, v0, vm0, $0xb8;
	[tilespmem:$0x18C80] =	vst v63  }
0x57: {  	s20 =	simm.s32 $0xF200  }
0x58: {  	[tilespmem:s20], [sflag:$0x2] =	stream.indirect_vreg.gather [hbm4b:s12+s6], $0x80, v0, vm0, $0xb8;
	[tilespmem:$0x18C80] =	vst v63  }
0x59: {  	s29 =	simm.s32 $0xFA00  }
0x5a: {  	[tilespmem:s29], [sflag:$0x2] =	stream.indirect_vreg.gather [hbm4b:s13+s6], $0x80, v0, vm0, $0xb8;
	[tilespmem:$0x18C80] =	vst v63  }
0x5b: {  	s30 =	rddreg [dreg:$0x9];
	s31 =	simm.s32 $0x4200;
	s4 =	simm.s32 $0x0  }
0x5c: {  	[tilespmem:s31], [sflag:$0x4] =	stream.linear.gather [hbm4b:s30+s6], $0x4000, $0x38;
	[tilespmem:$0x18C80] =	vst v63  }
.LBB2_2:
0x5d: {  	_ =	swait.ge [sflag:s21], $0x4000  }
0x5e: {  	[sflag:s21] =	ssyncset.done $0x0  }
0x5f: {  	[sflag:s21] =	ssyncadd.s32 $0xFFFFC000  }
0x60: {  	_ =	swait.ge [sflag:s22], $0x4000  }
0x61: {  	p1 =	seq.s32 s4, $0x0;
	[sflag:s22] =	ssyncset.done $0x0  }
0x62: {  	s2 =	simm.s32 @!p1 $0x5;
	[sflag:s22] =	ssyncadd.s32 $0xFFFFC000  }
0x63: {  	_ =	swait.ge @!p1 [sflag:s2], $0x4000  }
0x64: {  	s7 =	sshll.u32 s4, $0x5;
	s3 =	simm.s32 $0x0;
	[sflag:s2] =	ssyncset.done @!p1 $0x0  }
0x65: {  	s17 =	simm.s32 $0x0;
	[sflag:s2] =	ssyncadd.s32 @!p1 $0xFFFFC000;
	s2 =	simm.s32 $0x0  }
.LBB2_3:
0x66: {  	s5 =	sshll.u32 s3, $0x2;
	s9 =	sand.u32 $0x7, s2  }
0x67: {  	s5 =	sand.u32 $0xFFFF8000, s5;
	s9 =	sshll.u32 s9, $0x9  }
0x68: {  	s5 =	sor.u32 s9, s5  }
0x69: {  	s9 =	sshrl.u32 s5, $0x2  }
0x6a: {  	s11 =	sadd.s32 $0x240, s9  }
0x6b: {  	s5 =	sadd.s32 $0x8240, s9;
	v0 =	vld [tilespmem:s11+$0xFFFFFFC0]  }
0x6c: {  	v1 =	vld [tilespmem:s5+$0xFFFFFFC0];
	_ =	sdelay $0x2  }
0x6d: {  	v2 =	vld [tilespmem:s5+$0x0]  }
0x6e: {  	v3 =	vld [tilespmem:s11+$0x0]  }
0x6f: {  	v0 =	vadd.f32 v1, v0  }
0x70: {  	s19 =	sadd.s32 $0x10240, s9  }
0x71: {  	[tilespmem:s19+$0xFFFFFFC0] =	vst v0  }
0x72: {  	v1 =	vld [tilespmem:s5+$0xFFFFFFD0]  }
0x73: {  	v2 =	vadd.f32 v2, v3;
	v4 =	vld [tilespmem:s11+$0xFFFFFFD0];
	_ =	sdelay $0x1  }
0x74: {  	[tilespmem:s19+$0x0] =	vst v2  }
0x75: {  	v3 =	vld [tilespmem:s5+$0x10]  }
0x76: {  	s9 =	sadd.s32 $0x400, s5;
	v5 =	vld [tilespmem:s11+$0x10]  }
0x77: {  	s20 =	sadd.s32 $0x400, s11;
	v6 =	vld [tilespmem:s9+$0xFFFFFFC0];
	v1 =	vadd.f32 v1, v4  }
0x78: {  	v9 =	vld [tilespmem:s20+$0x0]  }
0x79: {  	v4 =	vld [tilespmem:s20+$0xFFFFFFC0];
	[tilespmem:s19+$0xFFFFFFD0] =	vst v1  }
0x7a: {  	v7 =	vld [tilespmem:s5+$0xFFFFFFE0]  }
0x7b: {  	v3 =	vadd.f32 v3, v5;
	v8 =	vld [tilespmem:s11+$0xFFFFFFE0]  }
0x7c: {  	v5 =	vld [tilespmem:s9+$0x0]  }
0x7d: {  	v10 =	vimm.f32 $0.0e+00;
	[tilespmem:s19+$0x10] =	vst v3  }
0x7e: {  	v13 =	vadd.f32 v0, v10;
	v12 =	vld [tilespmem:s5+$0x20];
	v4 =	vadd.f32 v6, v4  }
0x7f: {  	s29 =	sadd.s32 $0x400, s19;
	s30 =	sadd.s32 $0x400, s20;
	v11 =	vmul.f32 v0, v0;
	v6 =	vld [tilespmem:s11+$0x20]  }
0x80: {  	v0 =	vld [tilespmem:s30+$0xFFFFFFC0];
	v15 =	vmul.f32 v2, v2;
	v2 =	vadd.f32 v2, v13;
	[tilespmem:s29+$0xFFFFFFC0] =	vst v4;
	v7 =	vadd.f32 v7, v8  }
0x81: {  	v5 =	vadd.f32 v5, v9;
	v8 =	vadd.f32 v11, v10;
	v11 =	vmul.f32 v1, v1;
	v14 =	vld [tilespmem:s9+$0xFFFFFFD0]  }
0x82: {  	v2 =	vadd.f32 v4, v2;
	v13 =	vld [tilespmem:s20+$0xFFFFFFD0];
	v1 =	vadd.f32 v1, v10;
	[tilespmem:s19+$0xFFFFFFE0] =	vst v7  }
0x83: {  	v9 =	vadd.f32 v11, v10;
	v8 =	vadd.f32 v15, v8;
	v16 =	vld [tilespmem:s11+$0xFFFFFFF0]  }
0x84: {  	[tilespmem:s29+$0x0] =	vst v5;
	v11 =	vmul.f32 v3, v3;
	v6 =	vadd.f32 v12, v6;
	v12 =	vadd.f32 v3, v1;
	v15 =	vld [tilespmem:s5+$0xFFFFFFF0]  }
0x85: {  	v1 =	vmul.f32 v4, v4;
	v3 =	vmul.f32 v7, v7;
	v4 =	vadd.f32 v7, v10;
	v7 =	vld [tilespmem:s20+$0x10]  }
0x86: {  	v2 =	vadd.f32 v5, v2;
	v17 =	vadd.f32 v11, v9;
	v11 =	vld [tilespmem:s9+$0x10];
	[tilespmem:s19+$0x20] =	vst v6  }
0x87: {  	v1 =	vadd.f32 v1, v8;
	v8 =	vadd.f32 v14, v13;
	v18 =	vld [tilespmem:s11+$0x30]  }
0x88: {  	v9 =	vmul.f32 v5, v5;
	v3 =	vadd.f32 v3, v10;
	v13 =	vmul.f32 v6, v6;
	s11 =	sadd.s32 $0x400, s9;
	v19 =	vld [tilespmem:s5+$0x30]  }
0x89: {  	v4 =	vadd.f32 v6, v4;
	v14 =	vld [tilespmem:s11+$0xFFFFFFC0];
	[tilespmem:s29+$0xFFFFFFD0] =	vst v8;
	v6 =	vadd.f32 v15, v16  }
0x8a: {  	v5 =	vadd.f32 v9, v1;
	v3 =	vadd.f32 v13, v3;
	v15 =	vmul.f32 v8, v8;
	v1 =	vld [tilespmem:s9+$0xFFFFFFE0]  }
0x8b: {  	v8 =	vadd.f32 v8, v12;
	v9 =	vld [tilespmem:s20+$0xFFFFFFE0];
	v11 =	vadd.f32 v11, v7;
	v35 =	vmul.f32 v6, v6  }
0x8c: {  	s14 =	sshll.u32 s17, $0x7;
	v13 =	vld [tilespmem:s11+$0x0];
	[tilespmem:s19+$0xFFFFFFF0] =	vst v6;
	v12 =	vadd.f32 v15, v17;
	v7 =	vadd.f32 v6, v10  }
0x8d: {  	s31 =	simm.s32 $0x10;
	s16 =	smov.u32 s29;
	s18 =	smov.u32 s30;
	v16 =	vld [tilespmem:s30+$0x0];
	v6 =	vadd.f32 v19, v18;
	[tilespmem:s29+$0x10] =	vst v11;
	v15 =	vmul.f32 v11, v11;
	v10 =	vadd.f32 v35, v10  }
.LBB2_4:
0x8e: {  	s31 =	sadd.s32 $0x8, s31;
	v14 =	vadd.f32 v14, v0;
	v8 =	vadd.f32 v11, v8;
	v11 =	vld [tilespmem:s20+$0x20]  }
0x8f: {  	s30 =	sadd.s32 $0x400, s30;
	s29 =	sadd.s32 $0x400, s29;
	p0 =	slt.u32 s31, $0x38;
	v12 =	vadd.f32 v15, v12;
	v15 =	vld [tilespmem:s9+$0x20];
	[tilespmem:s19+$0x30] =	vst v6;
	v7 =	vadd.f32 v6, v7;
	v6 =	vmul.f32 v6, v6  }
0x90: {  	s19 =	smov.u32 s16;
	s16 =	smov.u32 s29;
	v0 =	vld [tilespmem:s30+$0xFFFFFFC0];
	[tilespmem:s29+$0xFFFFFFC0] =	vst v14;
	v17 =	vmul.f32 v14, v14;
	v1 =	vadd.f32 v1, v9  }
0x91: {  	v9 =	vld [tilespmem:s11+$0xFFFFFFD0];
	v6 =	vadd.f32 v6, v10  }
0x92: {  	v10 =	vld [tilespmem:s18+$0xFFFFFFD0];
	v13 =	vadd.f32 v13, v16;
	[tilespmem:s19+$0xFFFFFFE0] =	vst v1;
	v16 =	vmul.f32 v1, v1  }
0x93: {  	v2 =	vadd.f32 v14, v2;
	v18 =	vld [tilespmem:s20+$0xFFFFFFF0]  }
0x94: {  	v1 =	vadd.f32 v1, v4;
	[tilespmem:s29+$0x0] =	vst v13;
	v14 =	vmul.f32 v13, v13;
	v19 =	vld [tilespmem:s9+$0xFFFFFFF0];
	v11 =	vadd.f32 v15, v11  }
0x95: {  	v5 =	vadd.f32 v17, v5;
	v2 =	vadd.f32 v13, v2;
	v13 =	vld [tilespmem:s11+$0x10]  }
0x96: {  	v3 =	vadd.f32 v16, v3;
	v15 =	vld [tilespmem:s18+$0x10];
	[tilespmem:s19+$0x20] =	vst v11;
	v4 =	vadd.f32 v11, v1;
	v1 =	vmul.f32 v11, v11  }
0x97: {  	v5 =	vadd.f32 v14, v5;
	v9 =	vadd.f32 v9, v10;
	v17 =	vld [tilespmem:s20+$0x30];
	s20 =	smov.u32 s18;
	s18 =	smov.u32 s30  }
0x98: {  	v3 =	vadd.f32 v1, v3;
	v35 =	vld [tilespmem:s9+$0x30];
	s9 =	smov.u32 s11;
	s11 =	sadd.s32 $0x400, s11  }
.Ltmp0:
0x99: {  	v14 =	vld [tilespmem:s11+$0xFFFFFFC0];
	[tilespmem:s29+$0xFFFFFFD0] =	vst v9;
	v10 =	vmul.f32 v9, v9;
	v16 =	vadd.f32 v19, v18;
	(pc) =	sbr.rel @p0 .LBB2_4-.Ltmp0, $4  }
0x9a: {  	v1 =	vld [tilespmem:s9+$0xFFFFFFE0]  }
0x9b: {  	v8 =	vadd.f32 v9, v8;
	v9 =	vld [tilespmem:s20+$0xFFFFFFE0];
	v11 =	vadd.f32 v13, v15;
	[tilespmem:s19+$0xFFFFFFF0] =	vst v16;
	v18 =	vmul.f32 v16, v16  }
0x9c: {  	v12 =	vadd.f32 v10, v12;
	v7 =	vadd.f32 v16, v7;
	v13 =	vld [tilespmem:s11+$0x0]  }
0x9d: {  	v16 =	vld [tilespmem:s30+$0x0];
	[tilespmem:s29+$0x10] =	vst v11;
	v15 =	vmul.f32 v11, v11;
	v10 =	vadd.f32 v18, v6;
	v6 =	vadd.f32 v35, v17  }
0x9e: {  	_ =	sdelay $0x1  }
0x9f: {  	v0 =	vadd.f32 v14, v0  }
0xa0: {  	s5 =	sadd.s32 $0x400, s29  }
0xa1: {  	[tilespmem:s5+$0xFFFFFFC0] =	vst v0;
	v13 =	vadd.f32 v13, v16  }
0xa2: {  	v63 =	vld [tilespmem:s11+$0xFFFFFFD0]  }
0xa3: {  	v21 =	vld [tilespmem:s18+$0xFFFFFFD0];
	[tilespmem:s5+$0x0] =	vst v13  }
0xa4: {  	v17 =	vld [tilespmem:s11+$0x10]  }
0xa5: {  	v18 =	vld [tilespmem:s18+$0x10];
	_ =	sdelay $0x1  }
0xa6: {  	v1 =	vadd.f32 v1, v9  }
0xa7: {  	v22 =	vld [tilespmem:s20+$0x20];
	v14 =	vadd.f32 v63, v21  }
0xa8: {  	v23 =	vld [tilespmem:s9+$0x20];
	[tilespmem:s16+$0xFFFFFFE0] =	vst v1  }
0xa9: {  	v19 =	vld [tilespmem:s20+$0xFFFFFFF0];
	[tilespmem:s5+$0xFFFFFFD0] =	vst v14;
	v17 =	vadd.f32 v17, v18  }
0xaa: {  	v40 =	vld [tilespmem:s11+$0xFFFFFFE0]  }
0xab: {  	v35 =	vld [tilespmem:s18+$0xFFFFFFE0];
	[tilespmem:s5+$0x10] =	vst v17  }
0xac: {  	v37 =	vld [tilespmem:s18+$0x20]  }
0xad: {  	v9 =	vadd.f32 v23, v22;
	v41 =	vld [tilespmem:s11+$0x20]  }
0xae: {  	v8 =	vadd.f32 v11, v8;
	v36 =	vmul.f32 v6, v6;
	v12 =	vadd.f32 v15, v12;
	v43 =	vld [tilespmem:s9+$0xFFFFFFF0]  }
0xaf: {  	v7 =	vadd.f32 v6, v7;
	v42 =	vmul.f32 v0, v0;
	v0 =	vadd.f32 v0, v2;
	[tilespmem:s16+$0x20] =	vst v9  }
0xb0: {  	v10 =	vadd.f32 v36, v10;
	v47 =	vld [tilespmem:s20+$0x30];
	v46 =	vadd.f32 v40, v35  }
0xb1: {  	v44 =	vadd.f32 v1, v4;
	v1 =	vmul.f32 v1, v1;
	v45 =	vadd.f32 v42, v5;
	v48 =	vld [tilespmem:s9+$0x30]  }
0xb2: {  	v0 =	vadd.f32 v13, v0;
	v13 =	vmul.f32 v13, v13;
	[tilespmem:s5+$0xFFFFFFE0] =	vst v46;
	v11 =	vadd.f32 v41, v37  }
0xb3: {  	v1 =	vadd.f32 v1, v3;
	v49 =	vmul.f32 v9, v9;
	v50 =	vadd.f32 v43, v19;
	v51 =	vld [tilespmem:s18+$0xFFFFFFF0]  }
0xb4: {  	v2 =	vadd.f32 v9, v44;
	v4 =	vadd.f32 v13, v45;
	v53 =	vmul.f32 v14, v14;
	v52 =	vld [tilespmem:s11+$0xFFFFFFF0];
	[tilespmem:s5+$0x20] =	vst v11  }
0xb5: {  	v1 =	vadd.f32 v49, v1;
	v8 =	vadd.f32 v14, v8;
	v54 =	vmul.f32 v50, v50;
	v55 =	vld [tilespmem:s18+$0x30]  }
0xb6: {  	v12 =	vadd.f32 v53, v12;
	v3 =	vadd.f32 v48, v47;
	v56 =	vld [tilespmem:s11+$0x30]  }
0xb7: {  	v7 =	vadd.f32 v50, v7;
	v10 =	vadd.f32 v54, v10  }
0xb8: {  	v57 =	vmul.f32 v17, v17;
	v8 =	vadd.f32 v17, v8;
	v58 =	vmul.f32 v3, v3  }
0xb9: {  	v7 =	vadd.f32 v3, v7;
	v13 =	vadd.f32 v52, v51  }
0xba: {  	v12 =	vadd.f32 v57, v12;
	v10 =	vadd.f32 v58, v10;
	v59 =	vmul.f32 v46, v46  }
0xbb: {  	v2 =	vadd.f32 v46, v2;
	v60 =	vmul.f32 v13, v13;
	v15 =	vadd.f32 v56, v55  }
0xbc: {  	v1 =	vadd.f32 v59, v1;
	v7 =	vadd.f32 v13, v7  }
0xbd: {  	v61 =	vmul.f32 v11, v11;
	v5 =	vadd.f32 v60, v10;
	v62 =	vmul.f32 v15, v15  }
0xbe: {  	v2 =	vadd.f32 v11, v2;
	v7 =	vadd.f32 v15, v7  }
0xbf: {  	s17 =	sadd.s32 $0x1, s17;
	[tilespmem:s19+$0x30] =	vst v6;
	v1 =	vadd.f32 v61, v1;
	v5 =	vadd.f32 v62, v5  }
0xc0: {  	p0 =	sne.s32 s17, $0x10;
	[tilespmem:s16+$0xFFFFFFF0] =	vst v50;
	v0 =	vadd.f32 v8, v0;
	v2 =	vadd.f32 v7, v2  }
.Ltmp1:
0xc1: {  	[tilespmem:s16+$0x30] =	vst v3;
	v63 =	vadd.f32 v12, v4;
	v1 =	vadd.f32 v5, v1;
	(pc) =	sbr.rel @p0 .LBB2_3-.Ltmp1, $4  }
0xc2: {  	[tilespmem:s5+$0xFFFFFFF0] =	vst v13;
	v0 =	vadd.f32 v2, v0  }
0xc3: {  	s31 =	sshrl.u32 s14, $0x2;
	[tilespmem:s5+$0x30] =	vst v15;
	v1 =	vadd.f32 v1, v63  }
0xc4: {  	[tilespmem:s31+$0x18A00] =	vst v0  }
0xc5: {  	s3 =	sadd.s32 $0x400, s3;
	s2 =	sadd.s32 $0x1, s2;
	[tilespmem:s31+$0x18A10] =	vst v1  }
0xc6: {  	p0 =	seq.s32 s4, $0xF  }
0xc7: {  	v0 =	vld @!p0 [tilespmem:s7+$0x20];
	_ =	sdelay $0x4  }
0xc8: {  	v1 =	vshll.u32 @!p0 v0, $0x3  }
0xc9: {  	v2 =	vlaneseq.u32 @!p0;
	v0 =	vand.u32 @!p0 $0x7, v0;
	v1 =	vand.u32 @!p0 $0xFFFFFFC0, v1  }
0xca: {  	v3 =	vshrl.u32 @!p0 v2, $0x3;
	v0 =	vor.u32 @!p0 v0, v1;
	v1 =	vand.u32 @!p0 $0x7, v2  }
0xcb: {  	v3 =	vmul.u32 @!p0 $0x8, v3;
	v1 =	vperm.xlane @!p0 v0, v1;
	_ =	sdelay $0x1  }
0xcc: {  	v1 =	vadd.s32 @!p0 v3, v1;
	_ =	sdelay $0x3  }
0xcd: {  	vm1 =	vmmov @!p0 $0xffff;
	s2 =	simm.s32 @!p0 $0x0;
	s3 =	simm.s32 @!p0 $0x8200  }
0xce: {  	v2 =	vor.u32 @!p0 $0x8, v2;
	[tilespmem:s3], [sflag:$0x1] =	stream.indirect_vreg.gather @!p0 [hbm4b:s1+s2], $0x80, v1, vm1, $0xb8;
	[tilespmem:$0x18C80] =	vst v63  }
0xcf: {  	v0 =	vperm.xlane @!p0 v0, v2;
	s3 =	simm.s32 @!p0 $0x8A00  }
0xd0: {  	[tilespmem:s3], [sflag:$0x1] =	stream.indirect_vreg.gather @!p0 [hbm4b:s10+s2], $0x80, v1, vm1, $0xb8;
	[tilespmem:$0x18C80] =	vst v63  }
0xd1: {  	v0 =	vadd.s32 @!p0 v3, v0;
	s3 =	simm.s32 @!p0 $0x9200  }
0xd2: {  	[tilespmem:s3], [sflag:$0x1] =	stream.indirect_vreg.gather @!p0 [hbm4b:s12+s2], $0x80, v1, vm1, $0xb8;
	[tilespmem:$0x18C80] =	vst v63  }
0xd3: {  	s3 =	simm.s32 @!p0 $0x9A00  }
0xd4: {  	[tilespmem:s3], [sflag:$0x1] =	stream.indirect_vreg.gather @!p0 [hbm4b:s13+s2], $0x80, v1, vm1, $0xb8;
	[tilespmem:$0x18C80] =	vst v63  }
0xd5: {  	s3 =	simm.s32 @!p0 $0xA200  }
0xd6: {  	[tilespmem:s3], [sflag:$0x1] =	stream.indirect_vreg.gather @!p0 [hbm4b:s1+s2], $0x80, v0, vm1, $0xb8;
	[tilespmem:$0x18C80] =	vst v63  }
0xd7: {  	s3 =	simm.s32 @!p0 $0xAA00  }
0xd8: {  	[tilespmem:s3], [sflag:$0x1] =	stream.indirect_vreg.gather @!p0 [hbm4b:s10+s2], $0x80, v0, vm1, $0xb8;
	[tilespmem:$0x18C80] =	vst v63  }
0xd9: {  	s3 =	simm.s32 @!p0 $0xB200  }
0xda: {  	v1 =	vld [tilespmem:$0x1FEB0];
	[tilespmem:s3], [sflag:$0x1] =	stream.indirect_vreg.gather @!p0 [hbm4b:s12+s2], $0x80, v0, vm1, $0xb8  }
0xdb: {  	v2 =	vld [tilespmem:$0x1FEC0];
	s3 =	sadd.s32 @!p0 $0x20, s7  }
0xdc: {  	s5 =	simm.s32 @!p0 $0xBA00;
	s3 =	sadd.s32 @!p0 s8, s3  }
0xdd: {  	v3 =	vld [tilespmem:$0x1FED0];
	[tilespmem:s5], [sflag:$0x1] =	stream.indirect_vreg.gather @!p0 [hbm4b:s13+s2], $0x80, v0, vm1, $0xb8  }
0xde: {  	v4 =	vld [tilespmem:$0x1FEE0];
	s3 =	sshll.u32 @!p0 s3, $0x7  }
0xdf: {  	v5 =	vld [tilespmem:$0x1FEF0];
	s5 =	simm.s32 @!p0 $0x200;
	s3 =	sadd.s32 @!p0 s0, s3  }
0xe0: {  	v6 =	vld [tilespmem:$0x1FF00];
	[tilespmem:s5], [sflag:$0x3] =	stream.linear.gather @!p0 [hbm4b:s3+s2], $0x4000, $0x38  }
0xe1: {  	v0 =	vld.idx.msk [tilespmem:v24+s23+$0x0], $0xffff  }
0xe2: {  	v1 =	vld.idx.msk [tilespmem:v1+s23+$0x0], $0xffff  }
0xe3: {  	v2 =	vld.idx.msk [tilespmem:v2+s23+$0x0], $0xffff  }
0xe4: {  	v7 =	vld [tilespmem:$0x1FF20]  }
0xe5: {  	v3 =	vld.idx.msk [tilespmem:v3+s23+$0x0], $0xffff  }
0xe6: {  	v0 =	vadd.f32 $0.0e+00, v0  }
0xe7: {  	v4 =	vld.idx.msk [tilespmem:v4+s23+$0x0], $0xffff  }
0xe8: {  	v1 =	vadd.f32 $0.0e+00, v1;
	v0 =	vadd.f32 v2, v0;
	v2 =	vld [tilespmem:$0x1FF10]  }
0xe9: {  	v5 =	vld.idx.msk [tilespmem:v5+s23+$0x0], $0xffff  }
0xea: {  	v1 =	vadd.f32 v3, v1;
	v3 =	vld [tilespmem:$0x1FF30];
	_ =	sdelay $0x1  }
0xeb: {  	v6 =	vld.idx.msk [tilespmem:v6+s23+$0x0], $0xffff  }
0xec: {  	v7 =	vld.idx.msk [tilespmem:v7+s23+$0x0], $0xffff  }
0xed: {  	v0 =	vadd.f32 v4, v0;
	v4 =	vld [tilespmem:$0x1FF40]  }
0xee: {  	v1 =	vadd.f32 v5, v1;
	v5 =	vld [tilespmem:$0x1FF50]  }
0xef: {  	v2 =	vld.idx.msk [tilespmem:v2+s23+$0x0], $0xffff  }
0xf0: {  	v0 =	vadd.f32 v6, v0;
	v6 =	vld [tilespmem:$0x1FF60]  }
0xf1: {  	v3 =	vld.idx.msk [tilespmem:v3+s23+$0x0], $0xffff  }
0xf2: {  	v0 =	vadd.f32 v7, v0;
	v7 =	vld [tilespmem:$0x1FF80];
	_ =	sdelay $0x1  }
0xf3: {  	v1 =	vadd.f32 v2, v1;
	v2 =	vld [tilespmem:$0x1FF70]  }
0xf4: {  	v4 =	vld.idx.msk [tilespmem:v4+s23+$0x0], $0xffff  }
0xf5: {  	v1 =	vadd.f32 v3, v1;
	v3 =	vld [tilespmem:$0x1FF90];
	_ =	sdelay $0x1  }
0xf6: {  	v5 =	vld.idx.msk [tilespmem:v5+s23+$0x0], $0xffff  }
0xf7: {  	v6 =	vld.idx.msk [tilespmem:v6+s23+$0x0], $0xffff  }
0xf8: {  	v7 =	vld.idx.msk [tilespmem:v7+s23+$0x0], $0xffff  }
0xf9: {  	v0 =	vadd.f32 v4, v0;
	v4 =	vld [tilespmem:$0x1FFA0]  }
0xfa: {  	v2 =	vld.idx.msk [tilespmem:v2+s23+$0x0], $0xffff  }
0xfb: {  	v1 =	vadd.f32 v5, v1;
	v5 =	vld [tilespmem:$0x1FFB0]  }
0xfc: {  	v0 =	vadd.f32 v6, v0;
	v3 =	vld.idx.msk [tilespmem:v3+s23+$0x0], $0xffff  }
0xfd: {  	v6 =	vld [tilespmem:$0x1FFC0]  }
0xfe: {  	v0 =	vadd.f32 v7, v0;
	v7 =	vld [tilespmem:$0x1FFE0]  }
0xff: {  	v1 =	vadd.f32 v2, v1;
	v2 =	vld [tilespmem:$0x1FFD0];
	_ =	sdelay $0x1  }
0x100: {  	v1 =	vadd.f32 v3, v1;
	v3 =	vld [tilespmem:$0x1FFF0];
	_ =	sdelay $0x1  }
0x101: {  	v4 =	vld.idx.msk [tilespmem:v4+s23+$0x0], $0xffff  }
0x102: {  	v5 =	vld.idx.msk [tilespmem:v5+s23+$0x0], $0xffff  }
0x103: {  	v6 =	vld.idx.msk [tilespmem:v6+s23+$0x0], $0xffff  }
0x104: {  	v7 =	vld.idx.msk [tilespmem:v7+s23+$0x0], $0xffff  }
0x105: {  	v2 =	vld.idx.msk [tilespmem:v2+s23+$0x0], $0xffff  }
0x106: {  	v0 =	vadd.f32 v4, v0;
	v4 =	vld.idx.msk [tilespmem:v25+s23+$0x0], $0xffff  }
0x107: {  	v3 =	vld.idx.msk [tilespmem:v3+s23+$0x0], $0xffff  }
0x108: {  	v1 =	vadd.f32 v5, v1;
	v0 =	vadd.f32 v6, v0;
	v5 =	vld.idx.msk [tilespmem:v26+s23+$0x0], $0xffff  }
0x109: {  	v6 =	vld.idx.msk [tilespmem:v27+s23+$0x0], $0xffff  }
0x10a: {  	v0 =	vadd.f32 v7, v0;
	v7 =	vld.idx.msk [tilespmem:v29+s23+$0x0], $0xffff;
	v1 =	vadd.f32 v2, v1  }
0x10b: {  	v2 =	vld.idx.msk [tilespmem:v28+s23+$0x0], $0xffff  }
0x10c: {  	v0 =	vadd.f32 v4, v0;
	v4 =	vld.idx.msk [tilespmem:v31+s23+$0x0], $0xffff;
	v1 =	vadd.f32 v3, v1  }
0x10d: {  	v3 =	vld.idx.msk [tilespmem:v30+s23+$0x0], $0xffff  }
0x10e: {  	v0 =	vadd.f32 v6, v0;
	v6 =	vld.idx.msk [tilespmem:v33+s23+$0x0], $0xffff;
	v1 =	vadd.f32 v5, v1  }
0x10f: {  	v5 =	vld.idx.msk [tilespmem:v32+s23+$0x0], $0xffff  }
0x110: {  	v0 =	vadd.f32 v7, v0;
	v1 =	vadd.f32 v2, v1  }
0x111: {  	v2 =	vld.idx.msk [tilespmem:v34+s23+$0x0], $0xffff  }
0x112: {  	v0 =	vadd.f32 v4, v0;
	v1 =	vadd.f32 v3, v1;
	_ =	sdelay $0x1  }
0x113: {  	v0 =	vadd.f32 v6, v0;
	v1 =	vadd.f32 v5, v1;
	_ =	sdelay $0x1  }
0x114: {  	v0 =	vmul.f32 $9.765625000e-04, v0;
	v1 =	vadd.f32 v2, v1;
	_ =	sdelay $0x1  }
0x115: {  	v2 =	vmul.f32 v0, v0;
	v1 =	vmul.f32 $9.765625000e-04, v1;
	_ =	sdelay $0x1  }
0x116: {  	v1 =	vsub.f32 v1, v2;
	_ =	sdelay $0x1  }
0x117: {  	v1 =	vadd.f32 $9.999999960e-13, v1;
	_ =	sdelay $0x1  }
0x118: {  	v2 =	vshra.s32 v1, $0x1;
	v1 =	vmul.f32 $5.000000000e-01, v1  }
0x119: {  	v2 =	vsub.s32 $0x5F3759DF, v2  }
0x11a: {  	v3 =	vmul.f32 v2, v1;
	_ =	sdelay $0x1  }
0x11b: {  	v3 =	vmul.f32 v2, v3;
	_ =	sdelay $0x1  }
0x11c: {  	v3 =	vsub.f32 $1.500000000e+00, v3;
	_ =	sdelay $0x1  }
0x11d: {  	v2 =	vmul.f32 v2, v3;
	_ =	sdelay $0x1  }
0x11e: {  	v3 =	vmul.f32 v2, v1;
	_ =	sdelay $0x1  }
0x11f: {  	v3 =	vmul.f32 v3, v2;
	_ =	sdelay $0x1  }
0x120: {  	v3 =	vsub.f32 $1.500000000e+00, v3;
	_ =	sdelay $0x1  }
0x121: {  	v2 =	vmul.f32 v3, v2;
	_ =	sdelay $0x1  }
0x122: {  	v1 =	vmul.f32 v2, v1;
	_ =	sdelay $0x1  }
0x123: {  	v1 =	vmul.f32 v1, v2;
	_ =	sdelay $0x1  }
0x124: {  	v1 =	vsub.f32 $1.500000000e+00, v1;
	_ =	sdelay $0x1  }
0x125: {  	v1 =	vmul.f32 v1, v2;
	_ =	sdelay $0x1  }
0x126: {  	[tilespmem:$0x18C10] =	vst v1;
	v1 =	vimm.s32 $0x216;
	_ =	sdelay $0x3  }
0x127: {  	[tilespmem:$0x18C00] =	vst v0  }
0x128: {  	v57 =	vld.idx.msk [tilespmem:v1+s23+$0x0], $0xffff;
	v1 =	vimm.s32 $0x207;
	_ =	sdelay $0x1  }
0x129: {  	v0 =	vimm.s32 $0x200;
	_ =	sdelay $0x2  }
0x12a: {  	v53 =	vld.idx.msk [tilespmem:v1+s23+$0x0], $0xffff;
	v1 =	vimm.s32 $0x217;
	_ =	sdelay $0x1  }
0x12b: {  	v6 =	vld.idx.msk [tilespmem:v0+s23+$0x0], $0xffff;
	v0 =	vimm.s32 $0x210;
	_ =	sdelay $0x2  }
0x12c: {  	v52 =	vld.idx.msk [tilespmem:v1+s23+$0x0], $0xffff;
	v1 =	vimm.s32 $0x208;
	_ =	sdelay $0x1  }
0x12d: {  	v62 =	vld.idx.msk [tilespmem:v0+s23+$0x0], $0xffff;
	v0 =	vimm.s32 $0x201;
	_ =	sdelay $0x2  }
0x12e: {  	v49 =	vld.idx.msk [tilespmem:v1+s23+$0x0], $0xffff;
	v1 =	vimm.s32 $0x218;
	_ =	sdelay $0x1  }
0x12f: {  	v3 =	vld.idx.msk [tilespmem:v0+s23+$0x0], $0xffff;
	v0 =	vimm.s32 $0x211;
	_ =	sdelay $0x2  }
0x130: {  	v46 =	vld.idx.msk [tilespmem:v1+s23+$0x0], $0xffff;
	v1 =	vimm.s32 $0x209;
	_ =	sdelay $0x1  }
0x131: {  	v63 =	vld.idx.msk [tilespmem:v0+s23+$0x0], $0xffff;
	v0 =	vimm.s32 $0x202;
	_ =	sdelay $0x2  }
0x132: {  	v48 =	vld.idx.msk [tilespmem:v1+s23+$0x0], $0xffff;
	v1 =	vimm.s32 $0x219;
	_ =	sdelay $0x1  }
0x133: {  	v2 =	vld.idx.msk [tilespmem:v0+s23+$0x0], $0xffff;
	v0 =	vimm.s32 $0x212;
	_ =	sdelay $0x2  }
0x134: {  	v45 =	vld.idx.msk [tilespmem:v1+s23+$0x0], $0xffff;
	v1 =	vimm.s32 $0x20A;
	_ =	sdelay $0x1  }
0x135: {  	v60 =	vld.idx.msk [tilespmem:v0+s23+$0x0], $0xffff;
	v0 =	vimm.s32 $0x203;
	_ =	sdelay $0x2  }
0x136: {  	v40 =	vld.idx.msk [tilespmem:v1+s23+$0x0], $0xffff;
	v1 =	vimm.s32 $0x21A;
	_ =	sdelay $0x1  }
0x137: {  	v4 =	vld.idx.msk [tilespmem:v0+s23+$0x0], $0xffff;
	v0 =	vimm.s32 $0x213;
	_ =	sdelay $0x2  }
0x138: {  	v36 =	vld.idx.msk [tilespmem:v1+s23+$0x0], $0xffff;
	v1 =	vimm.s32 $0x20B;
	_ =	sdelay $0x1  }
0x139: {  	v61 =	vld.idx.msk [tilespmem:v0+s23+$0x0], $0xffff;
	v0 =	vimm.s32 $0x204  }
0x13a: {  	v14 =	vimm.s32 $0x20D;
	_ =	sdelay $0x1  }
0x13b: {  	v39 =	vld.idx.msk [tilespmem:v1+s23+$0x0], $0xffff;
	v1 =	vimm.s32 $0x21B  }
0x13c: {  	s9 =	simm.s32 $0x0  }
0x13d: {  	s11 =	sand.u32 $0x70, s9;
	s14 =	sand.u32 $0x1C00, s9;
	v5 =	vld.idx.msk [tilespmem:v0+s23+$0x0], $0xffff;
	v0 =	vimm.s32 $0x214  }
0x13e: {  	s2 =	sor.u32 s11, s14;
	v43 =	vld.idx.msk [tilespmem:v14+s23+$0x0], $0xffff;
	v14 =	vimm.s32 $0x21D  }
0x13f: {  	v8 =	vld [tilespmem:s2+$0x10280]  }
0x140: {  	v35 =	vld.idx.msk [tilespmem:v1+s23+$0x0], $0xffff;
	v1 =	vimm.s32 $0x20C  }
0x141: {  	v9 =	vld [tilespmem:s2+$0x10300]  }
0x142: {  	v59 =	vld.idx.msk [tilespmem:v0+s23+$0x0], $0xffff;
	v0 =	vimm.s32 $0x205  }
0x143: {  	v41 =	vld.idx.msk [tilespmem:v14+s23+$0x0], $0xffff;
	v14 =	vimm.s32 $0x20E  }
0x144: {  	v10 =	vld [tilespmem:s2+$0x10380]  }
0x145: {  	v38 =	vld.idx.msk [tilespmem:v1+s23+$0x0], $0xffff;
	v1 =	vimm.s32 $0x21C  }
0x146: {  	v11 =	vld [tilespmem:s2+$0x10400]  }
0x147: {  	v7 =	vld.idx.msk [tilespmem:v0+s23+$0x0], $0xffff;
	v0 =	vimm.s32 $0x215  }
0x148: {  	v44 =	vld.idx.msk [tilespmem:v14+s23+$0x0], $0xffff;
	v14 =	vimm.s32 $0x21E  }
0x149: {  	v12 =	vld [tilespmem:s2+$0x10480]  }
0x14a: {  	v37 =	vld.idx.msk [tilespmem:v1+s23+$0x0], $0xffff  }
0x14b: {  	v1 =	vld [tilespmem:s2+$0x10200]  }
0x14c: {  	v58 =	vld.idx.msk [tilespmem:v0+s23+$0x0], $0xffff;
	v0 =	vimm.s32 $0x206  }
0x14d: {  	s16 =	simm.s32 $0x18200;
	v42 =	vld.idx.msk [tilespmem:v14+s23+$0x0], $0xffff;
	v14 =	vimm.s32 $0x20F  }
0x14e: {  	v50 =	vld [tilespmem:s16+$0x0]  }
0x14f: {  	s17 =	simm.s32 $0x18600;
	v13 =	vld [tilespmem:s2+$0x10500]  }
0x150: {  	v47 =	vld [tilespmem:s17+$0x0];
	v8 =	vsub.f32 v8, v3;
	v1 =	vsub.f32 v1, v6  }
0x151: {  	v9 =	vsub.f32 v9, v2;
	v0 =	vld.idx.msk [tilespmem:v0+s23+$0x0], $0xffff  }
0x152: {  	v8 =	vmul.f32 v8, v63;
	v56 =	vld.idx.msk [tilespmem:v14+s23+$0x0], $0xffff;
	v14 =	vimm.s32 $0x21F;
	v1 =	vmul.f32 v1, v62  }
0x153: {  	v9 =	vmul.f32 v9, v60;
	v10 =	vsub.f32 v10, v4  }
0x154: {  	v8 =	vmul.f32 v8, v50;
	v11 =	vsub.f32 v11, v5;
	v1 =	vmul.f32 v1, v50  }
0x155: {  	v9 =	vmul.f32 v9, v50;
	v10 =	vmul.f32 v10, v61;
	v12 =	vsub.f32 v12, v7  }
0x156: {  	v11 =	vmul.f32 v11, v59;
	v13 =	vsub.f32 v13, v0;
	v1 =	vadd.f32 v1, v47  }
0x157: {  	v8 =	vadd.f32 v8, v47;
	v55 =	vld.idx.msk [tilespmem:v14+s23+$0x0], $0xffff;
	v10 =	vmul.f32 v10, v50;
	v12 =	vmul.f32 v12, v58  }
0x158: {  	[tilespmem:s2+$0x10200] =	vst v1;
	v1 =	vadd.f32 v9, v47;
	v9 =	vmul.f32 v11, v50;
	v11 =	vmul.f32 v13, v57  }
0x159: {  	[tilespmem:s2+$0x10280] =	vst v8;
	v8 =	vadd.f32 v10, v47;
	v10 =	vmul.f32 v12, v50  }
0x15a: {  	[tilespmem:s2+$0x10300] =	vst v1;
	v1 =	vadd.f32 v9, v47;
	v9 =	vmul.f32 v11, v50  }
0x15b: {  	s18 =	simm.s32 $0x10;
	s30 =	simm.s32 $0x18210;
	s11 =	simm.s32 $0x80;
	[tilespmem:s2+$0x10380] =	vst v8;
	v8 =	vadd.f32 v10, v47  }
0x15c: {  	s19 =	simm.s32 $0x18610;
	s29 =	sand.u32 $0x70, s18;
	s14 =	sand.u32 $0x1C00, s11;
	v54 =	vld [tilespmem:s30+$0x0];
	[tilespmem:s2+$0x10400] =	vst v1;
	v1 =	vadd.f32 v9, v47  }
0x15d: {  	s9 =	sor.u32 s9, s9;
	s3 =	sor.u32 s29, s14;
	v51 =	vld [tilespmem:s19+$0x0];
	[tilespmem:s2+$0x10480] =	vst v8  }
0x15e: {  	s9 =	sor.u32 $0x380, s9;
	v8 =	vld [tilespmem:s3+$0x10200];
	[tilespmem:s2+$0x10500] =	vst v1  }
0x15f: {  	v1 =	vld [tilespmem:s9+$0x10200]  }
0x160: {  	v14 =	vld [tilespmem:s3+$0x10500]  }
0x161: {  	v10 =	vld [tilespmem:s3+$0x10300]  }
0x162: {  	v9 =	vld [tilespmem:s3+$0x10280]  }
0x163: {  	v12 =	vld [tilespmem:s3+$0x10400];
	v8 =	vsub.f32 v8, v6  }
0x164: {  	v11 =	vld [tilespmem:s3+$0x10380];
	v1 =	vsub.f32 v1, v53  }
0x165: {  	v8 =	vmul.f32 v8, v62  }
0x166: {  	v10 =	vsub.f32 v10, v2;
	v13 =	vld [tilespmem:s3+$0x10480];
	v1 =	vmul.f32 v1, v52  }
0x167: {  	v14 =	vsub.f32 v14, v0;
	v8 =	vmul.f32 v8, v54;
	v9 =	vsub.f32 v9, v3  }
0x168: {  	v12 =	vsub.f32 v12, v5;
	v10 =	vmul.f32 v10, v60;
	v1 =	vmul.f32 v1, v50  }
0x169: {  	v8 =	vadd.f32 v8, v51;
	v11 =	vsub.f32 v11, v4;
	v9 =	vmul.f32 v9, v63  }
0x16a: {  	v12 =	vmul.f32 v12, v59;
	v10 =	vmul.f32 v10, v54;
	v1 =	vadd.f32 v1, v47  }
0x16b: {  	[tilespmem:s3+$0x10200] =	vst v8;
	v13 =	vsub.f32 v13, v7;
	v11 =	vmul.f32 v11, v61;
	v9 =	vmul.f32 v9, v54  }
0x16c: {  	v8 =	vadd.f32 v10, v51;
	v10 =	vmul.f32 v12, v54;
	v12 =	vmul.f32 v14, v57;
	[tilespmem:s9+$0x10200] =	vst v1  }
0x16d: {  	v1 =	vadd.f32 v9, v51;
	v9 =	vmul.f32 v11, v54;
	v11 =	vmul.f32 v13, v58;
	v13 =	vld [tilespmem:s2+$0x12580]  }
0x16e: {  	v14 =	vld [tilespmem:s2+$0x12200]  }
0x16f: {  	[tilespmem:s3+$0x10300] =	vst v8;
	v8 =	vadd.f32 v10, v51;
	v10 =	vmul.f32 v12, v54;
	v12 =	vld [tilespmem:s2+$0x12300]  }
0x170: {  	[tilespmem:s3+$0x10280] =	vst v1;
	v1 =	vadd.f32 v9, v51;
	v9 =	vmul.f32 v11, v54;
	v11 =	vld [tilespmem:s2+$0x12280]  }
0x171: {  	[tilespmem:s3+$0x10400] =	vst v8;
	v8 =	vadd.f32 v10, v51;
	v10 =	vld [tilespmem:s2+$0x12400]  }
0x172: {  	s20 =	simm.s32 $0x20;
	s9 =	simm.s32 $0x100;
	v17 =	vld [tilespmem:s2+$0x12480];
	[tilespmem:s3+$0x10380] =	vst v1;
	v1 =	vadd.f32 v9, v51  }
0x173: {  	s31 =	sand.u32 $0x70, s20;
	s16 =	sand.u32 $0x1C00, s9;
	v9 =	vld [tilespmem:s2+$0x12380];
	v15 =	vsub.f32 v13, v56  }
0x174: {  	s5 =	sor.u32 s11, s18;
	s17 =	sor.u32 s31, s16;
	[tilespmem:s3+$0x10480] =	vst v1;
	v1 =	vsub.f32 v14, v49  }
0x175: {  	[tilespmem:s3+$0x10500] =	vst v8;
	s16 =	sor.u32 $0x380, s5;
	v16 =	vld [tilespmem:s17+$0x10380];
	v8 =	vsub.f32 v11, v48;
	v11 =	vmul.f32 v15, v55  }
0x176: {  	v12 =	vsub.f32 v12, v40;
	v18 =	vld [tilespmem:s16+$0x10200];
	v1 =	vmul.f32 v1, v46  }
0x177: {  	v13 =	vld [tilespmem:s17+$0x10200];
	v10 =	vsub.f32 v10, v38;
	v20 =	vsub.f32 v17, v43;
	v11 =	vmul.f32 v11, v50  }
0x178: {  	v14 =	vld [tilespmem:s17+$0x10280];
	v8 =	vmul.f32 v8, v45;
	v9 =	vsub.f32 v9, v39;
	v1 =	vmul.f32 v1, v50  }
0x179: {  	v15 =	vld [tilespmem:s17+$0x10300];
	v12 =	vmul.f32 v12, v36;
	v23 =	vmul.f32 v10, v37;
	v11 =	vadd.f32 v11, v47  }
0x17a: {  	v19 =	vld [tilespmem:s17+$0x10480];
	v9 =	vmul.f32 v9, v35;
	v22 =	vmul.f32 v8, v50;
	v21 =	vadd.f32 v1, v47  }
0x17b: {  	s11 =	simm.s32 $0x18220;
	v17 =	vld [tilespmem:s17+$0x10400];
	v10 =	vmul.f32 v12, v50;
	v12 =	vmul.f32 v20, v41;
	v1 =	vsub.f32 v18, v53;
	[tilespmem:s2+$0x12580] =	vst v11  }
0x17c: {  	s18 =	simm.s32 $0x30;
	s14 =	simm.s32 $0x100;
	v8 =	vld [tilespmem:s11+$0x0];
	v18 =	vadd.f32 v22, v47;
	[tilespmem:s2+$0x12200] =	vst v21;
	v11 =	vmul.f32 v9, v50;
	v9 =	vmul.f32 v23, v50  }
.LBB2_7:
0x17d: {  	p2 =	sne.s32 s18, $0x3F0;
	v13 =	vsub.f32 v13, v6;
	v20 =	vld [tilespmem:s17+$0x10500];
	v1 =	vmul.f32 v1, v52;
	s19 =	sadd.s32 $0x10, s19;
	v12 =	vmul.f32 v12, v50;
	v21 =	vmovc v47  }
0x17e: {  	v14 =	vsub.f32 v14, v3;
	v15 =	vsub.f32 v15, v2;
	v47 =	vmovc v51;
	[tilespmem:s2+$0x12280] =	vst v18;
	v51 =	vld [tilespmem:s19+$0x0];
	v18 =	vmov v50  }
0x17f: {  	v16 =	vsub.f32 v16, v4;
	v50 =	vmovc v54;
	v13 =	vmul.f32 v13, v62;
	v1 =	vmul.f32 v1, v54;
	v22 =	vld [tilespmem:s2+$0x12500]  }
0x180: {  	v14 =	vmul.f32 v14, v63;
	v17 =	vsub.f32 v17, v5;
	v19 =	vsub.f32 v19, v7  }
0x181: {  	v15 =	vmul.f32 v15, v60;
	v13 =	vmul.f32 v13, v8;
	v1 =	vadd.f32 v1, v47;
	v54 =	vmovc v8  }
0x182: {  	v8 =	vmul.f32 v14, v54;
	v14 =	vmul.f32 v16, v61;
	v16 =	vsub.f32 v20, v0  }
0x183: {  	v17 =	vmul.f32 v17, v59;
	v15 =	vmul.f32 v15, v54;
	v13 =	vadd.f32 v13, v51;
	[tilespmem:s16+$0x10200] =	vst v1  }
0x184: {  	v1 =	vadd.f32 v8, v51;
	v8 =	vmul.f32 v14, v54;
	v14 =	vmul.f32 v19, v58;
	v19 =	vld [tilespmem:s3+$0x12580]  }
0x185: {  	v16 =	vmul.f32 v16, v57;
	[tilespmem:s17+$0x10200] =	vst v13;
	v13 =	vadd.f32 v15, v51;
	v15 =	vmul.f32 v17, v54;
	v17 =	vld [tilespmem:s3+$0x12200]  }
0x186: {  	v20 =	vsub.f32 v22, v44;
	[tilespmem:s17+$0x10280] =	vst v1;
	v1 =	vadd.f32 v8, v51;
	v8 =	vmul.f32 v14, v54;
	v14 =	vld [tilespmem:s3+$0x12280]  }
0x187: {  	v10 =	vadd.f32 v10, v21;
	[tilespmem:s17+$0x10300] =	vst v13;
	v13 =	vadd.f32 v15, v51;
	v15 =	vmul.f32 v16, v54;
	v16 =	vld [tilespmem:s3+$0x12300]  }
0x188: {  	s9 =	sadd.s32 $0x80, s9;
	v11 =	vadd.f32 v11, v21;
	v20 =	vmul.f32 v20, v42;
	[tilespmem:s17+$0x10380] =	vst v1;
	v1 =	vadd.f32 v8, v51;
	v8 =	vld [tilespmem:s3+$0x12380]  }
0x189: {  	s5 =	sand.u32 $0x70, s18;
	s16 =	sand.u32 $0x1C00, s9;
	[tilespmem:s17+$0x10400] =	vst v13;
	v15 =	vadd.f32 v15, v51;
	v22 =	vld [tilespmem:s3+$0x12400];
	v19 =	vsub.f32 v19, v56  }
0x18a: {  	v9 =	vadd.f32 v9, v21;
	s5 =	sor.u32 s5, s16;
	s16 =	sor.u32 s14, s20;
	s14 =	smov.u32 s9;
	v18 =	vmul.f32 v20, v18;
	[tilespmem:s17+$0x10480] =	vst v1;
	v1 =	vsub.f32 v17, v49;
	v17 =	vld [tilespmem:s3+$0x12480]  }
0x18b: {  	v12 =	vadd.f32 v12, v21;
	s20 =	smov.u32 s18;
	s16 =	sor.u32 $0x380, s16;
	v13 =	vld [tilespmem:s5+$0x10200];
	[tilespmem:s17+$0x10500] =	vst v15;
	v15 =	vsub.f32 v14, v48;
	v19 =	vmul.f32 v19, v55  }
0x18c: {  	v20 =	vld [tilespmem:s16+$0x10200];
	v1 =	vmul.f32 v1, v46;
	v16 =	vsub.f32 v16, v40;
	[tilespmem:s2+$0x12300] =	vst v10;
	v10 =	vadd.f32 v18, v21  }
0x18d: {  	v14 =	vld [tilespmem:s5+$0x10280];
	v18 =	vmul.f32 v15, v45;
	v8 =	vsub.f32 v8, v39;
	v19 =	vmul.f32 v19, v50;
	[tilespmem:s2+$0x12380] =	vst v11  }
.Ltmp2:
0x18e: {  	v15 =	vld [tilespmem:s5+$0x10300];
	v1 =	vmul.f32 v1, v50;
	v11 =	vmul.f32 v16, v36;
	v21 =	vsub.f32 v22, v38;
	[tilespmem:s2+$0x12400] =	vst v9;
	(pc) =	sbr.rel @p2 .LBB2_7-.Ltmp2, $4  }
0x18f: {  	v16 =	vld [tilespmem:s5+$0x10380];
	v9 =	vmul.f32 v8, v35;
	v8 =	vsub.f32 v17, v43;
	v22 =	vadd.f32 v19, v47;
	[tilespmem:s2+$0x12480] =	vst v12  }
0x190: {  	v18 =	vmul.f32 v18, v50;
	v17 =	vld [tilespmem:s5+$0x10400];
	v23 =	vadd.f32 v1, v47;
	v21 =	vmul.f32 v21, v37;
	[tilespmem:s2+$0x12500] =	vst v10;
	s2 =	smov.u32 s3;
	s3 =	smov.u32 s17;
	s17 =	smov.u32 s5  }
0x191: {  	s11 =	sadd.s32 $0x10, s11;
	v10 =	vmul.f32 v11, v50;
	v19 =	vld [tilespmem:s17+$0x10480];
	v1 =	vsub.f32 v20, v53;
	v12 =	vmul.f32 v8, v41;
	[tilespmem:s2+$0x12580] =	vst v22  }
0x192: {  	s18 =	sadd.s32 $0x10, s18;
	v18 =	vadd.f32 v18, v47;
	v11 =	vmul.f32 v9, v50;
	v8 =	vld [tilespmem:s11+$0x0];
	[tilespmem:s2+$0x12200] =	vst v23;
	v9 =	vmul.f32 v21, v50  }
0x193: {  	v13 =	vsub.f32 v13, v6;
	v20 =	vld [tilespmem:s17+$0x10500];
	s5 =	sadd.s32 $0x10, s19  }
0x194: {  	v3 =	vsub.f32 v14, v3;
	v2 =	vsub.f32 v15, v2;
	v6 =	vld [tilespmem:s5+$0x0]  }
0x195: {  	v4 =	vsub.f32 v16, v4;
	v13 =	vmul.f32 v13, v62  }
0x196: {  	v3 =	vmul.f32 v3, v63;
	v2 =	vmul.f32 v2, v60  }
0x197: {  	v5 =	vsub.f32 v17, v5;
	v4 =	vmul.f32 v4, v61;
	v13 =	vmul.f32 v13, v8  }
0x198: {  	v7 =	vsub.f32 v19, v7;
	v3 =	vmul.f32 v3, v8;
	v2 =	vmul.f32 v2, v8  }
0x199: {  	v5 =	vmul.f32 v5, v59;
	v0 =	vsub.f32 v20, v0;
	v13 =	vadd.f32 v13, v6  }
0x19a: {  	v4 =	vmul.f32 v4, v8;
	v7 =	vmul.f32 v7, v58;
	v3 =	vadd.f32 v3, v6  }
0x19b: {  	v2 =	vadd.f32 v2, v6;
	v5 =	vmul.f32 v5, v8;
	v0 =	vmul.f32 v0, v57;
	[tilespmem:s17+$0x10200] =	vst v13  }
0x19c: {  	v22 =	vadd.f32 v4, v6;
	v23 =	vmul.f32 v7, v8;
	[tilespmem:s17+$0x10280] =	vst v3  }
0x19d: {  	[tilespmem:s17+$0x10300] =	vst v2;
	v57 =	vadd.f32 v5, v6;
	v0 =	vmul.f32 v0, v8  }
0x19e: {  	[tilespmem:s17+$0x10380] =	vst v22;
	v58 =	vadd.f32 v23, v6  }
0x19f: {  	[tilespmem:s17+$0x10400] =	vst v57;
	v0 =	vadd.f32 v0, v6  }
0x1a0: {  	s29 =	sor.u32 s14, s20;
	v1 =	vmul.f32 v1, v52;
	[tilespmem:s17+$0x10480] =	vst v58  }
0x1a1: {  	s5 =	sor.u32 $0x380, s29;
	[tilespmem:s17+$0x10500] =	vst v0  }
0x1a2: {  	v1 =	vmul.f32 v1, v54;
	v0 =	vld [tilespmem:s5+$0x10200];
	_ =	sdelay $0x1  }
0x1a3: {  	v1 =	vadd.f32 v1, v51;
	_ =	sdelay $0x1  }
0x1a4: {  	v61 =	vld [tilespmem:s2+$0x12500];
	[tilespmem:s16+$0x10200] =	vst v1  }
0x1a5: {  	v1 =	vld [tilespmem:s3+$0x12580];
	v0 =	vsub.f32 v0, v53  }
0x1a6: {  	v59 =	vld [tilespmem:s3+$0x12200]  }
0x1a7: {  	v60 =	vld [tilespmem:s3+$0x12280];
	v0 =	vmul.f32 v0, v52  }
0x1a8: {  	v62 =	vld [tilespmem:s3+$0x12300]  }
0x1a9: {  	v63 =	vld [tilespmem:s3+$0x12380];
	v0 =	vmul.f32 v0, v8  }
0x1aa: {  	v4 =	vsub.f32 v61, v44  }
0x1ab: {  	v10 =	vadd.f32 v10, v47;
	v23 =	vld [tilespmem:s3+$0x12400];
	v0 =	vadd.f32 v0, v6  }
0x1ac: {  	v4 =	vmul.f32 v4, v42;
	v1 =	vsub.f32 v1, v56;
	v2 =	vsub.f32 v59, v49;
	v59 =	vld [tilespmem:s3+$0x12500]  }
0x1ad: {  	v3 =	vsub.f32 v60, v48;
	v5 =	vsub.f32 v62, v40;
	v52 =	vld [tilespmem:s3+$0x12480];
	[tilespmem:s5+$0x10200] =	vst v0  }
0x1ae: {  	v4 =	vmul.f32 v4, v50;
	v7 =	vsub.f32 v63, v39;
	v1 =	vmul.f32 v1, v55;
	v20 =	vld [tilespmem:s17+$0x12580]  }
0x1af: {  	v11 =	vadd.f32 v11, v47;
	v19 =	vmul.f32 v2, v46;
	v5 =	vmul.f32 v5, v36;
	v21 =	vld [tilespmem:s17+$0x12200]  }
0x1b0: {  	v9 =	vadd.f32 v9, v47;
	v3 =	vmul.f32 v3, v45;
	v7 =	vmul.f32 v7, v35;
	v22 =	vld [tilespmem:s17+$0x12280]  }
0x1b1: {  	v63 =	vsub.f32 v23, v38;
	v1 =	vmul.f32 v1, v54;
	v5 =	vmul.f32 v5, v54;
	v61 =	vld [tilespmem:s17+$0x12380]  }
0x1b2: {  	[tilespmem:s2+$0x12280] =	vst v18;
	v3 =	vmul.f32 v3, v54;
	v0 =	vmul.f32 v19, v54;
	v19 =	vsub.f32 v52, v43;
	v62 =	vld [tilespmem:s17+$0x12400]  }
0x1b3: {  	[tilespmem:s2+$0x12300] =	vst v10;
	v10 =	vmul.f32 v63, v37;
	v1 =	vadd.f32 v1, v51;
	v5 =	vadd.f32 v5, v51;
	v18 =	vld [tilespmem:s17+$0x12480]  }
0x1b4: {  	[tilespmem:s2+$0x12380] =	vst v11;
	v53 =	vadd.f32 v3, v51;
	v0 =	vadd.f32 v0, v51;
	v23 =	vmul.f32 v19, v41  }
0x1b5: {  	[tilespmem:s2+$0x12400] =	vst v9;
	v60 =	vld [tilespmem:s17+$0x12300];
	v2 =	vsub.f32 v20, v56;
	v56 =	vmul.f32 v12, v50;
	v57 =	vsub.f32 v21, v49  }
0x1b6: {  	[tilespmem:s3+$0x12580] =	vst v1;
	v58 =	vsub.f32 v22, v48;
	v20 =	vadd.f32 v4, v47;
	v21 =	vmul.f32 v7, v54  }
0x1b7: {  	[tilespmem:s3+$0x12280] =	vst v53;
	v22 =	vsub.f32 v59, v44;
	v48 =	vsub.f32 v61, v39;
	v2 =	vmul.f32 v2, v55  }
0x1b8: {  	[tilespmem:s3+$0x12200] =	vst v0;
	v52 =	vsub.f32 v62, v38;
	v53 =	vsub.f32 v18, v43;
	v0 =	vmul.f32 v57, v46  }
0x1b9: {  	[tilespmem:s3+$0x12300] =	vst v5;
	v1 =	vmul.f32 v58, v45;
	v3 =	vadd.f32 v56, v47;
	v2 =	vmul.f32 v2, v8  }
0x1ba: {  	v46 =	vld [tilespmem:s17+$0x12500];
	v4 =	vadd.f32 v21, v51;
	v47 =	vsub.f32 v60, v40;
	[tilespmem:s2+$0x12500] =	vst v20;
	v0 =	vmul.f32 v0, v8  }
0x1bb: {  	v7 =	vmul.f32 v22, v42;
	v1 =	vmul.f32 v1, v8;
	[tilespmem:s2+$0x12480] =	vst v3;
	v2 =	vadd.f32 v2, v6  }
0x1bc: {  	v45 =	vmul.f32 v10, v54;
	v50 =	vmul.f32 v47, v36;
	[tilespmem:s3+$0x12380] =	vst v4;
	v0 =	vadd.f32 v0, v6  }
0x1bd: {  	v49 =	vmul.f32 v7, v54;
	v3 =	vmul.f32 v48, v35;
	v1 =	vadd.f32 v1, v6;
	[tilespmem:s17+$0x12580] =	vst v2  }
0x1be: {  	v56 =	vmul.f32 v53, v41;
	v7 =	vmul.f32 v50, v8;
	[tilespmem:s17+$0x12200] =	vst v0;
	v2 =	vadd.f32 v45, v51  }
0x1bf: {  	v3 =	vmul.f32 v3, v8;
	v55 =	vsub.f32 v46, v44;
	[tilespmem:s17+$0x12280] =	vst v1;
	v0 =	vadd.f32 v49, v51  }
0x1c0: {  	v1 =	vmul.f32 v23, v54;
	v54 =	vmul.f32 v52, v37;
	v58 =	vadd.f32 v7, v6;
	[tilespmem:s3+$0x12400] =	vst v2  }
0x1c1: {  	v60 =	vmul.f32 v56, v8;
	v61 =	vadd.f32 v3, v6;
	v59 =	vmul.f32 v55, v42;
	[tilespmem:s3+$0x12500] =	vst v0  }
0x1c2: {  	v1 =	vadd.f32 v1, v51;
	v57 =	vmul.f32 v54, v8;
	[tilespmem:s17+$0x12300] =	vst v58  }
0x1c3: {  	v0 =	vadd.f32 v60, v6;
	[tilespmem:s17+$0x12380] =	vst v61;
	v62 =	vmul.f32 v59, v8  }
0x1c4: {  	[tilespmem:s3+$0x12480] =	vst v1;
	v1 =	vadd.f32 v57, v6  }
0x1c5: {  	[tilespmem:s17+$0x12480] =	vst v0;
	v63 =	vadd.f32 v62, v6  }
0x1c6: {  	s30 =	sshll.u32 s4, $0xC;
	[tilespmem:s17+$0x12400] =	vst v1  }
0x1c7: {  	s2 =	sadd.s32 s30, s15;
	[tilespmem:s17+$0x12500] =	vst v63  }
0x1c8: {  	[hbm4b:s2+s6] =	stream.linear.scatter [tilespmem:s24], [sflag:$0x5], $0x4000, $0x38;
	[tilespmem:$0x18C80] =	vst v63  }
0x1c9: {  	_ =	swait.ge [sflag:s25], $0x4000  }
0x1ca: {  	[sflag:s25] =	ssyncset.done $0x0  }
0x1cb: {  	[sflag:s25] =	ssyncadd.s32 $0xFFFFC000  }
0x1cc: {  	_ =	swait.ge [sflag:s26], $0x4000  }
0x1cd: {  	[sflag:s26] =	ssyncset.done $0x0  }
0x1ce: {  	s3 =	simm.s32 @!p1 $0x6;
	[sflag:s26] =	ssyncadd.s32 $0xFFFFC000  }
0x1cf: {  	s31 =	sadd.s32 s7, s8;
	_ =	swait.ge @!p1 [sflag:s3], $0x4000  }
0x1d0: {  	s19 =	simm.s32 $0x0;
	s17 =	simm.s32 $0x0;
	[sflag:s3] =	ssyncset.done @!p1 $0x0  }
0x1d1: {  	s2 =	sadd.s32 $0x10, s31;
	[sflag:s3] =	ssyncadd.s32 @!p1 $0xFFFFC000;
	s3 =	simm.s32 $0x0  }
.LBB2_9:
0x1d2: {  	s5 =	sshll.u32 s17, $0x2;
	s9 =	sand.u32 $0x7, s3  }
0x1d3: {  	s5 =	sand.u32 $0xFFFF8000, s5;
	s9 =	sshll.u32 s9, $0x9  }
0x1d4: {  	s5 =	sor.u32 s9, s5  }
0x1d5: {  	s9 =	sshrl.u32 s5, $0x2  }
0x1d6: {  	s16 =	sadd.s32 $0x4240, s9  }
0x1d7: {  	s5 =	sadd.s32 $0xC240, s9;
	v0 =	vld [tilespmem:s16+$0xFFFFFFC0]  }
0x1d8: {  	v1 =	vld [tilespmem:s5+$0xFFFFFFC0];
	_ =	sdelay $0x2  }
0x1d9: {  	v2 =	vld [tilespmem:s5+$0x0]  }
0x1da: {  	v3 =	vld [tilespmem:s16+$0x0]  }
0x1db: {  	v0 =	vadd.f32 v1, v0  }
0x1dc: {  	s20 =	sadd.s32 $0x14240, s9  }
0x1dd: {  	[tilespmem:s20+$0xFFFFFFC0] =	vst v0  }
0x1de: {  	v1 =	vld [tilespmem:s5+$0xFFFFFFD0]  }
0x1df: {  	v2 =	vadd.f32 v2, v3;
	v4 =	vld [tilespmem:s16+$0xFFFFFFD0];
	_ =	sdelay $0x1  }
0x1e0: {  	[tilespmem:s20+$0x0] =	vst v2  }
0x1e1: {  	v3 =	vld [tilespmem:s5+$0x10]  }
0x1e2: {  	s14 =	sadd.s32 $0x400, s5;
	v5 =	vld [tilespmem:s16+$0x10]  }
0x1e3: {  	s9 =	sadd.s32 $0x400, s16;
	v6 =	vld [tilespmem:s14+$0xFFFFFFC0];
	v1 =	vadd.f32 v1, v4  }
0x1e4: {  	v9 =	vld [tilespmem:s9+$0x0]  }
0x1e5: {  	v4 =	vld [tilespmem:s9+$0xFFFFFFC0];
	[tilespmem:s20+$0xFFFFFFD0] =	vst v1  }
0x1e6: {  	v7 =	vld [tilespmem:s5+$0xFFFFFFE0]  }
0x1e7: {  	v3 =	vadd.f32 v3, v5;
	v8 =	vld [tilespmem:s16+$0xFFFFFFE0]  }
0x1e8: {  	v5 =	vld [tilespmem:s14+$0x0]  }
0x1e9: {  	v10 =	vimm.f32 $0.0e+00;
	[tilespmem:s20+$0x10] =	vst v3  }
0x1ea: {  	v13 =	vadd.f32 v0, v10;
	v12 =	vld [tilespmem:s5+$0x20];
	v4 =	vadd.f32 v6, v4  }
0x1eb: {  	s11 =	sadd.s32 $0x400, s20;
	s18 =	sadd.s32 $0x400, s9;
	v11 =	vmul.f32 v0, v0;
	v6 =	vld [tilespmem:s16+$0x20]  }
0x1ec: {  	v0 =	vld [tilespmem:s18+$0xFFFFFFC0];
	v15 =	vmul.f32 v2, v2;
	v2 =	vadd.f32 v2, v13;
	[tilespmem:s11+$0xFFFFFFC0] =	vst v4;
	v7 =	vadd.f32 v7, v8  }
0x1ed: {  	v5 =	vadd.f32 v5, v9;
	v8 =	vadd.f32 v11, v10;
	v11 =	vmul.f32 v1, v1;
	v14 =	vld [tilespmem:s14+$0xFFFFFFD0]  }
0x1ee: {  	v2 =	vadd.f32 v4, v2;
	v13 =	vld [tilespmem:s9+$0xFFFFFFD0];
	v1 =	vadd.f32 v1, v10;
	[tilespmem:s20+$0xFFFFFFE0] =	vst v7  }
0x1ef: {  	v9 =	vadd.f32 v11, v10;
	v8 =	vadd.f32 v15, v8;
	v16 =	vld [tilespmem:s16+$0xFFFFFFF0]  }
0x1f0: {  	[tilespmem:s11+$0x0] =	vst v5;
	v11 =	vmul.f32 v3, v3;
	v6 =	vadd.f32 v12, v6;
	v12 =	vadd.f32 v3, v1;
	v15 =	vld [tilespmem:s5+$0xFFFFFFF0]  }
0x1f1: {  	v1 =	vmul.f32 v4, v4;
	v3 =	vmul.f32 v7, v7;
	v4 =	vadd.f32 v7, v10;
	v7 =	vld [tilespmem:s9+$0x10]  }
0x1f2: {  	v2 =	vadd.f32 v5, v2;
	v17 =	vadd.f32 v11, v9;
	v11 =	vld [tilespmem:s14+$0x10];
	[tilespmem:s20+$0x20] =	vst v6  }
0x1f3: {  	v1 =	vadd.f32 v1, v8;
	v8 =	vadd.f32 v14, v13;
	v18 =	vld [tilespmem:s16+$0x30]  }
0x1f4: {  	s29 =	sadd.s32 $0x400, s14;
	v9 =	vmul.f32 v5, v5;
	v3 =	vadd.f32 v3, v10;
	v13 =	vmul.f32 v6, v6;
	v19 =	vld [tilespmem:s5+$0x30]  }
0x1f5: {  	v4 =	vadd.f32 v6, v4;
	v14 =	vld [tilespmem:s29+$0xFFFFFFC0];
	[tilespmem:s11+$0xFFFFFFD0] =	vst v8;
	v6 =	vadd.f32 v15, v16  }
0x1f6: {  	v5 =	vadd.f32 v9, v1;
	v3 =	vadd.f32 v13, v3;
	v15 =	vmul.f32 v8, v8;
	v1 =	vld [tilespmem:s14+$0xFFFFFFE0]  }
0x1f7: {  	v8 =	vadd.f32 v8, v12;
	v9 =	vld [tilespmem:s9+$0xFFFFFFE0];
	v11 =	vadd.f32 v11, v7;
	v20 =	vmul.f32 v6, v6  }
0x1f8: {  	s30 =	smov.u32 s11;
	v13 =	vld [tilespmem:s29+$0x0];
	[tilespmem:s20+$0xFFFFFFF0] =	vst v6;
	v12 =	vadd.f32 v15, v17;
	v7 =	vadd.f32 v6, v10  }
0x1f9: {  	s31 =	smov.u32 s18;
	s16 =	sshll.u32 s19, $0x7;
	s5 =	simm.s32 $0x10;
	v16 =	vld [tilespmem:s18+$0x0];
	v6 =	vadd.f32 v19, v18;
	[tilespmem:s11+$0x10] =	vst v11;
	v15 =	vmul.f32 v11, v11;
	v10 =	vadd.f32 v20, v10  }
.LBB2_10:
0x1fa: {  	s5 =	sadd.s32 $0x8, s5;
	v14 =	vadd.f32 v14, v0;
	v8 =	vadd.f32 v11, v8;
	v11 =	vld [tilespmem:s9+$0x20]  }
0x1fb: {  	s18 =	sadd.s32 $0x400, s18;
	s11 =	sadd.s32 $0x400, s11;
	p1 =	slt.u32 s5, $0x38;
	v12 =	vadd.f32 v15, v12;
	v15 =	vld [tilespmem:s14+$0x20];
	[tilespmem:s20+$0x30] =	vst v6;
	v7 =	vadd.f32 v6, v7;
	v6 =	vmul.f32 v6, v6  }
0x1fc: {  	s20 =	smov.u32 s30;
	s30 =	smov.u32 s11;
	v0 =	vld [tilespmem:s18+$0xFFFFFFC0];
	[tilespmem:s11+$0xFFFFFFC0] =	vst v14;
	v17 =	vmul.f32 v14, v14;
	v1 =	vadd.f32 v1, v9  }
0x1fd: {  	v9 =	vld [tilespmem:s29+$0xFFFFFFD0];
	v6 =	vadd.f32 v6, v10  }
0x1fe: {  	v10 =	vld [tilespmem:s31+$0xFFFFFFD0];
	v13 =	vadd.f32 v13, v16;
	[tilespmem:s20+$0xFFFFFFE0] =	vst v1;
	v16 =	vmul.f32 v1, v1  }
0x1ff: {  	v2 =	vadd.f32 v14, v2;
	v18 =	vld [tilespmem:s9+$0xFFFFFFF0]  }
0x200: {  	v1 =	vadd.f32 v1, v4;
	[tilespmem:s11+$0x0] =	vst v13;
	v14 =	vmul.f32 v13, v13;
	v19 =	vld [tilespmem:s14+$0xFFFFFFF0];
	v11 =	vadd.f32 v15, v11  }
0x201: {  	v5 =	vadd.f32 v17, v5;
	v2 =	vadd.f32 v13, v2;
	v13 =	vld [tilespmem:s29+$0x10]  }
0x202: {  	v3 =	vadd.f32 v16, v3;
	v15 =	vld [tilespmem:s31+$0x10];
	[tilespmem:s20+$0x20] =	vst v11;
	v4 =	vadd.f32 v11, v1;
	v1 =	vmul.f32 v11, v11  }
0x203: {  	v5 =	vadd.f32 v14, v5;
	v9 =	vadd.f32 v9, v10;
	v17 =	vld [tilespmem:s9+$0x30];
	s9 =	smov.u32 s31;
	s31 =	smov.u32 s18  }
0x204: {  	v3 =	vadd.f32 v1, v3;
	v20 =	vld [tilespmem:s14+$0x30];
	s14 =	smov.u32 s29;
	s29 =	sadd.s32 $0x400, s29  }
.Ltmp3:
0x205: {  	v14 =	vld [tilespmem:s29+$0xFFFFFFC0];
	[tilespmem:s11+$0xFFFFFFD0] =	vst v9;
	v10 =	vmul.f32 v9, v9;
	v16 =	vadd.f32 v19, v18;
	(pc) =	sbr.rel @p1 .LBB2_10-.Ltmp3, $4  }
0x206: {  	v1 =	vld [tilespmem:s14+$0xFFFFFFE0]  }
0x207: {  	v8 =	vadd.f32 v9, v8;
	v9 =	vld [tilespmem:s9+$0xFFFFFFE0];
	v11 =	vadd.f32 v13, v15;
	[tilespmem:s20+$0xFFFFFFF0] =	vst v16;
	v18 =	vmul.f32 v16, v16  }
0x208: {  	v12 =	vadd.f32 v10, v12;
	v7 =	vadd.f32 v16, v7;
	v13 =	vld [tilespmem:s29+$0x0]  }
0x209: {  	v16 =	vld [tilespmem:s18+$0x0];
	[tilespmem:s11+$0x10] =	vst v11;
	v15 =	vmul.f32 v11, v11;
	v10 =	vadd.f32 v18, v6;
	v6 =	vadd.f32 v20, v17  }
0x20a: {  	_ =	sdelay $0x1  }
0x20b: {  	v0 =	vadd.f32 v14, v0  }
0x20c: {  	s5 =	sadd.s32 $0x400, s11  }
0x20d: {  	[tilespmem:s5+$0xFFFFFFC0] =	vst v0;
	v13 =	vadd.f32 v13, v16  }
0x20e: {  	v36 =	vld [tilespmem:s29+$0xFFFFFFD0]  }
0x20f: {  	v37 =	vld [tilespmem:s31+$0xFFFFFFD0];
	[tilespmem:s5+$0x0] =	vst v13  }
0x210: {  	v17 =	vld [tilespmem:s29+$0x10]  }
0x211: {  	v18 =	vld [tilespmem:s31+$0x10];
	_ =	sdelay $0x1  }
0x212: {  	v1 =	vadd.f32 v1, v9  }
0x213: {  	v38 =	vld [tilespmem:s9+$0x20];
	v14 =	vadd.f32 v36, v37  }
0x214: {  	v39 =	vld [tilespmem:s14+$0x20];
	[tilespmem:s30+$0xFFFFFFE0] =	vst v1  }
0x215: {  	v19 =	vld [tilespmem:s9+$0xFFFFFFF0];
	[tilespmem:s5+$0xFFFFFFD0] =	vst v14;
	v17 =	vadd.f32 v17, v18  }
0x216: {  	v40 =	vld [tilespmem:s29+$0xFFFFFFE0]  }
0x217: {  	v20 =	vld [tilespmem:s31+$0xFFFFFFE0];
	[tilespmem:s5+$0x10] =	vst v17  }
0x218: {  	v22 =	vld [tilespmem:s31+$0x20]  }
0x219: {  	v9 =	vadd.f32 v39, v38;
	v41 =	vld [tilespmem:s29+$0x20]  }
0x21a: {  	v8 =	vadd.f32 v11, v8;
	v21 =	vmul.f32 v6, v6;
	v12 =	vadd.f32 v15, v12;
	v43 =	vld [tilespmem:s14+$0xFFFFFFF0]  }
0x21b: {  	v7 =	vadd.f32 v6, v7;
	v42 =	vmul.f32 v0, v0;
	v0 =	vadd.f32 v0, v2;
	[tilespmem:s30+$0x20] =	vst v9  }
0x21c: {  	v10 =	vadd.f32 v21, v10;
	v47 =	vld [tilespmem:s9+$0x30];
	v46 =	vadd.f32 v40, v20  }
0x21d: {  	v44 =	vadd.f32 v1, v4;
	v1 =	vmul.f32 v1, v1;
	v45 =	vadd.f32 v42, v5;
	v48 =	vld [tilespmem:s14+$0x30]  }
0x21e: {  	v0 =	vadd.f32 v13, v0;
	v13 =	vmul.f32 v13, v13;
	[tilespmem:s5+$0xFFFFFFE0] =	vst v46;
	v11 =	vadd.f32 v41, v22  }
0x21f: {  	v1 =	vadd.f32 v1, v3;
	v49 =	vmul.f32 v9, v9;
	v50 =	vadd.f32 v43, v19;
	v51 =	vld [tilespmem:s31+$0xFFFFFFF0]  }
0x220: {  	v2 =	vadd.f32 v9, v44;
	v4 =	vadd.f32 v13, v45;
	v53 =	vmul.f32 v14, v14;
	v52 =	vld [tilespmem:s29+$0xFFFFFFF0];
	[tilespmem:s5+$0x20] =	vst v11  }
0x221: {  	v1 =	vadd.f32 v49, v1;
	v8 =	vadd.f32 v14, v8;
	v54 =	vmul.f32 v50, v50;
	v55 =	vld [tilespmem:s31+$0x30]  }
0x222: {  	v12 =	vadd.f32 v53, v12;
	v3 =	vadd.f32 v48, v47;
	v56 =	vld [tilespmem:s29+$0x30]  }
0x223: {  	v7 =	vadd.f32 v50, v7;
	v10 =	vadd.f32 v54, v10  }
0x224: {  	v57 =	vmul.f32 v17, v17;
	v8 =	vadd.f32 v17, v8;
	v58 =	vmul.f32 v3, v3  }
0x225: {  	v7 =	vadd.f32 v3, v7;
	v13 =	vadd.f32 v52, v51  }
0x226: {  	v12 =	vadd.f32 v57, v12;
	v10 =	vadd.f32 v58, v10;
	v59 =	vmul.f32 v46, v46  }
0x227: {  	v2 =	vadd.f32 v46, v2;
	v60 =	vmul.f32 v13, v13;
	v15 =	vadd.f32 v56, v55  }
0x228: {  	v1 =	vadd.f32 v59, v1;
	v7 =	vadd.f32 v13, v7  }
0x229: {  	v61 =	vmul.f32 v11, v11;
	v5 =	vadd.f32 v60, v10;
	v62 =	vmul.f32 v15, v15  }
0x22a: {  	v2 =	vadd.f32 v11, v2;
	v7 =	vadd.f32 v15, v7  }
0x22b: {  	s19 =	sadd.s32 $0x1, s19;
	[tilespmem:s20+$0x30] =	vst v6;
	v1 =	vadd.f32 v61, v1;
	v5 =	vadd.f32 v62, v5  }
0x22c: {  	p1 =	sne.s32 s19, $0x10;
	[tilespmem:s30+$0xFFFFFFF0] =	vst v50;
	v0 =	vadd.f32 v8, v0;
	v2 =	vadd.f32 v7, v2  }
.Ltmp4:
0x22d: {  	[tilespmem:s30+$0x30] =	vst v3;
	v63 =	vadd.f32 v12, v4;
	v1 =	vadd.f32 v5, v1;
	(pc) =	sbr.rel @p1 .LBB2_9-.Ltmp4, $4  }
0x22e: {  	[tilespmem:s5+$0xFFFFFFF0] =	vst v13;
	v0 =	vadd.f32 v2, v0  }
0x22f: {  	s31 =	sshrl.u32 s16, $0x2;
	[tilespmem:s5+$0x30] =	vst v15;
	v1 =	vadd.f32 v1, v63  }
0x230: {  	[tilespmem:s31+$0x18A00] =	vst v0  }
0x231: {  	s17 =	sadd.s32 $0x400, s17;
	s3 =	sadd.s32 $0x1, s3;
	[tilespmem:s31+$0x18A10] =	vst v1  }
0x232: {  	v0 =	vld @!p0 [tilespmem:s7+$0x30];
	_ =	sdelay $0x4  }
0x233: {  	v1 =	vshll.u32 @!p0 v0, $0x3  }
0x234: {  	v2 =	vlaneseq.u32 @!p0;
	v0 =	vand.u32 @!p0 $0x7, v0;
	v1 =	vand.u32 @!p0 $0xFFFFFFC0, v1  }
0x235: {  	v3 =	vshrl.u32 @!p0 v2, $0x3;
	v0 =	vor.u32 @!p0 v0, v1;
	v1 =	vand.u32 @!p0 $0x7, v2  }
0x236: {  	v3 =	vmul.u32 @!p0 $0x8, v3;
	v1 =	vperm.xlane @!p0 v0, v1;
	_ =	sdelay $0x1  }
0x237: {  	v1 =	vadd.s32 @!p0 v3, v1;
	_ =	sdelay $0x3  }
0x238: {  	s3 =	simm.s32 @!p0 $0x0;
	s5 =	simm.s32 @!p0 $0xC200  }
0x239: {  	v2 =	vor.u32 @!p0 $0x8, v2;
	[tilespmem:s5], [sflag:$0x2] =	stream.indirect_vreg.gather @!p0 [hbm4b:s1+s3], $0x80, v1, vm1, $0xb8;
	[tilespmem:$0x18C80] =	vst v63  }
0x23a: {  	v0 =	vperm.xlane @!p0 v0, v2;
	s5 =	simm.s32 @!p0 $0xCA00  }
0x23b: {  	[tilespmem:s5], [sflag:$0x2] =	stream.indirect_vreg.gather @!p0 [hbm4b:s10+s3], $0x80, v1, vm1, $0xb8;
	[tilespmem:$0x18C80] =	vst v63  }
0x23c: {  	v0 =	vadd.s32 @!p0 v3, v0;
	s5 =	simm.s32 @!p0 $0xD200  }
0x23d: {  	[tilespmem:s5], [sflag:$0x2] =	stream.indirect_vreg.gather @!p0 [hbm4b:s12+s3], $0x80, v1, vm1, $0xb8;
	[tilespmem:$0x18C80] =	vst v63  }
0x23e: {  	s5 =	simm.s32 @!p0 $0xDA00  }
0x23f: {  	[tilespmem:s5], [sflag:$0x2] =	stream.indirect_vreg.gather @!p0 [hbm4b:s13+s3], $0x80, v1, vm1, $0xb8;
	[tilespmem:$0x18C80] =	vst v63  }
0x240: {  	s5 =	simm.s32 @!p0 $0xE200  }
0x241: {  	[tilespmem:s5], [sflag:$0x2] =	stream.indirect_vreg.gather @!p0 [hbm4b:s1+s3], $0x80, v0, vm1, $0xb8;
	[tilespmem:$0x18C80] =	vst v63  }
0x242: {  	s5 =	simm.s32 @!p0 $0xEA00  }
0x243: {  	[tilespmem:s5], [sflag:$0x2] =	stream.indirect_vreg.gather @!p0 [hbm4b:s10+s3], $0x80, v0, vm1, $0xb8;
	[tilespmem:$0x18C80] =	vst v63  }
0x244: {  	s5 =	simm.s32 @!p0 $0xF200  }
0x245: {  	v1 =	vld [tilespmem:$0x1FEB0];
	[tilespmem:s5], [sflag:$0x2] =	stream.indirect_vreg.gather @!p0 [hbm4b:s12+s3], $0x80, v0, vm1, $0xb8  }
0x246: {  	v2 =	vld [tilespmem:$0x1FEC0];
	s5 =	sadd.s32 @!p0 $0x30, s7  }
0x247: {  	s7 =	simm.s32 @!p0 $0xFA00;
	s5 =	sadd.s32 @!p0 s8, s5  }
0x248: {  	v3 =	vld [tilespmem:$0x1FED0];
	[tilespmem:s7], [sflag:$0x2] =	stream.indirect_vreg.gather @!p0 [hbm4b:s13+s3], $0x80, v0, vm1, $0xb8  }
0x249: {  	v4 =	vld [tilespmem:$0x1FEE0];
	s5 =	sshll.u32 @!p0 s5, $0x7  }
0x24a: {  	v5 =	vld [tilespmem:$0x1FEF0];
	s7 =	simm.s32 @!p0 $0x4200;
	s5 =	sadd.s32 @!p0 s0, s5  }
0x24b: {  	v6 =	vld [tilespmem:$0x1FF00];
	[tilespmem:s7], [sflag:$0x4] =	stream.linear.gather @!p0 [hbm4b:s5+s3], $0x4000, $0x38  }
0x24c: {  	v0 =	vld.idx.msk [tilespmem:v24+s23+$0x0], $0xffff  }
0x24d: {  	v1 =	vld.idx.msk [tilespmem:v1+s23+$0x0], $0xffff  }
0x24e: {  	v2 =	vld.idx.msk [tilespmem:v2+s23+$0x0], $0xffff  }
0x24f: {  	v7 =	vld [tilespmem:$0x1FF20]  }
0x250: {  	v3 =	vld.idx.msk [tilespmem:v3+s23+$0x0], $0xffff  }
0x251: {  	v0 =	vadd.f32 $0.0e+00, v0  }
0x252: {  	v4 =	vld.idx.msk [tilespmem:v4+s23+$0x0], $0xffff  }
0x253: {  	v1 =	vadd.f32 $0.0e+00, v1;
	v0 =	vadd.f32 v2, v0;
	v2 =	vld [tilespmem:$0x1FF10]  }
0x254: {  	v5 =	vld.idx.msk [tilespmem:v5+s23+$0x0], $0xffff  }
0x255: {  	v1 =	vadd.f32 v3, v1;
	v3 =	vld [tilespmem:$0x1FF30];
	_ =	sdelay $0x1  }
0x256: {  	v6 =	vld.idx.msk [tilespmem:v6+s23+$0x0], $0xffff  }
0x257: {  	v7 =	vld.idx.msk [tilespmem:v7+s23+$0x0], $0xffff  }
0x258: {  	v0 =	vadd.f32 v4, v0;
	v4 =	vld [tilespmem:$0x1FF40]  }
0x259: {  	v1 =	vadd.f32 v5, v1;
	v5 =	vld [tilespmem:$0x1FF50]  }
0x25a: {  	v2 =	vld.idx.msk [tilespmem:v2+s23+$0x0], $0xffff  }
0x25b: {  	v0 =	vadd.f32 v6, v0;
	v6 =	vld [tilespmem:$0x1FF60]  }
0x25c: {  	v3 =	vld.idx.msk [tilespmem:v3+s23+$0x0], $0xffff  }
0x25d: {  	v0 =	vadd.f32 v7, v0;
	v7 =	vld [tilespmem:$0x1FF80];
	_ =	sdelay $0x1  }
0x25e: {  	v1 =	vadd.f32 v2, v1;
	v2 =	vld [tilespmem:$0x1FF70]  }
0x25f: {  	v4 =	vld.idx.msk [tilespmem:v4+s23+$0x0], $0xffff  }
0x260: {  	v1 =	vadd.f32 v3, v1;
	v3 =	vld [tilespmem:$0x1FF90];
	_ =	sdelay $0x1  }
0x261: {  	v5 =	vld.idx.msk [tilespmem:v5+s23+$0x0], $0xffff  }
0x262: {  	v6 =	vld.idx.msk [tilespmem:v6+s23+$0x0], $0xffff  }
0x263: {  	v7 =	vld.idx.msk [tilespmem:v7+s23+$0x0], $0xffff  }
0x264: {  	v0 =	vadd.f32 v4, v0;
	v4 =	vld [tilespmem:$0x1FFA0]  }
0x265: {  	v2 =	vld.idx.msk [tilespmem:v2+s23+$0x0], $0xffff  }
0x266: {  	v1 =	vadd.f32 v5, v1;
	v5 =	vld [tilespmem:$0x1FFB0]  }
0x267: {  	v0 =	vadd.f32 v6, v0;
	v3 =	vld.idx.msk [tilespmem:v3+s23+$0x0], $0xffff  }
0x268: {  	v6 =	vld [tilespmem:$0x1FFC0]  }
0x269: {  	v0 =	vadd.f32 v7, v0;
	v7 =	vld [tilespmem:$0x1FFE0]  }
0x26a: {  	v1 =	vadd.f32 v2, v1;
	v2 =	vld [tilespmem:$0x1FFD0];
	_ =	sdelay $0x1  }
0x26b: {  	v1 =	vadd.f32 v3, v1;
	v3 =	vld [tilespmem:$0x1FFF0];
	_ =	sdelay $0x1  }
0x26c: {  	v4 =	vld.idx.msk [tilespmem:v4+s23+$0x0], $0xffff  }
0x26d: {  	v5 =	vld.idx.msk [tilespmem:v5+s23+$0x0], $0xffff  }
0x26e: {  	v6 =	vld.idx.msk [tilespmem:v6+s23+$0x0], $0xffff  }
0x26f: {  	v7 =	vld.idx.msk [tilespmem:v7+s23+$0x0], $0xffff  }
0x270: {  	v2 =	vld.idx.msk [tilespmem:v2+s23+$0x0], $0xffff  }
0x271: {  	v0 =	vadd.f32 v4, v0;
	v4 =	vld.idx.msk [tilespmem:v25+s23+$0x0], $0xffff  }
0x272: {  	v3 =	vld.idx.msk [tilespmem:v3+s23+$0x0], $0xffff  }
0x273: {  	v1 =	vadd.f32 v5, v1;
	v0 =	vadd.f32 v6, v0;
	v5 =	vld.idx.msk [tilespmem:v26+s23+$0x0], $0xffff  }
0x274: {  	v6 =	vld.idx.msk [tilespmem:v27+s23+$0x0], $0xffff  }
0x275: {  	v0 =	vadd.f32 v7, v0;
	v7 =	vld.idx.msk [tilespmem:v29+s23+$0x0], $0xffff;
	v1 =	vadd.f32 v2, v1  }
0x276: {  	v2 =	vld.idx.msk [tilespmem:v28+s23+$0x0], $0xffff  }
0x277: {  	v0 =	vadd.f32 v4, v0;
	v4 =	vld.idx.msk [tilespmem:v31+s23+$0x0], $0xffff;
	v1 =	vadd.f32 v3, v1  }
0x278: {  	v3 =	vld.idx.msk [tilespmem:v30+s23+$0x0], $0xffff  }
0x279: {  	v0 =	vadd.f32 v6, v0;
	v6 =	vld.idx.msk [tilespmem:v33+s23+$0x0], $0xffff;
	v1 =	vadd.f32 v5, v1  }
0x27a: {  	v5 =	vld.idx.msk [tilespmem:v32+s23+$0x0], $0xffff  }
0x27b: {  	v0 =	vadd.f32 v7, v0;
	v1 =	vadd.f32 v2, v1  }
0x27c: {  	v2 =	vld.idx.msk [tilespmem:v34+s23+$0x0], $0xffff  }
0x27d: {  	v0 =	vadd.f32 v4, v0;
	v1 =	vadd.f32 v3, v1;
	_ =	sdelay $0x1  }
0x27e: {  	v0 =	vadd.f32 v6, v0;
	v1 =	vadd.f32 v5, v1;
	_ =	sdelay $0x1  }
0x27f: {  	v0 =	vmul.f32 $9.765625000e-04, v0;
	v1 =	vadd.f32 v2, v1;
	_ =	sdelay $0x1  }
0x280: {  	v2 =	vmul.f32 v0, v0;
	v1 =	vmul.f32 $9.765625000e-04, v1;
	_ =	sdelay $0x1  }
0x281: {  	v1 =	vsub.f32 v1, v2;
	_ =	sdelay $0x1  }
0x282: {  	v1 =	vadd.f32 $9.999999960e-13, v1;
	_ =	sdelay $0x1  }
0x283: {  	v2 =	vshra.s32 v1, $0x1;
	v1 =	vmul.f32 $5.000000000e-01, v1  }
0x284: {  	v2 =	vsub.s32 $0x5F3759DF, v2  }
0x285: {  	v3 =	vmul.f32 v2, v1;
	_ =	sdelay $0x1  }
0x286: {  	v3 =	vmul.f32 v2, v3;
	_ =	sdelay $0x1  }
0x287: {  	v3 =	vsub.f32 $1.500000000e+00, v3;
	_ =	sdelay $0x1  }
0x288: {  	v2 =	vmul.f32 v2, v3;
	_ =	sdelay $0x1  }
0x289: {  	v3 =	vmul.f32 v2, v1;
	_ =	sdelay $0x1  }
0x28a: {  	v3 =	vmul.f32 v3, v2;
	_ =	sdelay $0x1  }
0x28b: {  	v3 =	vsub.f32 $1.500000000e+00, v3;
	_ =	sdelay $0x1  }
0x28c: {  	v2 =	vmul.f32 v3, v2;
	_ =	sdelay $0x1  }
0x28d: {  	v1 =	vmul.f32 v2, v1;
	_ =	sdelay $0x1  }
0x28e: {  	v1 =	vmul.f32 v1, v2;
	_ =	sdelay $0x1  }
0x28f: {  	v1 =	vsub.f32 $1.500000000e+00, v1;
	_ =	sdelay $0x1  }
0x290: {  	v1 =	vmul.f32 v1, v2;
	_ =	sdelay $0x1  }
0x291: {  	[tilespmem:$0x18C10] =	vst v1;
	v1 =	vimm.s32 $0x216;
	_ =	sdelay $0x3  }
0x292: {  	[tilespmem:$0x18C00] =	vst v0  }
0x293: {  	v57 =	vld.idx.msk [tilespmem:v1+s23+$0x0], $0xffff;
	v1 =	vimm.s32 $0x207;
	_ =	sdelay $0x1  }
0x294: {  	v0 =	vimm.s32 $0x200;
	_ =	sdelay $0x2  }
0x295: {  	v53 =	vld.idx.msk [tilespmem:v1+s23+$0x0], $0xffff;
	v1 =	vimm.s32 $0x217;
	_ =	sdelay $0x1  }
0x296: {  	v6 =	vld.idx.msk [tilespmem:v0+s23+$0x0], $0xffff;
	v0 =	vimm.s32 $0x210;
	_ =	sdelay $0x2  }
0x297: {  	v52 =	vld.idx.msk [tilespmem:v1+s23+$0x0], $0xffff;
	v1 =	vimm.s32 $0x208;
	_ =	sdelay $0x1  }
0x298: {  	v62 =	vld.idx.msk [tilespmem:v0+s23+$0x0], $0xffff;
	v0 =	vimm.s32 $0x201;
	_ =	sdelay $0x2  }
0x299: {  	v49 =	vld.idx.msk [tilespmem:v1+s23+$0x0], $0xffff;
	v1 =	vimm.s32 $0x218;
	_ =	sdelay $0x1  }
0x29a: {  	v3 =	vld.idx.msk [tilespmem:v0+s23+$0x0], $0xffff;
	v0 =	vimm.s32 $0x211;
	_ =	sdelay $0x2  }
0x29b: {  	v46 =	vld.idx.msk [tilespmem:v1+s23+$0x0], $0xffff;
	v1 =	vimm.s32 $0x209;
	_ =	sdelay $0x1  }
0x29c: {  	v63 =	vld.idx.msk [tilespmem:v0+s23+$0x0], $0xffff;
	v0 =	vimm.s32 $0x202;
	_ =	sdelay $0x2  }
0x29d: {  	v48 =	vld.idx.msk [tilespmem:v1+s23+$0x0], $0xffff;
	v1 =	vimm.s32 $0x219;
	_ =	sdelay $0x1  }
0x29e: {  	v2 =	vld.idx.msk [tilespmem:v0+s23+$0x0], $0xffff;
	v0 =	vimm.s32 $0x212;
	_ =	sdelay $0x2  }
0x29f: {  	v45 =	vld.idx.msk [tilespmem:v1+s23+$0x0], $0xffff;
	v1 =	vimm.s32 $0x20A;
	_ =	sdelay $0x1  }
0x2a0: {  	v60 =	vld.idx.msk [tilespmem:v0+s23+$0x0], $0xffff;
	v0 =	vimm.s32 $0x203;
	_ =	sdelay $0x2  }
0x2a1: {  	v40 =	vld.idx.msk [tilespmem:v1+s23+$0x0], $0xffff;
	v1 =	vimm.s32 $0x21A;
	_ =	sdelay $0x1  }
0x2a2: {  	v4 =	vld.idx.msk [tilespmem:v0+s23+$0x0], $0xffff;
	v0 =	vimm.s32 $0x213;
	_ =	sdelay $0x2  }
0x2a3: {  	v36 =	vld.idx.msk [tilespmem:v1+s23+$0x0], $0xffff;
	v1 =	vimm.s32 $0x20B;
	_ =	sdelay $0x1  }
0x2a4: {  	v61 =	vld.idx.msk [tilespmem:v0+s23+$0x0], $0xffff;
	v0 =	vimm.s32 $0x204  }
0x2a5: {  	v14 =	vimm.s32 $0x20D;
	_ =	sdelay $0x1  }
0x2a6: {  	v39 =	vld.idx.msk [tilespmem:v1+s23+$0x0], $0xffff;
	v1 =	vimm.s32 $0x21B  }
0x2a7: {  	s9 =	simm.s32 $0x0  }
0x2a8: {  	s11 =	sand.u32 $0x70, s9;
	s14 =	sand.u32 $0x1C00, s9;
	v5 =	vld.idx.msk [tilespmem:v0+s23+$0x0], $0xffff;
	v0 =	vimm.s32 $0x214  }
0x2a9: {  	s7 =	sor.u32 s11, s14;
	v43 =	vld.idx.msk [tilespmem:v14+s23+$0x0], $0xffff;
	v14 =	vimm.s32 $0x21D  }
0x2aa: {  	v8 =	vld [tilespmem:s7+$0x14280]  }
0x2ab: {  	v35 =	vld.idx.msk [tilespmem:v1+s23+$0x0], $0xffff;
	v1 =	vimm.s32 $0x20C  }
0x2ac: {  	v9 =	vld [tilespmem:s7+$0x14300]  }
0x2ad: {  	v59 =	vld.idx.msk [tilespmem:v0+s23+$0x0], $0xffff;
	v0 =	vimm.s32 $0x205  }
0x2ae: {  	v41 =	vld.idx.msk [tilespmem:v14+s23+$0x0], $0xffff;
	v14 =	vimm.s32 $0x20E  }
0x2af: {  	v10 =	vld [tilespmem:s7+$0x14380]  }
0x2b0: {  	v38 =	vld.idx.msk [tilespmem:v1+s23+$0x0], $0xffff;
	v1 =	vimm.s32 $0x21C  }
0x2b1: {  	v11 =	vld [tilespmem:s7+$0x14400]  }
0x2b2: {  	v7 =	vld.idx.msk [tilespmem:v0+s23+$0x0], $0xffff;
	v0 =	vimm.s32 $0x215  }
0x2b3: {  	v44 =	vld.idx.msk [tilespmem:v14+s23+$0x0], $0xffff;
	v14 =	vimm.s32 $0x21E  }
0x2b4: {  	v12 =	vld [tilespmem:s7+$0x14480]  }
0x2b5: {  	v37 =	vld.idx.msk [tilespmem:v1+s23+$0x0], $0xffff  }
0x2b6: {  	v1 =	vld [tilespmem:s7+$0x14200]  }
0x2b7: {  	v58 =	vld.idx.msk [tilespmem:v0+s23+$0x0], $0xffff;
	v0 =	vimm.s32 $0x206  }
0x2b8: {  	s16 =	simm.s32 $0x18200;
	v42 =	vld.idx.msk [tilespmem:v14+s23+$0x0], $0xffff;
	v14 =	vimm.s32 $0x20F  }
0x2b9: {  	v50 =	vld [tilespmem:s16+$0x0]  }
0x2ba: {  	s17 =	simm.s32 $0x18600;
	v13 =	vld [tilespmem:s7+$0x14500]  }
0x2bb: {  	v47 =	vld [tilespmem:s17+$0x0];
	v8 =	vsub.f32 v8, v3;
	v1 =	vsub.f32 v1, v6  }
0x2bc: {  	v9 =	vsub.f32 v9, v2;
	v0 =	vld.idx.msk [tilespmem:v0+s23+$0x0], $0xffff  }
0x2bd: {  	v8 =	vmul.f32 v8, v63;
	v56 =	vld.idx.msk [tilespmem:v14+s23+$0x0], $0xffff;
	v14 =	vimm.s32 $0x21F;
	v1 =	vmul.f32 v1, v62  }
0x2be: {  	v9 =	vmul.f32 v9, v60;
	v10 =	vsub.f32 v10, v4  }
0x2bf: {  	v8 =	vmul.f32 v8, v50;
	v11 =	vsub.f32 v11, v5;
	v1 =	vmul.f32 v1, v50  }
0x2c0: {  	v9 =	vmul.f32 v9, v50;
	v10 =	vmul.f32 v10, v61;
	v12 =	vsub.f32 v12, v7  }
0x2c1: {  	v11 =	vmul.f32 v11, v59;
	v13 =	vsub.f32 v13, v0;
	v1 =	vadd.f32 v1, v47  }
0x2c2: {  	v8 =	vadd.f32 v8, v47;
	v55 =	vld.idx.msk [tilespmem:v14+s23+$0x0], $0xffff;
	v10 =	vmul.f32 v10, v50;
	v12 =	vmul.f32 v12, v58  }
0x2c3: {  	[tilespmem:s7+$0x14200] =	vst v1;
	v1 =	vadd.f32 v9, v47;
	v9 =	vmul.f32 v11, v50;
	v11 =	vmul.f32 v13, v57  }
0x2c4: {  	[tilespmem:s7+$0x14280] =	vst v8;
	v8 =	vadd.f32 v10, v47;
	v10 =	vmul.f32 v12, v50  }
0x2c5: {  	[tilespmem:s7+$0x14300] =	vst v1;
	v1 =	vadd.f32 v9, v47;
	v9 =	vmul.f32 v11, v50  }
0x2c6: {  	s18 =	simm.s32 $0x10;
	s30 =	simm.s32 $0x18210;
	s11 =	simm.s32 $0x80;
	[tilespmem:s7+$0x14380] =	vst v8;
	v8 =	vadd.f32 v10, v47  }
0x2c7: {  	s19 =	simm.s32 $0x18610;
	s29 =	sand.u32 $0x70, s18;
	s14 =	sand.u32 $0x1C00, s11;
	v54 =	vld [tilespmem:s30+$0x0];
	[tilespmem:s7+$0x14400] =	vst v1;
	v1 =	vadd.f32 v9, v47  }
0x2c8: {  	s9 =	sor.u32 s9, s9;
	s3 =	sor.u32 s29, s14;
	v51 =	vld [tilespmem:s19+$0x0];
	[tilespmem:s7+$0x14480] =	vst v8  }
0x2c9: {  	s9 =	sor.u32 $0x380, s9;
	v8 =	vld [tilespmem:s3+$0x14200];
	[tilespmem:s7+$0x14500] =	vst v1  }
0x2ca: {  	v1 =	vld [tilespmem:s9+$0x14200]  }
0x2cb: {  	v14 =	vld [tilespmem:s3+$0x14500]  }
0x2cc: {  	v10 =	vld [tilespmem:s3+$0x14300]  }
0x2cd: {  	v9 =	vld [tilespmem:s3+$0x14280]  }
0x2ce: {  	v12 =	vld [tilespmem:s3+$0x14400];
	v8 =	vsub.f32 v8, v6  }
0x2cf: {  	v11 =	vld [tilespmem:s3+$0x14380];
	v1 =	vsub.f32 v1, v53  }
0x2d0: {  	v8 =	vmul.f32 v8, v62  }
0x2d1: {  	v10 =	vsub.f32 v10, v2;
	v13 =	vld [tilespmem:s3+$0x14480];
	v1 =	vmul.f32 v1, v52  }
0x2d2: {  	v14 =	vsub.f32 v14, v0;
	v8 =	vmul.f32 v8, v54;
	v9 =	vsub.f32 v9, v3  }
0x2d3: {  	v12 =	vsub.f32 v12, v5;
	v10 =	vmul.f32 v10, v60;
	v1 =	vmul.f32 v1, v50  }
0x2d4: {  	v8 =	vadd.f32 v8, v51;
	v11 =	vsub.f32 v11, v4;
	v9 =	vmul.f32 v9, v63  }
0x2d5: {  	v12 =	vmul.f32 v12, v59;
	v10 =	vmul.f32 v10, v54;
	v1 =	vadd.f32 v1, v47  }
0x2d6: {  	[tilespmem:s3+$0x14200] =	vst v8;
	v13 =	vsub.f32 v13, v7;
	v11 =	vmul.f32 v11, v61;
	v9 =	vmul.f32 v9, v54  }
0x2d7: {  	v8 =	vadd.f32 v10, v51;
	v10 =	vmul.f32 v12, v54;
	v12 =	vmul.f32 v14, v57;
	[tilespmem:s9+$0x14200] =	vst v1  }
0x2d8: {  	v1 =	vadd.f32 v9, v51;
	v9 =	vmul.f32 v11, v54;
	v11 =	vmul.f32 v13, v58;
	v13 =	vld [tilespmem:s7+$0x16580]  }
0x2d9: {  	v14 =	vld [tilespmem:s7+$0x16200]  }
0x2da: {  	[tilespmem:s3+$0x14300] =	vst v8;
	v8 =	vadd.f32 v10, v51;
	v10 =	vmul.f32 v12, v54;
	v12 =	vld [tilespmem:s7+$0x16300]  }
0x2db: {  	[tilespmem:s3+$0x14280] =	vst v1;
	v1 =	vadd.f32 v9, v51;
	v9 =	vmul.f32 v11, v54;
	v11 =	vld [tilespmem:s7+$0x16280]  }
0x2dc: {  	[tilespmem:s3+$0x14400] =	vst v8;
	v8 =	vadd.f32 v10, v51;
	v10 =	vld [tilespmem:s7+$0x16400]  }
0x2dd: {  	s20 =	simm.s32 $0x20;
	s9 =	simm.s32 $0x100;
	v17 =	vld [tilespmem:s7+$0x16480];
	[tilespmem:s3+$0x14380] =	vst v1;
	v1 =	vadd.f32 v9, v51  }
0x2de: {  	s31 =	sand.u32 $0x70, s20;
	s16 =	sand.u32 $0x1C00, s9;
	v9 =	vld [tilespmem:s7+$0x16380];
	v15 =	vsub.f32 v13, v56  }
0x2df: {  	s5 =	sor.u32 s11, s18;
	s17 =	sor.u32 s31, s16;
	[tilespmem:s3+$0x14480] =	vst v1;
	v1 =	vsub.f32 v14, v49  }
0x2e0: {  	[tilespmem:s3+$0x14500] =	vst v8;
	s16 =	sor.u32 $0x380, s5;
	v16 =	vld [tilespmem:s17+$0x14380];
	v8 =	vsub.f32 v11, v48;
	v11 =	vmul.f32 v15, v55  }
0x2e1: {  	v12 =	vsub.f32 v12, v40;
	v18 =	vld [tilespmem:s16+$0x14200];
	v1 =	vmul.f32 v1, v46  }
0x2e2: {  	v13 =	vld [tilespmem:s17+$0x14200];
	v10 =	vsub.f32 v10, v38;
	v20 =	vsub.f32 v17, v43;
	v11 =	vmul.f32 v11, v50  }
0x2e3: {  	v14 =	vld [tilespmem:s17+$0x14280];
	v8 =	vmul.f32 v8, v45;
	v9 =	vsub.f32 v9, v39;
	v1 =	vmul.f32 v1, v50  }
0x2e4: {  	v15 =	vld [tilespmem:s17+$0x14300];
	v12 =	vmul.f32 v12, v36;
	v23 =	vmul.f32 v10, v37;
	v11 =	vadd.f32 v11, v47  }
0x2e5: {  	v19 =	vld [tilespmem:s17+$0x14480];
	v9 =	vmul.f32 v9, v35;
	v22 =	vmul.f32 v8, v50;
	v21 =	vadd.f32 v1, v47  }
0x2e6: {  	s11 =	simm.s32 $0x18220;
	v17 =	vld [tilespmem:s17+$0x14400];
	v10 =	vmul.f32 v12, v50;
	v12 =	vmul.f32 v20, v41;
	v1 =	vsub.f32 v18, v53;
	[tilespmem:s7+$0x16580] =	vst v11  }
0x2e7: {  	s18 =	simm.s32 $0x30;
	s14 =	simm.s32 $0x100;
	v8 =	vld [tilespmem:s11+$0x0];
	v18 =	vadd.f32 v22, v47;
	[tilespmem:s7+$0x16200] =	vst v21;
	v11 =	vmul.f32 v9, v50;
	v9 =	vmul.f32 v23, v50  }
.LBB2_13:
0x2e8: {  	p0 =	sne.s32 s18, $0x3F0;
	v13 =	vsub.f32 v13, v6;
	v20 =	vld [tilespmem:s17+$0x14500];
	v1 =	vmul.f32 v1, v52;
	s19 =	sadd.s32 $0x10, s19;
	v12 =	vmul.f32 v12, v50;
	v21 =	vmovc v47  }
0x2e9: {  	v14 =	vsub.f32 v14, v3;
	v15 =	vsub.f32 v15, v2;
	v47 =	vmovc v51;
	[tilespmem:s7+$0x16280] =	vst v18;
	v51 =	vld [tilespmem:s19+$0x0];
	v18 =	vmov v50  }
0x2ea: {  	v16 =	vsub.f32 v16, v4;
	v50 =	vmovc v54;
	v13 =	vmul.f32 v13, v62;
	v1 =	vmul.f32 v1, v54;
	v22 =	vld [tilespmem:s7+$0x16500]  }
0x2eb: {  	v14 =	vmul.f32 v14, v63;
	v17 =	vsub.f32 v17, v5;
	v19 =	vsub.f32 v19, v7  }
0x2ec: {  	v15 =	vmul.f32 v15, v60;
	v13 =	vmul.f32 v13, v8;
	v1 =	vadd.f32 v1, v47;
	v54 =	vmovc v8  }
0x2ed: {  	v8 =	vmul.f32 v14, v54;
	v14 =	vmul.f32 v16, v61;
	v16 =	vsub.f32 v20, v0  }
0x2ee: {  	v17 =	vmul.f32 v17, v59;
	v15 =	vmul.f32 v15, v54;
	v13 =	vadd.f32 v13, v51;
	[tilespmem:s16+$0x14200] =	vst v1  }
0x2ef: {  	v1 =	vadd.f32 v8, v51;
	v8 =	vmul.f32 v14, v54;
	v14 =	vmul.f32 v19, v58;
	v19 =	vld [tilespmem:s3+$0x16580]  }
0x2f0: {  	v16 =	vmul.f32 v16, v57;
	[tilespmem:s17+$0x14200] =	vst v13;
	v13 =	vadd.f32 v15, v51;
	v15 =	vmul.f32 v17, v54;
	v17 =	vld [tilespmem:s3+$0x16200]  }
0x2f1: {  	v20 =	vsub.f32 v22, v44;
	[tilespmem:s17+$0x14280] =	vst v1;
	v1 =	vadd.f32 v8, v51;
	v8 =	vmul.f32 v14, v54;
	v14 =	vld [tilespmem:s3+$0x16280]  }
0x2f2: {  	v10 =	vadd.f32 v10, v21;
	[tilespmem:s17+$0x14300] =	vst v13;
	v13 =	vadd.f32 v15, v51;
	v15 =	vmul.f32 v16, v54;
	v16 =	vld [tilespmem:s3+$0x16300]  }
0x2f3: {  	s9 =	sadd.s32 $0x80, s9;
	v11 =	vadd.f32 v11, v21;
	v20 =	vmul.f32 v20, v42;
	[tilespmem:s17+$0x14380] =	vst v1;
	v1 =	vadd.f32 v8, v51;
	v8 =	vld [tilespmem:s3+$0x16380]  }
0x2f4: {  	s5 =	sand.u32 $0x70, s18;
	s16 =	sand.u32 $0x1C00, s9;
	[tilespmem:s17+$0x14400] =	vst v13;
	v15 =	vadd.f32 v15, v51;
	v22 =	vld [tilespmem:s3+$0x16400];
	v19 =	vsub.f32 v19, v56  }
0x2f5: {  	v9 =	vadd.f32 v9, v21;
	s5 =	sor.u32 s5, s16;
	s16 =	sor.u32 s14, s20;
	s14 =	smov.u32 s9;
	v18 =	vmul.f32 v20, v18;
	[tilespmem:s17+$0x14480] =	vst v1;
	v1 =	vsub.f32 v17, v49;
	v17 =	vld [tilespmem:s3+$0x16480]  }
0x2f6: {  	v12 =	vadd.f32 v12, v21;
	s20 =	smov.u32 s18;
	s16 =	sor.u32 $0x380, s16;
	v13 =	vld [tilespmem:s5+$0x14200];
	[tilespmem:s17+$0x14500] =	vst v15;
	v15 =	vsub.f32 v14, v48;
	v19 =	vmul.f32 v19, v55  }
0x2f7: {  	v20 =	vld [tilespmem:s16+$0x14200];
	v1 =	vmul.f32 v1, v46;
	v16 =	vsub.f32 v16, v40;
	[tilespmem:s7+$0x16300] =	vst v10;
	v10 =	vadd.f32 v18, v21  }
0x2f8: {  	v14 =	vld [tilespmem:s5+$0x14280];
	v18 =	vmul.f32 v15, v45;
	v8 =	vsub.f32 v8, v39;
	v19 =	vmul.f32 v19, v50;
	[tilespmem:s7+$0x16380] =	vst v11  }
.Ltmp5:
0x2f9: {  	v15 =	vld [tilespmem:s5+$0x14300];
	v1 =	vmul.f32 v1, v50;
	v11 =	vmul.f32 v16, v36;
	v21 =	vsub.f32 v22, v38;
	[tilespmem:s7+$0x16400] =	vst v9;
	(pc) =	sbr.rel @p0 .LBB2_13-.Ltmp5, $4  }
0x2fa: {  	v16 =	vld [tilespmem:s5+$0x14380];
	v9 =	vmul.f32 v8, v35;
	v8 =	vsub.f32 v17, v43;
	v22 =	vadd.f32 v19, v47;
	[tilespmem:s7+$0x16480] =	vst v12  }
0x2fb: {  	v18 =	vmul.f32 v18, v50;
	v17 =	vld [tilespmem:s5+$0x14400];
	v23 =	vadd.f32 v1, v47;
	v21 =	vmul.f32 v21, v37;
	[tilespmem:s7+$0x16500] =	vst v10;
	s7 =	smov.u32 s3;
	s3 =	smov.u32 s17;
	s17 =	smov.u32 s5  }
0x2fc: {  	s11 =	sadd.s32 $0x10, s11;
	v10 =	vmul.f32 v11, v50;
	v19 =	vld [tilespmem:s17+$0x14480];
	v1 =	vsub.f32 v20, v53;
	v12 =	vmul.f32 v8, v41;
	[tilespmem:s7+$0x16580] =	vst v22  }
0x2fd: {  	s18 =	sadd.s32 $0x10, s18;
	v18 =	vadd.f32 v18, v47;
	v11 =	vmul.f32 v9, v50;
	v8 =	vld [tilespmem:s11+$0x0];
	[tilespmem:s7+$0x16200] =	vst v23;
	v9 =	vmul.f32 v21, v50  }
0x2fe: {  	v13 =	vsub.f32 v13, v6;
	v20 =	vld [tilespmem:s17+$0x14500];
	s5 =	sadd.s32 $0x10, s19  }
0x2ff: {  	v3 =	vsub.f32 v14, v3;
	v2 =	vsub.f32 v15, v2;
	v6 =	vld [tilespmem:s5+$0x0]  }
0x300: {  	v4 =	vsub.f32 v16, v4;
	v13 =	vmul.f32 v13, v62  }
0x301: {  	v3 =	vmul.f32 v3, v63;
	v2 =	vmul.f32 v2, v60  }
0x302: {  	v5 =	vsub.f32 v17, v5;
	v4 =	vmul.f32 v4, v61;
	v13 =	vmul.f32 v13, v8  }
0x303: {  	v7 =	vsub.f32 v19, v7;
	v3 =	vmul.f32 v3, v8;
	v2 =	vmul.f32 v2, v8  }
0x304: {  	v5 =	vmul.f32 v5, v59;
	v0 =	vsub.f32 v20, v0;
	v13 =	vadd.f32 v13, v6  }
0x305: {  	v4 =	vmul.f32 v4, v8;
	v7 =	vmul.f32 v7, v58;
	v3 =	vadd.f32 v3, v6  }
0x306: {  	v2 =	vadd.f32 v2, v6;
	v5 =	vmul.f32 v5, v8;
	v0 =	vmul.f32 v0, v57;
	[tilespmem:s17+$0x14200] =	vst v13  }
0x307: {  	v22 =	vadd.f32 v4, v6;
	v23 =	vmul.f32 v7, v8;
	[tilespmem:s17+$0x14280] =	vst v3  }
0x308: {  	[tilespmem:s17+$0x14300] =	vst v2;
	v57 =	vadd.f32 v5, v6;
	v0 =	vmul.f32 v0, v8  }
0x309: {  	[tilespmem:s17+$0x14380] =	vst v22;
	v58 =	vadd.f32 v23, v6  }
0x30a: {  	[tilespmem:s17+$0x14400] =	vst v57;
	v0 =	vadd.f32 v0, v6  }
0x30b: {  	s30 =	sor.u32 s14, s20;
	v1 =	vmul.f32 v1, v52;
	[tilespmem:s17+$0x14480] =	vst v58  }
0x30c: {  	s5 =	sor.u32 $0x380, s30;
	[tilespmem:s17+$0x14500] =	vst v0  }
0x30d: {  	v1 =	vmul.f32 v1, v54;
	v0 =	vld [tilespmem:s5+$0x14200];
	_ =	sdelay $0x1  }
0x30e: {  	v1 =	vadd.f32 v1, v51;
	_ =	sdelay $0x1  }
0x30f: {  	v61 =	vld [tilespmem:s7+$0x16500];
	[tilespmem:s16+$0x14200] =	vst v1  }
0x310: {  	v1 =	vld [tilespmem:s3+$0x16580];
	v0 =	vsub.f32 v0, v53  }
0x311: {  	v59 =	vld [tilespmem:s3+$0x16200]  }
0x312: {  	v60 =	vld [tilespmem:s3+$0x16280];
	v0 =	vmul.f32 v0, v52  }
0x313: {  	v62 =	vld [tilespmem:s3+$0x16300]  }
0x314: {  	v63 =	vld [tilespmem:s3+$0x16380];
	v0 =	vmul.f32 v0, v8  }
0x315: {  	v4 =	vsub.f32 v61, v44  }
0x316: {  	v10 =	vadd.f32 v10, v47;
	v23 =	vld [tilespmem:s3+$0x16400];
	v0 =	vadd.f32 v0, v6  }
0x317: {  	v4 =	vmul.f32 v4, v42;
	v1 =	vsub.f32 v1, v56;
	v2 =	vsub.f32 v59, v49;
	v59 =	vld [tilespmem:s3+$0x16500]  }
0x318: {  	v3 =	vsub.f32 v60, v48;
	v5 =	vsub.f32 v62, v40;
	v52 =	vld [tilespmem:s3+$0x16480];
	[tilespmem:s5+$0x14200] =	vst v0  }
0x319: {  	v4 =	vmul.f32 v4, v50;
	v7 =	vsub.f32 v63, v39;
	v1 =	vmul.f32 v1, v55;
	v20 =	vld [tilespmem:s17+$0x16580]  }
0x31a: {  	v11 =	vadd.f32 v11, v47;
	v19 =	vmul.f32 v2, v46;
	v5 =	vmul.f32 v5, v36;
	v21 =	vld [tilespmem:s17+$0x16200]  }
0x31b: {  	v9 =	vadd.f32 v9, v47;
	v3 =	vmul.f32 v3, v45;
	v7 =	vmul.f32 v7, v35;
	v22 =	vld [tilespmem:s17+$0x16280]  }
0x31c: {  	v63 =	vsub.f32 v23, v38;
	v1 =	vmul.f32 v1, v54;
	v5 =	vmul.f32 v5, v54;
	v61 =	vld [tilespmem:s17+$0x16380]  }
0x31d: {  	[tilespmem:s7+$0x16280] =	vst v18;
	v3 =	vmul.f32 v3, v54;
	v0 =	vmul.f32 v19, v54;
	v19 =	vsub.f32 v52, v43;
	v62 =	vld [tilespmem:s17+$0x16400]  }
0x31e: {  	[tilespmem:s7+$0x16300] =	vst v10;
	v10 =	vmul.f32 v63, v37;
	v1 =	vadd.f32 v1, v51;
	v5 =	vadd.f32 v5, v51;
	v18 =	vld [tilespmem:s17+$0x16480]  }
0x31f: {  	[tilespmem:s7+$0x16380] =	vst v11;
	v53 =	vadd.f32 v3, v51;
	v0 =	vadd.f32 v0, v51;
	v23 =	vmul.f32 v19, v41  }
0x320: {  	[tilespmem:s7+$0x16400] =	vst v9;
	v60 =	vld [tilespmem:s17+$0x16300];
	v2 =	vsub.f32 v20, v56;
	v56 =	vmul.f32 v12, v50;
	v57 =	vsub.f32 v21, v49  }
0x321: {  	[tilespmem:s3+$0x16580] =	vst v1;
	v58 =	vsub.f32 v22, v48;
	v20 =	vadd.f32 v4, v47;
	v21 =	vmul.f32 v7, v54  }
0x322: {  	[tilespmem:s3+$0x16280] =	vst v53;
	v22 =	vsub.f32 v59, v44;
	v48 =	vsub.f32 v61, v39;
	v2 =	vmul.f32 v2, v55  }
0x323: {  	[tilespmem:s3+$0x16200] =	vst v0;
	v52 =	vsub.f32 v62, v38;
	v53 =	vsub.f32 v18, v43;
	v0 =	vmul.f32 v57, v46  }
0x324: {  	[tilespmem:s3+$0x16300] =	vst v5;
	v1 =	vmul.f32 v58, v45;
	v3 =	vadd.f32 v56, v47;
	v2 =	vmul.f32 v2, v8  }
0x325: {  	v46 =	vld [tilespmem:s17+$0x16500];
	v4 =	vadd.f32 v21, v51;
	v47 =	vsub.f32 v60, v40;
	[tilespmem:s7+$0x16500] =	vst v20;
	v0 =	vmul.f32 v0, v8  }
0x326: {  	v7 =	vmul.f32 v22, v42;
	v1 =	vmul.f32 v1, v8;
	[tilespmem:s7+$0x16480] =	vst v3;
	v2 =	vadd.f32 v2, v6  }
0x327: {  	v45 =	vmul.f32 v10, v54;
	v50 =	vmul.f32 v47, v36;
	[tilespmem:s3+$0x16380] =	vst v4;
	v0 =	vadd.f32 v0, v6  }
0x328: {  	v49 =	vmul.f32 v7, v54;
	v3 =	vmul.f32 v48, v35;
	v1 =	vadd.f32 v1, v6;
	[tilespmem:s17+$0x16580] =	vst v2  }
0x329: {  	v56 =	vmul.f32 v53, v41;
	v7 =	vmul.f32 v50, v8;
	[tilespmem:s17+$0x16200] =	vst v0;
	v2 =	vadd.f32 v45, v51  }
0x32a: {  	v3 =	vmul.f32 v3, v8;
	v55 =	vsub.f32 v46, v44;
	[tilespmem:s17+$0x16280] =	vst v1;
	v0 =	vadd.f32 v49, v51  }
0x32b: {  	v1 =	vmul.f32 v23, v54;
	v54 =	vmul.f32 v52, v37;
	v58 =	vadd.f32 v7, v6;
	[tilespmem:s3+$0x16400] =	vst v2  }
0x32c: {  	v60 =	vmul.f32 v56, v8;
	v61 =	vadd.f32 v3, v6;
	v59 =	vmul.f32 v55, v42;
	[tilespmem:s3+$0x16500] =	vst v0  }
0x32d: {  	s4 =	sadd.s32 $0x1, s4;
	v1 =	vadd.f32 v1, v51;
	v57 =	vmul.f32 v54, v8;
	[tilespmem:s17+$0x16300] =	vst v58  }
0x32e: {  	p0 =	sne.s32 s4, $0x10;
	v0 =	vadd.f32 v60, v6;
	[tilespmem:s17+$0x16380] =	vst v61;
	v62 =	vmul.f32 v59, v8  }
.Ltmp6:
0x32f: {  	[tilespmem:s3+$0x16480] =	vst v1;
	v1 =	vadd.f32 v57, v6;
	(pc) =	sbr.rel @p0 .LBB2_2-.Ltmp6, $4  }
0x330: {  	[tilespmem:s17+$0x16480] =	vst v0;
	v63 =	vadd.f32 v62, v6  }
0x331: {  	s2 =	sshll.u32 s2, $0x7;
	s31 =	rddreg [dreg:$0x5];
	[tilespmem:s17+$0x16400] =	vst v1  }
0x332: {  	s2 =	sadd.s32 s31, s2;
	[tilespmem:s17+$0x16500] =	vst v63  }
0x333: {  	[hbm4b:s2+s6] =	stream.linear.scatter [tilespmem:s28], [sflag:$0x6], $0x4000, $0x38;
	[tilespmem:$0x18C80] =	vst v63  }
0x334: {  	s2 =	simm.s32 $0x5  }
0x335: {  	_ =	swait.ge [sflag:s2], $0x4000  }
0x336: {  	[sflag:s2] =	ssyncset.done $0x0  }
0x337: {  	s3 =	simm.s32 $0x6;
	[sflag:s2] =	ssyncadd.s32 $0xFFFFC000  }
0x338: {  	_ =	swait.ge [sflag:s3], $0x4000  }
0x339: {  	s4 =	rddreg [dreg:$0xb]  }
0x33a: {  	s31 =	rddreg [dreg:$0xa];
	s4 =	sadd.s32 $0x1, s4  }
0x33b: {  	p0 =	sne.s32 s4, s31  }
.Ltmp7:
0x33c: {  	_ = 	snop;
	(pc) =	sbr.rel @p0 .LBB2_1-.Ltmp7, $3  }
0x33d: {  	_ =	sdelay $0x1  }
0x33e: {  	[sflag:s3] =	ssyncset.done $0x0  }
0x33f: {  	[sflag:s3] =	ssyncadd.s32 $0xFFFFC000  }
0x340: {  	_ =	sfence.sel $0x180000  }
0x341: {  	[bflag:$0x0] =	sbarrier.arrive $0xFFFF  }
0x342: {  	_ =	strace $0x90000047  }
0x343: {  	s0 =	stileid.u32;
	[bflag:$0x2] =	sbarrier.arrive $0xFFFF  }
0x344: {  	p0 =	sne.s32 s0, $0x0;
	s0 =	rddreg [dreg:$0x6]  }
0x345: {  	s0 =	sadd.s32 @!p0 $0x100000, s0  }
0x346: {  	[sflag:s0] =	ssyncadd.tile.s32 @!p0 $0x1;
	_ =	shalt  }
.Lfunc_end2:
_tile_overlayer_lowered:
.L_overlay_start_2:
0x347: {  	(tag) =	ssettag $0x2  }
0x348: {  	s0 =	rddreg [dreg:$0x0];
	s2 =	stileid.u32  }
0x349: {  	s1 =	rddreg [dreg:$0x1];
	p0 =	sne.s32 s2, $0x0  }
0x34a: {  	s3 =	rddreg [dreg:$0x2];
	[bflag:$0x3] =	sbarrier.arrive $0xFFFF;
	s2 =	simm.s32 @!p0 $0x1C07  }
0x34b: {  	[timem:s3], [sflag:s2] =	dma.local @!p0 [hbm:s0], s1  }
0x34c: {  	s0 =	simm.s32 @!p0 $0x7  }
0x34d: {  	_ =	swait.ge @!p0 [sflag:s0], s1  }
0x34e: {  	s1 =	ssub.s32 @!p0 $0x0, s1;
	[sflag:s0] =	ssyncset.done @!p0 $0x0  }
0x34f: {  	[sflag:s0] =	ssyncadd.s32 @!p0 s1  }
0x350: {  	[bflag:$0x3] =	sbarrier.arrive $0xFFFF  }
0x351: {  	_ =	shalt  }

</sc_bundles>
